<compile_context>
chip_gen: v7x
topology: tpu7x:2x2x1
jax: 0.10.2.dev20260603
libtpu: 0.0.44.dev20260713+nightly
codegen_flags: <defaults>
</compile_context>

<pallas_src>
import functools

import jax
import jax.numpy as jnp
from jax import lax
from jax.experimental import pallas as pl
from jax.experimental.pallas import tpu as pltpu
from jax.experimental.pallas import tpu_sc as plsc

_B = 8
_C = 19
_S = 512 * 512
_N = _B * _S
_K = 100000
_THR = 0.7


_LN = 128
_R = _S // _LN
_RC = 1024
_NJ = _R // _RC


def _ce_body(score_ref, tgt_ref, p_ref, loss_ref):
    s = score_ref[0]
    t = tgt_ref[0]
    m = s[0]
    for c in range(1, _C):
        m = jnp.maximum(m, s[c])
    z = jnp.zeros_like(m)
    sh = jnp.zeros_like(m)
    for c in range(_C):
        d = s[c] - m
        z = z + jnp.exp(d)
        sh = jnp.where(t == c, d, sh)
    loss_ref[0] = jnp.log(z) - sh
    p_ref[0] = lax.bitcast_convert_type(jnp.exp(sh) / z, jnp.int32)


def _ce_pass(score, target):
    score4 = score.reshape(_B, _C, _R, _LN)
    tgt3 = target.reshape(_B, _R, _LN)
    p, loss = pl.pallas_call(
        _ce_body,
        grid=(_B, _NJ),
        in_specs=[
            pl.BlockSpec((1, _C, _RC, _LN), lambda b, j: (b, 0, j, 0)),
            pl.BlockSpec((1, _RC, _LN), lambda b, j: (b, j, 0)),
        ],
        out_specs=[
            pl.BlockSpec((1, _RC, _LN), lambda b, j: (b, j, 0)),
            pl.BlockSpec((1, _RC, _LN), lambda b, j: (b, j, 0)),
        ],
        out_shape=[
            jax.ShapeDtypeStruct((_B, _R, _LN), jnp.int32),
            jax.ShapeDtypeStruct((_B, _R, _LN), jnp.float32),
        ],
        compiler_params=pltpu.CompilerParams(
            dimension_semantics=("parallel", "parallel"),
            vmem_limit_bytes=100 * 1024 * 1024,
        ),
    )(score4, tgt3)
    return p.reshape(_N), loss.reshape(_N)



_NCTX = 2
_NSUB = 16
_NW = _NCTX * _NSUB
_PT = _N // _NW
_CHUNK = 8192
_NCHK = _PT // _CHUNK
_NVEC = _CHUNK // 16
_NBIN = 1024
_HW = 16 * _NBIN


def _sc_mesh():
    return plsc.VectorSubcoreMesh(
        core_axis_name="c", subcore_axis_name="s",
        num_cores=_NCTX, num_subcores=_NSUB)


def _worker_id():
    return lax.axis_index("s") * _NCTX + lax.axis_index("c")


_C07BITS = 0x3F333333

_RCHUNK = 16384
_RNCHK = _PT // _RCHUNK
_RNV4 = _RCHUNK // 16 // 4


def _make_reduce07():

    @functools.partial(
        pl.kernel,
        out_type=jax.ShapeDtypeStruct((_NW, 16), jnp.float32),
        mesh=_sc_mesh(),
        compiler_params=pltpu.CompilerParams(needs_layout_passes=False),
        scratch_types=[
            pltpu.VMEM((_RCHUNK,), jnp.int32),
            pltpu.VMEM((_RCHUNK,), jnp.int32),
            pltpu.VMEM((_RCHUNK,), jnp.float32),
            pltpu.VMEM((_RCHUNK,), jnp.float32),
            pltpu.VMEM((16,), jnp.float32),
            pltpu.SemaphoreType.DMA,
            pltpu.SemaphoreType.DMA,
        ],
    )
    def reduce_kernel(p_hbm, loss_hbm, out_hbm,
                      pch0, pch1, lch0, lch1, stage_v, sem0, sem1):
        wid = _worker_id()
        base = wid * _PT
        lane = lax.iota(jnp.int32, 16)
        zeros = jnp.zeros((16,), jnp.float32)
        pbufs, lbufs, sems = (pch0, pch1), (lch0, lch1), (sem0, sem1)

        def start(ci):
            sl = pl.ds(base + ci * _RCHUNK, _RCHUNK)
            return (pltpu.async_copy(p_hbm.at[sl], pbufs[ci % 2], sems[ci % 2]),
                    pltpu.async_copy(loss_hbm.at[sl], lbufs[ci % 2], sems[ci % 2]))

        pending = start(0)
        a_c, a_s = zeros, zeros
        for ci in range(_RNCHK):
            for h in pending:
                h.wait()
            if ci + 1 < _RNCHK:
                pending = start(ci + 1)
            pch, lch = pbufs[ci % 2], lbufs[ci % 2]

            def vbody(i, c2, pch=pch, lch=lch):
                a_c, a_s = c2
                for u in range(4):
                    off = i * 64 + u * 16
                    bits = pch[pl.ds(off, 16)]
                    lv = lch[pl.ds(off, 16)]
                    below = bits < _C07BITS
                    a_c = a_c + jnp.where(below, 1.0, 0.0)
                    a_s = a_s + jnp.where(below, lv, 0.0)
                return (a_c, a_s)

            a_c, a_s = lax.fori_loop(0, _RNV4, vbody, (a_c, a_s))

        cnt = jnp.sum(a_c)
        tot = jnp.sum(a_s)
        stage_v[...] = jnp.where(lane == 0, cnt, jnp.where(lane == 1, tot, 0.0))
        pltpu.sync_copy(stage_v, out_hbm.at[wid])

    return reduce_kernel


def _make_hist(shift, masked):

    @functools.partial(
        pl.kernel,
        out_type=jax.ShapeDtypeStruct((_NW, _NBIN), jnp.float32),
        mesh=_sc_mesh(),
        compiler_params=pltpu.CompilerParams(needs_layout_passes=False),
        scratch_types=[
            pltpu.VMEM((_CHUNK,), jnp.int32),
            pltpu.VMEM((_HW,), jnp.float32),
            pltpu.VMEM((_NBIN,), jnp.float32),
            pltpu.VMEM((16,), jnp.int32),
        ],
    )
    def hist_kernel(p_hbm, par_hbm, out_hbm, chunk_v, hist_v, fold_v, par_v):
        wid = _worker_id()
        base = wid * _PT
        pltpu.sync_copy(par_hbm, par_v)
        prefix = par_v[...][0]
        lane = lax.iota(jnp.int32, 16)
        zeros = jnp.zeros((16,), jnp.float32)
        ones = jnp.ones((16,), jnp.float32)

        def zbody(i, carry):
            hist_v[pl.ds(i * 16, 16)] = zeros
            return carry

        lax.fori_loop(0, _HW // 16, zbody, 0)

        def cbody(ci, carry):
            pltpu.sync_copy(
                p_hbm.at[pl.ds(base + ci * _CHUNK, _CHUNK)], chunk_v)

            def vbody(i, c2):
                bits = chunk_v[pl.ds(i * 16, 16)]
                bin_ = jnp.bitwise_and(
                    jnp.right_shift(bits, shift), _NBIN - 1)
                idx = bin_ + lane * _NBIN
                if masked:
                    msk = jnp.right_shift(bits, shift + 10) == prefix
                    plsc.addupdate_scatter(hist_v, [idx], ones, mask=msk)
                else:
                    plsc.addupdate_scatter(hist_v, [idx], ones)
                return c2

            lax.fori_loop(0, _NVEC, vbody, 0)
            return carry

        lax.fori_loop(0, _NCHK, cbody, 0)

        def fbody(j, carry):
            acc = zeros
            for l in range(16):
                acc = acc + hist_v[pl.ds(l * _NBIN + j * 16, 16)]
            fold_v[pl.ds(j * 16, 16)] = acc
            return carry

        lax.fori_loop(0, _NBIN // 16, fbody, 0)
        pltpu.sync_copy(fold_v, out_hbm.at[wid])

    return hist_kernel


def _make_final():

    @functools.partial(
        pl.kernel,
        out_type=jax.ShapeDtypeStruct((_NW, 16), jnp.float32),
        mesh=_sc_mesh(),
        compiler_params=pltpu.CompilerParams(needs_layout_passes=False),
        scratch_types=[
            pltpu.VMEM((_CHUNK,), jnp.int32),
            pltpu.VMEM((_CHUNK,), jnp.float32),
            pltpu.VMEM((16,), jnp.int32),
            pltpu.VMEM((16,), jnp.float32),
        ],
    )
    def final_kernel(p_hbm, loss_hbm, thr_hbm, out_hbm,
                     pch_v, lch_v, thr_v, stage_v):
        wid = _worker_id()
        base = wid * _PT
        pltpu.sync_copy(thr_hbm, thr_v)
        thr = thr_v[...][0]
        lane = lax.iota(jnp.int32, 16)
        zeros = jnp.zeros((16,), jnp.float32)

        def cbody(ci, carry):
            pltpu.sync_copy(
                p_hbm.at[pl.ds(base + ci * _CHUNK, _CHUNK)], pch_v)
            pltpu.sync_copy(
                loss_hbm.at[pl.ds(base + ci * _CHUNK, _CHUNK)], lch_v)

            def vbody(i, c2):
                a_s, a_c = c2
                pv = pch_v[pl.ds(i * 16, 16)]
                lv = lch_v[pl.ds(i * 16, 16)]
                keep = pv < thr
                a_s = a_s + jnp.where(keep, lv, 0.0)
                a_c = a_c + jnp.where(keep, 1.0, 0.0)
                return (a_s, a_c)

            return lax.fori_loop(0, _NVEC, vbody, carry)

        a_s, a_c = lax.fori_loop(0, _NCHK, cbody, (zeros, zeros))
        s = jnp.sum(a_s)
        c = jnp.sum(a_c)
        stage_v[...] = jnp.where(lane == 0, s, jnp.where(lane == 1, c, 0.0))
        pltpu.sync_copy(stage_v, out_hbm.at[wid])

    return final_kernel


@functools.lru_cache(maxsize=None)
def _sc_kernels():
    return (_make_reduce07(), _make_hist(20, False), _make_hist(10, True),
            _make_hist(0, True), _make_final())


def kernel(score, target):
    p, loss = _ce_pass(score, target)
    reduce07_fn, hist_r1, hist_r2, hist_r3, final_fn = _sc_kernels()

    aux = reduce07_fn(p, loss)
    cnt_a = jnp.sum(aux[:, 0])
    sum_a = jnp.sum(aux[:, 1])

    def fast(_):
        return sum_a / cnt_a

    def slow(_):
        rank = jnp.int32(_K)
        prefix = jnp.int32(0)
        for hist_fn in (hist_r1, hist_r2, hist_r3):
            par = jnp.full((16,), prefix, jnp.int32)
            h = hist_fn(p, par).sum(axis=0).astype(jnp.int32)
            cum = jnp.cumsum(h)
            below = cum <= rank
            b = jnp.sum(below.astype(jnp.int32))
            cb = jnp.max(jnp.where(below, cum, 0))
            rank = rank - cb
            prefix = prefix * _NBIN + b

        thr_bits = jnp.maximum(prefix, jnp.int32(_C07BITS))
        parts = final_fn(p, loss, jnp.full((16,), thr_bits, jnp.int32))
        total = jnp.sum(parts[:, 0])
        count = jnp.sum(parts[:, 1])
        return total / jnp.maximum(count, 1.0)

    return lax.cond(cnt_a > jnp.float32(_K), fast, slow, None)

# --- scband reference (transcript-rebuilt; emitter-appended) ---
"""Pipeline reference for scband-ohem-cross-entropy-47399259079228 (READ-ONLY COPY).

The authoritative reference and input builder live on the scoring server;
editing this copy changes nothing except your own understanding.
"""

import jax, jax.numpy as jnp
import numpy as np

IGNORE_LABEL = -1
THRESH = 0.7
MIN_KEPT = 100000


def setup_inputs(seed: int = 0) -> dict:
    key = jax.random.key(seed)
    k1, k2 = jax.random.split(key)
    score = jax.random.normal(k1, (8, 19, 512, 512), dtype=jnp.float32)
    target = jax.random.randint(k2, (8, 512, 512), 0, 19)
    return {"score": score, "target": target}


def reference(score, target):
    # num_classes=1 -> score wrapped in a list, only _ohem_forward applies with weight 1.
    # Spatial sizes match (ph==h, pw==w) so no bilinear interpolation is needed.
    mask = target.reshape(-1) != IGNORE_LABEL
    tmp_target = jnp.where(target == IGNORE_LABEL, 0, target)

    pred_sm = jax.nn.softmax(score, axis=1)
    logp = jax.nn.log_softmax(score, axis=1)
    # per-pixel cross entropy, reduction='none'
    pixel_losses = -jnp.take_along_axis(logp, tmp_target[:, None, :, :], axis=1).reshape(-1)
    # predicted probability of the target class per pixel
    pred_g = jnp.take_along_axis(pred_sm, tmp_target[:, None, :, :], axis=1).reshape(-1)

    pred_key = jnp.where(mask, pred_g, jnp.inf)
    order = jnp.argsort(pred_key)
    pred_sorted = pred_key[order]
    losses_sorted = pixel_losses[order]
    mask_sorted = mask[order]

    num_valid = jnp.sum(mask)
    k = jnp.minimum(MIN_KEPT, num_valid - 1)
    min_value = pred_sorted[k]
    threshold = jnp.maximum(min_value, THRESH)

    keep = ((pred_sorted < threshold) & mask_sorted).astype(jnp.float32)
    ohem_loss = jnp.sum(losses_sorted * keep) / jnp.maximum(jnp.sum(keep), 1.0)

    losses = jnp.expand_dims(ohem_loss, 0)
    return jnp.mean(losses)

if __name__ == "__main__":
    import jax
    _d = setup_inputs()
    print(jax.jit(kernel)(*tuple(_d.values())))

</pallas_src>

<mosaic_0001>
#map = affine_map<(d0, d1) -> (0)>
#map1 = affine_map<(d0, d1) -> (0, 0)>
module attributes {stable_mosaic.version = 14 : i64} {
  func.func @hist_kernel(%arg0: i32, %arg1: i32, %arg2: memref<2097152xi32, #tpu.memory_space<hbm>>, %arg3: memref<16xi32, #tpu.memory_space<hbm>>, %arg4: memref<32x1024xf32, #tpu.memory_space<hbm>>, %arg5: memref<8192xi32, #tpu.memory_space<vmem>>, %arg6: memref<16384xf32, #tpu.memory_space<vmem>>, %arg7: memref<1024xf32, #tpu.memory_space<vmem>>, %arg8: memref<16xi32, #tpu.memory_space<vmem>>) attributes {dimension_semantics = [#tpu.dimension_semantics<core_parallel>, #tpu.dimension_semantics<subcore_parallel>], iteration_bounds = array<i64: 2, 16>, scalar_prefetch = 0 : i64, scratch_operands = 4 : i64, tpu.core_type = #tpu.core_type<sc_vector_subcore>, window_params = [{transform_indices = #map}, {transform_indices = #map}, {transform_indices = #map1}]} {
    %mul3A = arith.constant 2 : i32
    %mul3A_0 = arith.muli %arg1, %mul3A : i32
    %add3A = arith.addi %mul3A_0, %arg0 : i32
    %mul3A_1 = arith.constant 65536 : i32
    %mul3A_2 = arith.muli %add3A, %mul3A_1 : i32
    "tpu.region"() ({
      %run_scoped3A = tpu.sem_alloc : memref<!tpu.dma_semaphore, #tpu.memory_space<semaphore_mem>>
      tpu.enqueue_dma source(%arg3 : memref<16xi32, #tpu.memory_space<hbm>>) target(%arg8 : memref<16xi32, #tpu.memory_space<vmem>>) target_semaphore(%run_scoped3A : memref<!tpu.dma_semaphore, #tpu.memory_space<semaphore_mem>>)
      tpu.wait_dma2 semaphore(%run_scoped3A : memref<!tpu.dma_semaphore, #tpu.memory_space<semaphore_mem>>) src(%arg3 : memref<16xi32, #tpu.memory_space<hbm>>) dst(%arg8 : memref<16xi32, #tpu.memory_space<vmem>>)
      tpu.yield
    }) : () -> ()
    %get3A = arith.constant 0 : index
    %get3A_3 = tpu.vector_load %arg8[%get3A] {strides = array<i32>} : memref<16xi32, #tpu.memory_space<vmem>>, vector<16xi32>,
    %slice3A = vector.extract_strided_slice %get3A_3 {offsets = [0], sizes = [1], strides = [1]} : vector<16xi32> to vector<1xi32>
    %squeeze3A = vector.extract %slice3A[0] : i32 from vector<1xi32>
    %iota3A = tpu.iota {dimensions = array<i32: 0>} : vector<16xi32>
    %broadcast_in_dim3A = arith.constant 0.000000e+00 : f32
    %broadcast_in_dim3A_4 = vector.broadcast %broadcast_in_dim3A : f32 to vector<16xf32>
    %broadcast_in_dim3A_5 = arith.constant 1.000000e+00 : f32
    %broadcast_in_dim3A_6 = vector.broadcast %broadcast_in_dim3A_5 : f32 to vector<16xf32>
    %scan3A = arith.constant 0 : i32
    %scan3A_7 = arith.constant 0 : i32
    %scan3A_8 = arith.constant 1024 : i32
    %scan3A_9 = arith.addi %scan3A_7, %scan3A_8 : i32
    %scan3A_10 = arith.constant 1 : i32
    scf.for %scan3A_24 = %scan3A_7 to %scan3A_9 step %scan3A_10  : i32 {
      %mul3A_25 = arith.constant 16 : i32
      %mul3A_26 = arith.muli %scan3A_24, %mul3A_25 : i32
      %swap3A = arith.index_cast %mul3A_26 : i32 to index
      %swap3A_27 = tpu.vector_load %arg6[%swap3A] {strides = array<i32>} : memref<16384xf32, #tpu.memory_space<vmem>>, vector<16xf32>,
      tpu.vector_store %arg6[%swap3A], %broadcast_in_dim3A_4 {strides = array<i32>} : memref<16384xf32, #tpu.memory_space<vmem>>, vector<16xf32>,
    }
    %scan3A_11 = arith.constant 1024 : i32
    %scan3A_12 = arith.constant 0 : i32
    %scan3A_13 = arith.constant 0 : i32
    %scan3A_14 = arith.constant 8 : i32
    %scan3A_15 = arith.addi %scan3A_13, %scan3A_14 : i32
    %scan3A_16 = arith.constant 1 : i32
    scf.for %scan3A_24 = %scan3A_13 to %scan3A_15 step %scan3A_16  : i32 {
      %mul3A_25 = arith.constant 8192 : i32
      %mul3A_26 = arith.muli %scan3A_24, %mul3A_25 : i32
      %add3A_27 = arith.addi %mul3A_2, %mul3A_26 : i32
      "tpu.region"() ({
        %run_scoped3A = tpu.sem_alloc : memref<!tpu.dma_semaphore, #tpu.memory_space<semaphore_mem>>
        %dma_start3A = tpu.memref_slice %arg2[%add3A_27] : memref<2097152xi32, #tpu.memory_space<hbm>> -> memref<8192xi32, #tpu.memory_space<hbm>>
        %dma_start3A_34 = tpu.memref_slice %arg2[%add3A_27] : memref<2097152xi32, #tpu.memory_space<hbm>> -> memref<8192xi32, #tpu.memory_space<hbm>>
        tpu.enqueue_dma source(%dma_start3A_34 : memref<8192xi32, #tpu.memory_space<hbm>>) target(%arg5 : memref<8192xi32, #tpu.memory_space<vmem>>) target_semaphore(%run_scoped3A : memref<!tpu.dma_semaphore, #tpu.memory_space<semaphore_mem>>)
        %dma_wait3A = tpu.memref_slice %arg2[%add3A_27] : memref<2097152xi32, #tpu.memory_space<hbm>> -> memref<8192xi32, #tpu.memory_space<hbm>>
        %dma_wait3A_35 = tpu.memref_slice %arg2[%add3A_27] : memref<2097152xi32, #tpu.memory_space<hbm>> -> memref<8192xi32, #tpu.memory_space<hbm>>
        tpu.wait_dma2 semaphore(%run_scoped3A : memref<!tpu.dma_semaphore, #tpu.memory_space<semaphore_mem>>) src(%dma_wait3A_35 : memref<8192xi32, #tpu.memory_space<hbm>>) dst(%arg5 : memref<8192xi32, #tpu.memory_space<vmem>>)
        tpu.yield
      }) : () -> ()
      %scan3A_28 = arith.constant 0 : i32
      %scan3A_29 = arith.constant 0 : i32
      %scan3A_30 = arith.constant 512 : i32
      %scan3A_31 = arith.addi %scan3A_29, %scan3A_30 : i32
      %scan3A_32 = arith.constant 1 : i32
      scf.for %scan3A_34 = %scan3A_29 to %scan3A_31 step %scan3A_32  : i32 {
        %mul3A_35 = arith.constant 16 : i32
        %mul3A_36 = arith.muli %scan3A_34, %mul3A_35 : i32
        %get3A_37 = arith.index_cast %mul3A_36 : i32 to index
        %get3A_38 = tpu.vector_load %arg5[%get3A_37] {strides = array<i32>} : memref<8192xi32, #tpu.memory_space<vmem>>, vector<16xi32>,
        %shift_right_arithmetic3A = arith.constant 0 : i32
        %shift_right_arithmetic3A_39 = vector.broadcast %shift_right_arithmetic3A : i32 to vector<16xi32>
        %shift_right_arithmetic3A_40 = arith.shrsi %get3A_38, %shift_right_arithmetic3A_39 : vector<16xi32>
        %and3A = arith.constant 1023 : i32
        %and3A_41 = vector.broadcast %and3A : i32 to vector<16xi32>
        %and3A_42 = arith.andi %shift_right_arithmetic3A_40, %and3A_41 : vector<16xi32>
        %mul3A_43 = arith.constant 1024 : i32
        %mul3A_44 = vector.broadcast %mul3A_43 : i32 to vector<16xi32>
        %mul3A_45 = arith.muli %iota3A, %mul3A_44 : vector<16xi32>
        %add3A_46 = arith.addi %and3A_42, %mul3A_45 : vector<16xi32>
        %shift_right_arithmetic3A_47 = arith.constant 10 : i32
        %shift_right_arithmetic3A_48 = vector.broadcast %shift_right_arithmetic3A_47 : i32 to vector<16xi32>
        %shift_right_arithmetic3A_49 = arith.shrsi %get3A_38, %shift_right_arithmetic3A_48 : vector<16xi32>
        %eq3A = vector.broadcast %squeeze3A : i32 to vector<16xi32>
        %eq3A_50 = arith.cmpi eq, %shift_right_arithmetic3A_49, %eq3A : vector<16xi32>
        tpu.vector_store_idx %arg6[%add3A_46], %broadcast_in_dim3A_6 masked %eq3A_50 {add = true} : memref<16384xf32, #tpu.memory_space<vmem>>[vector<16xi32>], vector<16xf32>, vector<16xi1>
      }
      %scan3A_33 = arith.constant 512 : i32
    }
    %scan3A_17 = arith.constant 8 : i32
    %scan3A_18 = arith.constant 0 : i32
    %scan3A_19 = arith.constant 0 : i32
    %scan3A_20 = arith.constant 64 : i32
    %scan3A_21 = arith.addi %scan3A_19, %scan3A_20 : i32
    %scan3A_22 = arith.constant 1 : i32
    scf.for %scan3A_24 = %scan3A_19 to %scan3A_21 step %scan3A_22  : i32 {
      %mul3A_25 = arith.constant 16 : i32
      %mul3A_26 = arith.muli %scan3A_24, %mul3A_25 : i32
      %add3A_27 = arith.constant 0 : i32
      %add3A_28 = arith.addi %add3A_27, %mul3A_26 : i32
      %get3A_29 = arith.index_cast %add3A_28 : i32 to index
      %get3A_30 = tpu.vector_load %arg6[%get3A_29] {strides = array<i32>} : memref<16384xf32, #tpu.memory_space<vmem>>, vector<16xf32>,
      %add3A_31 = arith.addf %broadcast_in_dim3A_4, %get3A_30 : vector<16xf32>
      %mul3A_32 = arith.constant 16 : i32
      %mul3A_33 = arith.muli %scan3A_24, %mul3A_32 : i32
      %add3A_34 = arith.constant 1024 : i32
      %add3A_35 = arith.addi %add3A_34, %mul3A_33 : i32
      %get3A_36 = arith.index_cast %add3A_35 : i32 to index
      %get3A_37 = tpu.vector_load %arg6[%get3A_36] {strides = array<i32>} : memref<16384xf32, #tpu.memory_space<vmem>>, vector<16xf32>,
      %add3A_38 = arith.addf %add3A_31, %get3A_37 : vector<16xf32>
      %mul3A_39 = arith.constant 16 : i32
      %mul3A_40 = arith.muli %scan3A_24, %mul3A_39 : i32
      %add3A_41 = arith.constant 2048 : i32
      %add3A_42 = arith.addi %add3A_41, %mul3A_40 : i32
      %get3A_43 = arith.index_cast %add3A_42 : i32 to index
      %get3A_44 = tpu.vector_load %arg6[%get3A_43] {strides = array<i32>} : memref<16384xf32, #tpu.memory_space<vmem>>, vector<16xf32>,
      %add3A_45 = arith.addf %add3A_38, %get3A_44 : vector<16xf32>
      %mul3A_46 = arith.constant 16 : i32
      %mul3A_47 = arith.muli %scan3A_24, %mul3A_46 : i32
      %add3A_48 = arith.constant 3072 : i32
      %add3A_49 = arith.addi %add3A_48, %mul3A_47 : i32
      %get3A_50 = arith.index_cast %add3A_49 : i32 to index
      %get3A_51 = tpu.vector_load %arg6[%get3A_50] {strides = array<i32>} : memref<16384xf32, #tpu.memory_space<vmem>>, vector<16xf32>,
      %add3A_52 = arith.addf %add3A_45, %get3A_51 : vector<16xf32>
      %mul3A_53 = arith.constant 16 : i32
      %mul3A_54 = arith.muli %scan3A_24, %mul3A_53 : i32
      %add3A_55 = arith.constant 4096 : i32
      %add3A_56 = arith.addi %add3A_55, %mul3A_54 : i32
      %get3A_57 = arith.index_cast %add3A_56 : i32 to index
      %get3A_58 = tpu.vector_load %arg6[%get3A_57] {strides = array<i32>} : memref<16384xf32, #tpu.memory_space<vmem>>, vector<16xf32>,
      %add3A_59 = arith.addf %add3A_52, %get3A_58 : vector<16xf32>
      %mul3A_60 = arith.constant 16 : i32
      %mul3A_61 = arith.muli %scan3A_24, %mul3A_60 : i32
      %add3A_62 = arith.constant 5120 : i32
      %add3A_63 = arith.addi %add3A_62, %mul3A_61 : i32
      %get3A_64 = arith.index_cast %add3A_63 : i32 to index
      %get3A_65 = tpu.vector_load %arg6[%get3A_64] {strides = array<i32>} : memref<16384xf32, #tpu.memory_space<vmem>>, vector<16xf32>,
      %add3A_66 = arith.addf %add3A_59, %get3A_65 : vector<16xf32>
      %mul3A_67 = arith.constant 16 : i32
      %mul3A_68 = arith.muli %scan3A_24, %mul3A_67 : i32
      %add3A_69 = arith.constant 6144 : i32
      %add3A_70 = arith.addi %add3A_69, %mul3A_68 : i32
      %get3A_71 = arith.index_cast %add3A_70 : i32 to index
      %get3A_72 = tpu.vector_load %arg6[%get3A_71] {strides = array<i32>} : memref<16384xf32, #tpu.memory_space<vmem>>, vector<16xf32>,
      %add3A_73 = arith.addf %add3A_66, %get3A_72 : vector<16xf32>
      %mul3A_74 = arith.constant 16 : i32
      %mul3A_75 = arith.muli %scan3A_24, %mul3A_74 : i32
      %add3A_76 = arith.constant 7168 : i32
      %add3A_77 = arith.addi %add3A_76, %mul3A_75 : i32
      %get3A_78 = arith.index_cast %add3A_77 : i32 to index
      %get3A_79 = tpu.vector_load %arg6[%get3A_78] {strides = array<i32>} : memref<16384xf32, #tpu.memory_space<vmem>>, vector<16xf32>,
      %add3A_80 = arith.addf %add3A_73, %get3A_79 : vector<16xf32>
      %mul3A_81 = arith.constant 16 : i32
      %mul3A_82 = arith.muli %scan3A_24, %mul3A_81 : i32
      %add3A_83 = arith.constant 8192 : i32
      %add3A_84 = arith.addi %add3A_83, %mul3A_82 : i32
      %get3A_85 = arith.index_cast %add3A_84 : i32 to index
      %get3A_86 = tpu.vector_load %arg6[%get3A_85] {strides = array<i32>} : memref<16384xf32, #tpu.memory_space<vmem>>, vector<16xf32>,
      %add3A_87 = arith.addf %add3A_80, %get3A_86 : vector<16xf32>
      %mul3A_88 = arith.constant 16 : i32
      %mul3A_89 = arith.muli %scan3A_24, %mul3A_88 : i32
      %add3A_90 = arith.constant 9216 : i32
      %add3A_91 = arith.addi %add3A_90, %mul3A_89 : i32
      %get3A_92 = arith.index_cast %add3A_91 : i32 to index
      %get3A_93 = tpu.vector_load %arg6[%get3A_92] {strides = array<i32>} : memref<16384xf32, #tpu.memory_space<vmem>>, vector<16xf32>,
      %add3A_94 = arith.addf %add3A_87, %get3A_93 : vector<16xf32>
      %mul3A_95 = arith.constant 16 : i32
      %mul3A_96 = arith.muli %scan3A_24, %mul3A_95 : i32
      %add3A_97 = arith.constant 10240 : i32
      %add3A_98 = arith.addi %add3A_97, %mul3A_96 : i32
      %get3A_99 = arith.index_cast %add3A_98 : i32 to index
      %get3A_100 = tpu.vector_load %arg6[%get3A_99] {strides = array<i32>} : memref<16384xf32, #tpu.memory_space<vmem>>, vector<16xf32>,
      %add3A_101 = arith.addf %add3A_94, %get3A_100 : vector<16xf32>
      %mul3A_102 = arith.constant 16 : i32
      %mul3A_103 = arith.muli %scan3A_24, %mul3A_102 : i32
      %add3A_104 = arith.constant 11264 : i32
      %add3A_105 = arith.addi %add3A_104, %mul3A_103 : i32
      %get3A_106 = arith.index_cast %add3A_105 : i32 to index
      %get3A_107 = tpu.vector_load %arg6[%get3A_106] {strides = array<i32>} : memref<16384xf32, #tpu.memory_space<vmem>>, vector<16xf32>,
      %add3A_108 = arith.addf %add3A_101, %get3A_107 : vector<16xf32>
      %mul3A_109 = arith.constant 16 : i32
      %mul3A_110 = arith.muli %scan3A_24, %mul3A_109 : i32
      %add3A_111 = arith.constant 12288 : i32
      %add3A_112 = arith.addi %add3A_111, %mul3A_110 : i32
      %get3A_113 = arith.index_cast %add3A_112 : i32 to index
      %get3A_114 = tpu.vector_load %arg6[%get3A_113] {strides = array<i32>} : memref<16384xf32, #tpu.memory_space<vmem>>, vector<16xf32>,
      %add3A_115 = arith.addf %add3A_108, %get3A_114 : vector<16xf32>
      %mul3A_116 = arith.constant 16 : i32
      %mul3A_117 = arith.muli %scan3A_24, %mul3A_116 : i32
      %add3A_118 = arith.constant 13312 : i32
      %add3A_119 = arith.addi %add3A_118, %mul3A_117 : i32
      %get3A_120 = arith.index_cast %add3A_119 : i32 to index
      %get3A_121 = tpu.vector_load %arg6[%get3A_120] {strides = array<i32>} : memref<16384xf32, #tpu.memory_space<vmem>>, vector<16xf32>,
      %add3A_122 = arith.addf %add3A_115, %get3A_121 : vector<16xf32>
      %mul3A_123 = arith.constant 16 : i32
      %mul3A_124 = arith.muli %scan3A_24, %mul3A_123 : i32
      %add3A_125 = arith.constant 14336 : i32
      %add3A_126 = arith.addi %add3A_125, %mul3A_124 : i32
      %get3A_127 = arith.index_cast %add3A_126 : i32 to index
      %get3A_128 = tpu.vector_load %arg6[%get3A_127] {strides = array<i32>} : memref<16384xf32, #tpu.memory_space<vmem>>, vector<16xf32>,
      %add3A_129 = arith.addf %add3A_122, %get3A_128 : vector<16xf32>
      %mul3A_130 = arith.constant 16 : i32
      %mul3A_131 = arith.muli %scan3A_24, %mul3A_130 : i32
      %add3A_132 = arith.constant 15360 : i32
      %add3A_133 = arith.addi %add3A_132, %mul3A_131 : i32
      %get3A_134 = arith.index_cast %add3A_133 : i32 to index
      %get3A_135 = tpu.vector_load %arg6[%get3A_134] {strides = array<i32>} : memref<16384xf32, #tpu.memory_space<vmem>>, vector<16xf32>,
      %add3A_136 = arith.addf %add3A_129, %get3A_135 : vector<16xf32>
      %mul3A_137 = arith.constant 16 : i32
      %mul3A_138 = arith.muli %scan3A_24, %mul3A_137 : i32
      %swap3A = arith.index_cast %mul3A_138 : i32 to index
      %swap3A_139 = tpu.vector_load %arg7[%swap3A] {strides = array<i32>} : memref<1024xf32, #tpu.memory_space<vmem>>, vector<16xf32>,
      tpu.vector_store %arg7[%swap3A], %add3A_136 {strides = array<i32>} : memref<1024xf32, #tpu.memory_space<vmem>>, vector<16xf32>,
    }
    %scan3A_23 = arith.constant 64 : i32
    "tpu.region"() ({
      %run_scoped3A = tpu.sem_alloc : memref<!tpu.dma_semaphore, #tpu.memory_space<semaphore_mem>>
      %dma_start3A = arith.constant 0 : i32
      %dma_start3A_24 = tpu.memref_slice %arg4[%add3A, %dma_start3A] : memref<32x1024xf32, #tpu.memory_space<hbm>> -> memref<1x1024xf32, #tpu.memory_space<hbm>>
      %dma_start3A_25 = tpu.memref_squeeze %dma_start3A_24 : memref<1x1024xf32, #tpu.memory_space<hbm>> -> memref<1024xf32, #tpu.memory_space<hbm>>
      %dma_start3A_26 = arith.constant 0 : i32
      %dma_start3A_27 = tpu.memref_slice %arg4[%add3A, %dma_start3A_26] : memref<32x1024xf32, #tpu.memory_space<hbm>> -> memref<1x1024xf32, #tpu.memory_space<hbm>>
      %dma_start3A_28 = tpu.memref_squeeze %dma_start3A_27 : memref<1x1024xf32, #tpu.memory_space<hbm>> -> memref<1024xf32, #tpu.memory_space<hbm>>
      tpu.enqueue_dma source(%arg7 : memref<1024xf32, #tpu.memory_space<vmem>>) target(%dma_start3A_28 : memref<1024xf32, #tpu.memory_space<hbm>>) target_semaphore(%run_scoped3A : memref<!tpu.dma_semaphore, #tpu.memory_space<semaphore_mem>>)
      %dma_wait3A = arith.constant 0 : i32
      %dma_wait3A_29 = tpu.memref_slice %arg4[%add3A, %dma_wait3A] : memref<32x1024xf32, #tpu.memory_space<hbm>> -> memref<1x1024xf32, #tpu.memory_space<hbm>>
      %dma_wait3A_30 = tpu.memref_squeeze %dma_wait3A_29 : memref<1x1024xf32, #tpu.memory_space<hbm>> -> memref<1024xf32, #tpu.memory_space<hbm>>
      %dma_wait3A_31 = arith.constant 0 : i32
      %dma_wait3A_32 = tpu.memref_slice %arg4[%add3A, %dma_wait3A_31] : memref<32x1024xf32, #tpu.memory_space<hbm>> -> memref<1x1024xf32, #tpu.memory_space<hbm>>
      %dma_wait3A_33 = tpu.memref_squeeze %dma_wait3A_32 : memref<1x1024xf32, #tpu.memory_space<hbm>> -> memref<1024xf32, #tpu.memory_space<hbm>>
      tpu.wait_dma2 semaphore(%run_scoped3A : memref<!tpu.dma_semaphore, #tpu.memory_space<semaphore_mem>>) src(%arg7 : memref<1024xf32, #tpu.memory_space<vmem>>) dst(%dma_wait3A_33 : memref<1024xf32, #tpu.memory_space<hbm>>)
      tpu.yield
    }) : () -> ()
    return
  }
}

#map = affine_map<(d0, d1) -> (0)>
#map1 = affine_map<(d0, d1) -> (0, 0)>
module attributes {stable_mosaic.version = 14 : i64} {
  func.func @hist_kernel(%arg0: i32, %arg1: i32, %arg2: memref<2097152xi32, #tpu.memory_space<hbm>>, %arg3: memref<16xi32, #tpu.memory_space<hbm>>, %arg4: memref<32x1024xf32, #tpu.memory_space<hbm>>, %arg5: memref<8192xi32, #tpu.memory_space<vmem>>, %arg6: memref<16384xf32, #tpu.memory_space<vmem>>, %arg7: memref<1024xf32, #tpu.memory_space<vmem>>, %arg8: memref<16xi32, #tpu.memory_space<vmem>>) attributes {dimension_semantics = [#tpu.dimension_semantics<core_parallel>, #tpu.dimension_semantics<subcore_parallel>], iteration_bounds = array<i64: 2, 16>, scalar_prefetch = 0 : i64, scratch_operands = 4 : i64, tpu.core_type = #tpu.core_type<sc_vector_subcore>, window_params = [{transform_indices = #map}, {transform_indices = #map}, {transform_indices = #map1}]} {
    %mul3A = arith.constant 2 : i32
    %mul3A_0 = arith.muli %arg1, %mul3A : i32
    %add3A = arith.addi %mul3A_0, %arg0 : i32
    %mul3A_1 = arith.constant 65536 : i32
    %mul3A_2 = arith.muli %add3A, %mul3A_1 : i32
    "tpu.region"() ({
      %run_scoped3A = tpu.sem_alloc : memref<!tpu.dma_semaphore, #tpu.memory_space<semaphore_mem>>
      tpu.enqueue_dma source(%arg3 : memref<16xi32, #tpu.memory_space<hbm>>) target(%arg8 : memref<16xi32, #tpu.memory_space<vmem>>) target_semaphore(%run_scoped3A : memref<!tpu.dma_semaphore, #tpu.memory_space<semaphore_mem>>)
      tpu.wait_dma2 semaphore(%run_scoped3A : memref<!tpu.dma_semaphore, #tpu.memory_space<semaphore_mem>>) src(%arg3 : memref<16xi32, #tpu.memory_space<hbm>>) dst(%arg8 : memref<16xi32, #tpu.memory_space<vmem>>)
      tpu.yield
    }) : () -> ()
    %get3A = arith.constant 0 : index
    %get3A_3 = tpu.vector_load %arg8[%get3A] {strides = array<i32>} : memref<16xi32, #tpu.memory_space<vmem>>, vector<16xi32>,
    %slice3A = vector.extract_strided_slice %get3A_3 {offsets = [0], sizes = [1], strides = [1]} : vector<16xi32> to vector<1xi32>
    %squeeze3A = vector.extract %slice3A[0] : i32 from vector<1xi32>
    %iota3A = tpu.iota {dimensions = array<i32: 0>} : vector<16xi32>
    %broadcast_in_dim3A = arith.constant 0.000000e+00 : f32
    %broadcast_in_dim3A_4 = vector.broadcast %broadcast_in_dim3A : f32 to vector<16xf32>
    %broadcast_in_dim3A_5 = arith.constant 1.000000e+00 : f32
    %broadcast_in_dim3A_6 = vector.broadcast %broadcast_in_dim3A_5 : f32 to vector<16xf32>
    %scan3A = arith.constant 0 : i32
    %scan3A_7 = arith.constant 0 : i32
    %scan3A_8 = arith.constant 1024 : i32
    %scan3A_9 = arith.addi %scan3A_7, %scan3A_8 : i32
    %scan3A_10 = arith.constant 1 : i32
    scf.for %scan3A_24 = %scan3A_7 to %scan3A_9 step %scan3A_10  : i32 {
      %mul3A_25 = arith.constant 16 : i32
      %mul3A_26 = arith.muli %scan3A_24, %mul3A_25 : i32
      %swap3A = arith.index_cast %mul3A_26 : i32 to index
      %swap3A_27 = tpu.vector_load %arg6[%swap3A] {strides = array<i32>} : memref<16384xf32, #tpu.memory_space<vmem>>, vector<16xf32>,
      tpu.vector_store %arg6[%swap3A], %broadcast_in_dim3A_4 {strides = array<i32>} : memref<16384xf32, #tpu.memory_space<vmem>>, vector<16xf32>,
    }
    %scan3A_11 = arith.constant 1024 : i32
    %scan3A_12 = arith.constant 0 : i32
    %scan3A_13 = arith.constant 0 : i32
    %scan3A_14 = arith.constant 8 : i32
    %scan3A_15 = arith.addi %scan3A_13, %scan3A_14 : i32
    %scan3A_16 = arith.constant 1 : i32
    scf.for %scan3A_24 = %scan3A_13 to %scan3A_15 step %scan3A_16  : i32 {
      %mul3A_25 = arith.constant 8192 : i32
      %mul3A_26 = arith.muli %scan3A_24, %mul3A_25 : i32
      %add3A_27 = arith.addi %mul3A_2, %mul3A_26 : i32
      "tpu.region"() ({
        %run_scoped3A = tpu.sem_alloc : memref<!tpu.dma_semaphore, #tpu.memory_space<semaphore_mem>>
        %dma_start3A = tpu.memref_slice %arg2[%add3A_27] : memref<2097152xi32, #tpu.memory_space<hbm>> -> memref<8192xi32, #tpu.memory_space<hbm>>
        %dma_start3A_34 = tpu.memref_slice %arg2[%add3A_27] : memref<2097152xi32, #tpu.memory_space<hbm>> -> memref<8192xi32, #tpu.memory_space<hbm>>
        tpu.enqueue_dma source(%dma_start3A_34 : memref<8192xi32, #tpu.memory_space<hbm>>) target(%arg5 : memref<8192xi32, #tpu.memory_space<vmem>>) target_semaphore(%run_scoped3A : memref<!tpu.dma_semaphore, #tpu.memory_space<semaphore_mem>>)
        %dma_wait3A = tpu.memref_slice %arg2[%add3A_27] : memref<2097152xi32, #tpu.memory_space<hbm>> -> memref<8192xi32, #tpu.memory_space<hbm>>
        %dma_wait3A_35 = tpu.memref_slice %arg2[%add3A_27] : memref<2097152xi32, #tpu.memory_space<hbm>> -> memref<8192xi32, #tpu.memory_space<hbm>>
        tpu.wait_dma2 semaphore(%run_scoped3A : memref<!tpu.dma_semaphore, #tpu.memory_space<semaphore_mem>>) src(%dma_wait3A_35 : memref<8192xi32, #tpu.memory_space<hbm>>) dst(%arg5 : memref<8192xi32, #tpu.memory_space<vmem>>)
        tpu.yield
      }) : () -> ()
      %scan3A_28 = arith.constant 0 : i32
      %scan3A_29 = arith.constant 0 : i32
      %scan3A_30 = arith.constant 512 : i32
      %scan3A_31 = arith.addi %scan3A_29, %scan3A_30 : i32
      %scan3A_32 = arith.constant 1 : i32
      scf.for %scan3A_34 = %scan3A_29 to %scan3A_31 step %scan3A_32  : i32 {
        %mul3A_35 = arith.constant 16 : i32
        %mul3A_36 = arith.muli %scan3A_34, %mul3A_35 : i32
        %get3A_37 = arith.index_cast %mul3A_36 : i32 to index
        %get3A_38 = tpu.vector_load %arg5[%get3A_37] {strides = array<i32>} : memref<8192xi32, #tpu.memory_space<vmem>>, vector<16xi32>,
        %shift_right_arithmetic3A = arith.constant 10 : i32
        %shift_right_arithmetic3A_39 = vector.broadcast %shift_right_arithmetic3A : i32 to vector<16xi32>
        %shift_right_arithmetic3A_40 = arith.shrsi %get3A_38, %shift_right_arithmetic3A_39 : vector<16xi32>
        %and3A = arith.constant 1023 : i32
        %and3A_41 = vector.broadcast %and3A : i32 to vector<16xi32>
        %and3A_42 = arith.andi %shift_right_arithmetic3A_40, %and3A_41 : vector<16xi32>
        %mul3A_43 = arith.constant 1024 : i32
        %mul3A_44 = vector.broadcast %mul3A_43 : i32 to vector<16xi32>
        %mul3A_45 = arith.muli %iota3A, %mul3A_44 : vector<16xi32>
        %add3A_46 = arith.addi %and3A_42, %mul3A_45 : vector<16xi32>
        %shift_right_arithmetic3A_47 = arith.constant 20 : i32
        %shift_right_arithmetic3A_48 = vector.broadcast %shift_right_arithmetic3A_47 : i32 to vector<16xi32>
        %shift_right_arithmetic3A_49 = arith.shrsi %get3A_38, %shift_right_arithmetic3A_48 : vector<16xi32>
        %eq3A = vector.broadcast %squeeze3A : i32 to vector<16xi32>
        %eq3A_50 = arith.cmpi eq, %shift_right_arithmetic3A_49, %eq3A : vector<16xi32>
        tpu.vector_store_idx %arg6[%add3A_46], %broadcast_in_dim3A_6 masked %eq3A_50 {add = true} : memref<16384xf32, #tpu.memory_space<vmem>>[vector<16xi32>], vector<16xf32>, vector<16xi1>
      }
      %scan3A_33 = arith.constant 512 : i32
    }
    %scan3A_17 = arith.constant 8 : i32
    %scan3A_18 = arith.constant 0 : i32
    %scan3A_19 = arith.constant 0 : i32
    %scan3A_20 = arith.constant 64 : i32
    %scan3A_21 = arith.addi %scan3A_19, %scan3A_20 : i32
    %scan3A_22 = arith.constant 1 : i32
    scf.for %scan3A_24 = %scan3A_19 to %scan3A_21 step %scan3A_22  : i32 {
      %mul3A_25 = arith.constant 16 : i32
      %mul3A_26 = arith.muli %scan3A_24, %mul3A_25 : i32
      %add3A_27 = arith.constant 0 : i32
      %add3A_28 = arith.addi %add3A_27, %mul3A_26 : i32
      %get3A_29 = arith.index_cast %add3A_28 : i32 to index
      %get3A_30 = tpu.vector_load %arg6[%get3A_29] {strides = array<i32>} : memref<16384xf32, #tpu.memory_space<vmem>>, vector<16xf32>,
      %add3A_31 = arith.addf %broadcast_in_dim3A_4, %get3A_30 : vector<16xf32>
      %mul3A_32 = arith.constant 16 : i32
      %mul3A_33 = arith.muli %scan3A_24, %mul3A_32 : i32
      %add3A_34 = arith.constant 1024 : i32
      %add3A_35 = arith.addi %add3A_34, %mul3A_33 : i32
      %get3A_36 = arith.index_cast %add3A_35 : i32 to index
      %get3A_37 = tpu.vector_load %arg6[%get3A_36] {strides = array<i32>} : memref<16384xf32, #tpu.memory_space<vmem>>, vector<16xf32>,
      %add3A_38 = arith.addf %add3A_31, %get3A_37 : vector<16xf32>
      %mul3A_39 = arith.constant 16 : i32
      %mul3A_40 = arith.muli %scan3A_24, %mul3A_39 : i32
      %add3A_41 = arith.constant 2048 : i32
      %add3A_42 = arith.addi %add3A_41, %mul3A_40 : i32
      %get3A_43 = arith.index_cast %add3A_42 : i32 to index
      %get3A_44 = tpu.vector_load %arg6[%get3A_43] {strides = array<i32>} : memref<16384xf32, #tpu.memory_space<vmem>>, vector<16xf32>,
      %add3A_45 = arith.addf %add3A_38, %get3A_44 : vector<16xf32>
      %mul3A_46 = arith.constant 16 : i32
      %mul3A_47 = arith.muli %scan3A_24, %mul3A_46 : i32
      %add3A_48 = arith.constant 3072 : i32
      %add3A_49 = arith.addi %add3A_48, %mul3A_47 : i32
      %get3A_50 = arith.index_cast %add3A_49 : i32 to index
      %get3A_51 = tpu.vector_load %arg6[%get3A_50] {strides = array<i32>} : memref<16384xf32, #tpu.memory_space<vmem>>, vector<16xf32>,
      %add3A_52 = arith.addf %add3A_45, %get3A_51 : vector<16xf32>
      %mul3A_53 = arith.constant 16 : i32
      %mul3A_54 = arith.muli %scan3A_24, %mul3A_53 : i32
      %add3A_55 = arith.constant 4096 : i32
      %add3A_56 = arith.addi %add3A_55, %mul3A_54 : i32
      %get3A_57 = arith.index_cast %add3A_56 : i32 to index
      %get3A_58 = tpu.vector_load %arg6[%get3A_57] {strides = array<i32>} : memref<16384xf32, #tpu.memory_space<vmem>>, vector<16xf32>,
      %add3A_59 = arith.addf %add3A_52, %get3A_58 : vector<16xf32>
      %mul3A_60 = arith.constant 16 : i32
      %mul3A_61 = arith.muli %scan3A_24, %mul3A_60 : i32
      %add3A_62 = arith.constant 5120 : i32
      %add3A_63 = arith.addi %add3A_62, %mul3A_61 : i32
      %get3A_64 = arith.index_cast %add3A_63 : i32 to index
      %get3A_65 = tpu.vector_load %arg6[%get3A_64] {strides = array<i32>} : memref<16384xf32, #tpu.memory_space<vmem>>, vector<16xf32>,
      %add3A_66 = arith.addf %add3A_59, %get3A_65 : vector<16xf32>
      %mul3A_67 = arith.constant 16 : i32
      %mul3A_68 = arith.muli %scan3A_24, %mul3A_67 : i32
      %add3A_69 = arith.constant 6144 : i32
      %add3A_70 = arith.addi %add3A_69, %mul3A_68 : i32
      %get3A_71 = arith.index_cast %add3A_70 : i32 to index
      %get3A_72 = tpu.vector_load %arg6[%get3A_71] {strides = array<i32>} : memref<16384xf32, #tpu.memory_space<vmem>>, vector<16xf32>,
      %add3A_73 = arith.addf %add3A_66, %get3A_72 : vector<16xf32>
      %mul3A_74 = arith.constant 16 : i32
      %mul3A_75 = arith.muli %scan3A_24, %mul3A_74 : i32
      %add3A_76 = arith.constant 7168 : i32
      %add3A_77 = arith.addi %add3A_76, %mul3A_75 : i32
      %get3A_78 = arith.index_cast %add3A_77 : i32 to index
      %get3A_79 = tpu.vector_load %arg6[%get3A_78] {strides = array<i32>} : memref<16384xf32, #tpu.memory_space<vmem>>, vector<16xf32>,
      %add3A_80 = arith.addf %add3A_73, %get3A_79 : vector<16xf32>
      %mul3A_81 = arith.constant 16 : i32
      %mul3A_82 = arith.muli %scan3A_24, %mul3A_81 : i32
      %add3A_83 = arith.constant 8192 : i32
      %add3A_84 = arith.addi %add3A_83, %mul3A_82 : i32
      %get3A_85 = arith.index_cast %add3A_84 : i32 to index
      %get3A_86 = tpu.vector_load %arg6[%get3A_85] {strides = array<i32>} : memref<16384xf32, #tpu.memory_space<vmem>>, vector<16xf32>,
      %add3A_87 = arith.addf %add3A_80, %get3A_86 : vector<16xf32>
      %mul3A_88 = arith.constant 16 : i32
      %mul3A_89 = arith.muli %scan3A_24, %mul3A_88 : i32
      %add3A_90 = arith.constant 9216 : i32
      %add3A_91 = arith.addi %add3A_90, %mul3A_89 : i32
      %get3A_92 = arith.index_cast %add3A_91 : i32 to index
      %get3A_93 = tpu.vector_load %arg6[%get3A_92] {strides = array<i32>} : memref<16384xf32, #tpu.memory_space<vmem>>, vector<16xf32>,
      %add3A_94 = arith.addf %add3A_87, %get3A_93 : vector<16xf32>
      %mul3A_95 = arith.constant 16 : i32
      %mul3A_96 = arith.muli %scan3A_24, %mul3A_95 : i32
      %add3A_97 = arith.constant 10240 : i32
      %add3A_98 = arith.addi %add3A_97, %mul3A_96 : i32
      %get3A_99 = arith.index_cast %add3A_98 : i32 to index
      %get3A_100 = tpu.vector_load %arg6[%get3A_99] {strides = array<i32>} : memref<16384xf32, #tpu.memory_space<vmem>>, vector<16xf32>,
      %add3A_101 = arith.addf %add3A_94, %get3A_100 : vector<16xf32>
      %mul3A_102 = arith.constant 16 : i32
      %mul3A_103 = arith.muli %scan3A_24, %mul3A_102 : i32
      %add3A_104 = arith.constant 11264 : i32
      %add3A_105 = arith.addi %add3A_104, %mul3A_103 : i32
      %get3A_106 = arith.index_cast %add3A_105 : i32 to index
      %get3A_107 = tpu.vector_load %arg6[%get3A_106] {strides = array<i32>} : memref<16384xf32, #tpu.memory_space<vmem>>, vector<16xf32>,
      %add3A_108 = arith.addf %add3A_101, %get3A_107 : vector<16xf32>
      %mul3A_109 = arith.constant 16 : i32
      %mul3A_110 = arith.muli %scan3A_24, %mul3A_109 : i32
      %add3A_111 = arith.constant 12288 : i32
      %add3A_112 = arith.addi %add3A_111, %mul3A_110 : i32
      %get3A_113 = arith.index_cast %add3A_112 : i32 to index
      %get3A_114 = tpu.vector_load %arg6[%get3A_113] {strides = array<i32>} : memref<16384xf32, #tpu.memory_space<vmem>>, vector<16xf32>,
      %add3A_115 = arith.addf %add3A_108, %get3A_114 : vector<16xf32>
      %mul3A_116 = arith.constant 16 : i32
      %mul3A_117 = arith.muli %scan3A_24, %mul3A_116 : i32
      %add3A_118 = arith.constant 13312 : i32
      %add3A_119 = arith.addi %add3A_118, %mul3A_117 : i32
      %get3A_120 = arith.index_cast %add3A_119 : i32 to index
      %get3A_121 = tpu.vector_load %arg6[%get3A_120] {strides = array<i32>} : memref<16384xf32, #tpu.memory_space<vmem>>, vector<16xf32>,
      %add3A_122 = arith.addf %add3A_115, %get3A_121 : vector<16xf32>
      %mul3A_123 = arith.constant 16 : i32
      %mul3A_124 = arith.muli %scan3A_24, %mul3A_123 : i32
      %add3A_125 = arith.constant 14336 : i32
      %add3A_126 = arith.addi %add3A_125, %mul3A_124 : i32
      %get3A_127 = arith.index_cast %add3A_126 : i32 to index
      %get3A_128 = tpu.vector_load %arg6[%get3A_127] {strides = array<i32>} : memref<16384xf32, #tpu.memory_space<vmem>>, vector<16xf32>,
      %add3A_129 = arith.addf %add3A_122, %get3A_128 : vector<16xf32>
      %mul3A_130 = arith.constant 16 : i32
      %mul3A_131 = arith.muli %scan3A_24, %mul3A_130 : i32
      %add3A_132 = arith.constant 15360 : i32
      %add3A_133 = arith.addi %add3A_132, %mul3A_131 : i32
      %get3A_134 = arith.index_cast %add3A_133 : i32 to index
      %get3A_135 = tpu.vector_load %arg6[%get3A_134] {strides = array<i32>} : memref<16384xf32, #tpu.memory_space<vmem>>, vector<16xf32>,
      %add3A_136 = arith.addf %add3A_129, %get3A_135 : vector<16xf32>
      %mul3A_137 = arith.constant 16 : i32
      %mul3A_138 = arith.muli %scan3A_24, %mul3A_137 : i32
      %swap3A = arith.index_cast %mul3A_138 : i32 to index
      %swap3A_139 = tpu.vector_load %arg7[%swap3A] {strides = array<i32>} : memref<1024xf32, #tpu.memory_space<vmem>>, vector<16xf32>,
      tpu.vector_store %arg7[%swap3A], %add3A_136 {strides = array<i32>} : memref<1024xf32, #tpu.memory_space<vmem>>, vector<16xf32>,
    }
    %scan3A_23 = arith.constant 64 : i32
    "tpu.region"() ({
      %run_scoped3A = tpu.sem_alloc : memref<!tpu.dma_semaphore, #tpu.memory_space<semaphore_mem>>
      %dma_start3A = arith.constant 0 : i32
      %dma_start3A_24 = tpu.memref_slice %arg4[%add3A, %dma_start3A] : memref<32x1024xf32, #tpu.memory_space<hbm>> -> memref<1x1024xf32, #tpu.memory_space<hbm>>
      %dma_start3A_25 = tpu.memref_squeeze %dma_start3A_24 : memref<1x1024xf32, #tpu.memory_space<hbm>> -> memref<1024xf32, #tpu.memory_space<hbm>>
      %dma_start3A_26 = arith.constant 0 : i32
      %dma_start3A_27 = tpu.memref_slice %arg4[%add3A, %dma_start3A_26] : memref<32x1024xf32, #tpu.memory_space<hbm>> -> memref<1x1024xf32, #tpu.memory_space<hbm>>
      %dma_start3A_28 = tpu.memref_squeeze %dma_start3A_27 : memref<1x1024xf32, #tpu.memory_space<hbm>> -> memref<1024xf32, #tpu.memory_space<hbm>>
      tpu.enqueue_dma source(%arg7 : memref<1024xf32, #tpu.memory_space<vmem>>) target(%dma_start3A_28 : memref<1024xf32, #tpu.memory_space<hbm>>) target_semaphore(%run_scoped3A : memref<!tpu.dma_semaphore, #tpu.memory_space<semaphore_mem>>)
      %dma_wait3A = arith.constant 0 : i32
      %dma_wait3A_29 = tpu.memref_slice %arg4[%add3A, %dma_wait3A] : memref<32x1024xf32, #tpu.memory_space<hbm>> -> memref<1x1024xf32, #tpu.memory_space<hbm>>
      %dma_wait3A_30 = tpu.memref_squeeze %dma_wait3A_29 : memref<1x1024xf32, #tpu.memory_space<hbm>> -> memref<1024xf32, #tpu.memory_space<hbm>>
      %dma_wait3A_31 = arith.constant 0 : i32
      %dma_wait3A_32 = tpu.memref_slice %arg4[%add3A, %dma_wait3A_31] : memref<32x1024xf32, #tpu.memory_space<hbm>> -> memref<1x1024xf32, #tpu.memory_space<hbm>>
      %dma_wait3A_33 = tpu.memref_squeeze %dma_wait3A_32 : memref<1x1024xf32, #tpu.memory_space<hbm>> -> memref<1024xf32, #tpu.memory_space<hbm>>
      tpu.wait_dma2 semaphore(%run_scoped3A : memref<!tpu.dma_semaphore, #tpu.memory_space<semaphore_mem>>) src(%arg7 : memref<1024xf32, #tpu.memory_space<vmem>>) dst(%dma_wait3A_33 : memref<1024xf32, #tpu.memory_space<hbm>>)
      tpu.yield
    }) : () -> ()
    return
  }
}

#map = affine_map<(d0, d1) -> (0)>
#map1 = affine_map<(d0, d1) -> (0, 0)>
module attributes {stable_mosaic.version = 14 : i64} {
  func.func @hist_kernel(%arg0: i32, %arg1: i32, %arg2: memref<2097152xi32, #tpu.memory_space<hbm>>, %arg3: memref<16xi32, #tpu.memory_space<hbm>>, %arg4: memref<32x1024xf32, #tpu.memory_space<hbm>>, %arg5: memref<8192xi32, #tpu.memory_space<vmem>>, %arg6: memref<16384xf32, #tpu.memory_space<vmem>>, %arg7: memref<1024xf32, #tpu.memory_space<vmem>>, %arg8: memref<16xi32, #tpu.memory_space<vmem>>) attributes {dimension_semantics = [#tpu.dimension_semantics<core_parallel>, #tpu.dimension_semantics<subcore_parallel>], iteration_bounds = array<i64: 2, 16>, scalar_prefetch = 0 : i64, scratch_operands = 4 : i64, tpu.core_type = #tpu.core_type<sc_vector_subcore>, window_params = [{transform_indices = #map}, {transform_indices = #map}, {transform_indices = #map1}]} {
    %mul3A = arith.constant 2 : i32
    %mul3A_0 = arith.muli %arg1, %mul3A : i32
    %add3A = arith.addi %mul3A_0, %arg0 : i32
    %mul3A_1 = arith.constant 65536 : i32
    %mul3A_2 = arith.muli %add3A, %mul3A_1 : i32
    "tpu.region"() ({
      %run_scoped3A = tpu.sem_alloc : memref<!tpu.dma_semaphore, #tpu.memory_space<semaphore_mem>>
      tpu.enqueue_dma source(%arg3 : memref<16xi32, #tpu.memory_space<hbm>>) target(%arg8 : memref<16xi32, #tpu.memory_space<vmem>>) target_semaphore(%run_scoped3A : memref<!tpu.dma_semaphore, #tpu.memory_space<semaphore_mem>>)
      tpu.wait_dma2 semaphore(%run_scoped3A : memref<!tpu.dma_semaphore, #tpu.memory_space<semaphore_mem>>) src(%arg3 : memref<16xi32, #tpu.memory_space<hbm>>) dst(%arg8 : memref<16xi32, #tpu.memory_space<vmem>>)
      tpu.yield
    }) : () -> ()
    %get3A = arith.constant 0 : index
    %get3A_3 = tpu.vector_load %arg8[%get3A] {strides = array<i32>} : memref<16xi32, #tpu.memory_space<vmem>>, vector<16xi32>,
    %slice3A = vector.extract_strided_slice %get3A_3 {offsets = [0], sizes = [1], strides = [1]} : vector<16xi32> to vector<1xi32>
    %squeeze3A = vector.extract %slice3A[0] : i32 from vector<1xi32>
    %iota3A = tpu.iota {dimensions = array<i32: 0>} : vector<16xi32>
    %broadcast_in_dim3A = arith.constant 0.000000e+00 : f32
    %broadcast_in_dim3A_4 = vector.broadcast %broadcast_in_dim3A : f32 to vector<16xf32>
    %broadcast_in_dim3A_5 = arith.constant 1.000000e+00 : f32
    %broadcast_in_dim3A_6 = vector.broadcast %broadcast_in_dim3A_5 : f32 to vector<16xf32>
    %scan3A = arith.constant 0 : i32
    %scan3A_7 = arith.constant 0 : i32
    %scan3A_8 = arith.constant 1024 : i32
    %scan3A_9 = arith.addi %scan3A_7, %scan3A_8 : i32
    %scan3A_10 = arith.constant 1 : i32
    scf.for %scan3A_24 = %scan3A_7 to %scan3A_9 step %scan3A_10  : i32 {
      %mul3A_25 = arith.constant 16 : i32
      %mul3A_26 = arith.muli %scan3A_24, %mul3A_25 : i32
      %swap3A = arith.index_cast %mul3A_26 : i32 to index
      %swap3A_27 = tpu.vector_load %arg6[%swap3A] {strides = array<i32>} : memref<16384xf32, #tpu.memory_space<vmem>>, vector<16xf32>,
      tpu.vector_store %arg6[%swap3A], %broadcast_in_dim3A_4 {strides = array<i32>} : memref<16384xf32, #tpu.memory_space<vmem>>, vector<16xf32>,
    }
    %scan3A_11 = arith.constant 1024 : i32
    %scan3A_12 = arith.constant 0 : i32
    %scan3A_13 = arith.constant 0 : i32
    %scan3A_14 = arith.constant 8 : i32
    %scan3A_15 = arith.addi %scan3A_13, %scan3A_14 : i32
    %scan3A_16 = arith.constant 1 : i32
    scf.for %scan3A_24 = %scan3A_13 to %scan3A_15 step %scan3A_16  : i32 {
      %mul3A_25 = arith.constant 8192 : i32
      %mul3A_26 = arith.muli %scan3A_24, %mul3A_25 : i32
      %add3A_27 = arith.addi %mul3A_2, %mul3A_26 : i32
      "tpu.region"() ({
        %run_scoped3A = tpu.sem_alloc : memref<!tpu.dma_semaphore, #tpu.memory_space<semaphore_mem>>
        %dma_start3A = tpu.memref_slice %arg2[%add3A_27] : memref<2097152xi32, #tpu.memory_space<hbm>> -> memref<8192xi32, #tpu.memory_space<hbm>>
        %dma_start3A_34 = tpu.memref_slice %arg2[%add3A_27] : memref<2097152xi32, #tpu.memory_space<hbm>> -> memref<8192xi32, #tpu.memory_space<hbm>>
        tpu.enqueue_dma source(%dma_start3A_34 : memref<8192xi32, #tpu.memory_space<hbm>>) target(%arg5 : memref<8192xi32, #tpu.memory_space<vmem>>) target_semaphore(%run_scoped3A : memref<!tpu.dma_semaphore, #tpu.memory_space<semaphore_mem>>)
        %dma_wait3A = tpu.memref_slice %arg2[%add3A_27] : memref<2097152xi32, #tpu.memory_space<hbm>> -> memref<8192xi32, #tpu.memory_space<hbm>>
        %dma_wait3A_35 = tpu.memref_slice %arg2[%add3A_27] : memref<2097152xi32, #tpu.memory_space<hbm>> -> memref<8192xi32, #tpu.memory_space<hbm>>
        tpu.wait_dma2 semaphore(%run_scoped3A : memref<!tpu.dma_semaphore, #tpu.memory_space<semaphore_mem>>) src(%dma_wait3A_35 : memref<8192xi32, #tpu.memory_space<hbm>>) dst(%arg5 : memref<8192xi32, #tpu.memory_space<vmem>>)
        tpu.yield
      }) : () -> ()
      %scan3A_28 = arith.constant 0 : i32
      %scan3A_29 = arith.constant 0 : i32
      %scan3A_30 = arith.constant 512 : i32
      %scan3A_31 = arith.addi %scan3A_29, %scan3A_30 : i32
      %scan3A_32 = arith.constant 1 : i32
      scf.for %scan3A_34 = %scan3A_29 to %scan3A_31 step %scan3A_32  : i32 {
        %mul3A_35 = arith.constant 16 : i32
        %mul3A_36 = arith.muli %scan3A_34, %mul3A_35 : i32
        %get3A_37 = arith.index_cast %mul3A_36 : i32 to index
        %get3A_38 = tpu.vector_load %arg5[%get3A_37] {strides = array<i32>} : memref<8192xi32, #tpu.memory_space<vmem>>, vector<16xi32>,
        %shift_right_arithmetic3A = arith.constant 20 : i32
        %shift_right_arithmetic3A_39 = vector.broadcast %shift_right_arithmetic3A : i32 to vector<16xi32>
        %shift_right_arithmetic3A_40 = arith.shrsi %get3A_38, %shift_right_arithmetic3A_39 : vector<16xi32>
        %and3A = arith.constant 1023 : i32
        %and3A_41 = vector.broadcast %and3A : i32 to vector<16xi32>
        %and3A_42 = arith.andi %shift_right_arithmetic3A_40, %and3A_41 : vector<16xi32>
        %mul3A_43 = arith.constant 1024 : i32
        %mul3A_44 = vector.broadcast %mul3A_43 : i32 to vector<16xi32>
        %mul3A_45 = arith.muli %iota3A, %mul3A_44 : vector<16xi32>
        %add3A_46 = arith.addi %and3A_42, %mul3A_45 : vector<16xi32>
        tpu.vector_store_idx %arg6[%add3A_46], %broadcast_in_dim3A_6 {add = true} : memref<16384xf32, #tpu.memory_space<vmem>>[vector<16xi32>], vector<16xf32>,
      }
      %scan3A_33 = arith.constant 512 : i32
    }
    %scan3A_17 = arith.constant 8 : i32
    %scan3A_18 = arith.constant 0 : i32
    %scan3A_19 = arith.constant 0 : i32
    %scan3A_20 = arith.constant 64 : i32
    %scan3A_21 = arith.addi %scan3A_19, %scan3A_20 : i32
    %scan3A_22 = arith.constant 1 : i32
    scf.for %scan3A_24 = %scan3A_19 to %scan3A_21 step %scan3A_22  : i32 {
      %mul3A_25 = arith.constant 16 : i32
      %mul3A_26 = arith.muli %scan3A_24, %mul3A_25 : i32
      %add3A_27 = arith.constant 0 : i32
      %add3A_28 = arith.addi %add3A_27, %mul3A_26 : i32
      %get3A_29 = arith.index_cast %add3A_28 : i32 to index
      %get3A_30 = tpu.vector_load %arg6[%get3A_29] {strides = array<i32>} : memref<16384xf32, #tpu.memory_space<vmem>>, vector<16xf32>,
      %add3A_31 = arith.addf %broadcast_in_dim3A_4, %get3A_30 : vector<16xf32>
      %mul3A_32 = arith.constant 16 : i32
      %mul3A_33 = arith.muli %scan3A_24, %mul3A_32 : i32
      %add3A_34 = arith.constant 1024 : i32
      %add3A_35 = arith.addi %add3A_34, %mul3A_33 : i32
      %get3A_36 = arith.index_cast %add3A_35 : i32 to index
      %get3A_37 = tpu.vector_load %arg6[%get3A_36] {strides = array<i32>} : memref<16384xf32, #tpu.memory_space<vmem>>, vector<16xf32>,
      %add3A_38 = arith.addf %add3A_31, %get3A_37 : vector<16xf32>
      %mul3A_39 = arith.constant 16 : i32
      %mul3A_40 = arith.muli %scan3A_24, %mul3A_39 : i32
      %add3A_41 = arith.constant 2048 : i32
      %add3A_42 = arith.addi %add3A_41, %mul3A_40 : i32
      %get3A_43 = arith.index_cast %add3A_42 : i32 to index
      %get3A_44 = tpu.vector_load %arg6[%get3A_43] {strides = array<i32>} : memref<16384xf32, #tpu.memory_space<vmem>>, vector<16xf32>,
      %add3A_45 = arith.addf %add3A_38, %get3A_44 : vector<16xf32>
      %mul3A_46 = arith.constant 16 : i32
      %mul3A_47 = arith.muli %scan3A_24, %mul3A_46 : i32
      %add3A_48 = arith.constant 3072 : i32
      %add3A_49 = arith.addi %add3A_48, %mul3A_47 : i32
      %get3A_50 = arith.index_cast %add3A_49 : i32 to index
      %get3A_51 = tpu.vector_load %arg6[%get3A_50] {strides = array<i32>} : memref<16384xf32, #tpu.memory_space<vmem>>, vector<16xf32>,
      %add3A_52 = arith.addf %add3A_45, %get3A_51 : vector<16xf32>
      %mul3A_53 = arith.constant 16 : i32
      %mul3A_54 = arith.muli %scan3A_24, %mul3A_53 : i32
      %add3A_55 = arith.constant 4096 : i32
      %add3A_56 = arith.addi %add3A_55, %mul3A_54 : i32
      %get3A_57 = arith.index_cast %add3A_56 : i32 to index
      %get3A_58 = tpu.vector_load %arg6[%get3A_57] {strides = array<i32>} : memref<16384xf32, #tpu.memory_space<vmem>>, vector<16xf32>,
      %add3A_59 = arith.addf %add3A_52, %get3A_58 : vector<16xf32>
      %mul3A_60 = arith.constant 16 : i32
      %mul3A_61 = arith.muli %scan3A_24, %mul3A_60 : i32
      %add3A_62 = arith.constant 5120 : i32
      %add3A_63 = arith.addi %add3A_62, %mul3A_61 : i32
      %get3A_64 = arith.index_cast %add3A_63 : i32 to index
      %get3A_65 = tpu.vector_load %arg6[%get3A_64] {strides = array<i32>} : memref<16384xf32, #tpu.memory_space<vmem>>, vector<16xf32>,
      %add3A_66 = arith.addf %add3A_59, %get3A_65 : vector<16xf32>
      %mul3A_67 = arith.constant 16 : i32
      %mul3A_68 = arith.muli %scan3A_24, %mul3A_67 : i32
      %add3A_69 = arith.constant 6144 : i32
      %add3A_70 = arith.addi %add3A_69, %mul3A_68 : i32
      %get3A_71 = arith.index_cast %add3A_70 : i32 to index
      %get3A_72 = tpu.vector_load %arg6[%get3A_71] {strides = array<i32>} : memref<16384xf32, #tpu.memory_space<vmem>>, vector<16xf32>,
      %add3A_73 = arith.addf %add3A_66, %get3A_72 : vector<16xf32>
      %mul3A_74 = arith.constant 16 : i32
      %mul3A_75 = arith.muli %scan3A_24, %mul3A_74 : i32
      %add3A_76 = arith.constant 7168 : i32
      %add3A_77 = arith.addi %add3A_76, %mul3A_75 : i32
      %get3A_78 = arith.index_cast %add3A_77 : i32 to index
      %get3A_79 = tpu.vector_load %arg6[%get3A_78] {strides = array<i32>} : memref<16384xf32, #tpu.memory_space<vmem>>, vector<16xf32>,
      %add3A_80 = arith.addf %add3A_73, %get3A_79 : vector<16xf32>
      %mul3A_81 = arith.constant 16 : i32
      %mul3A_82 = arith.muli %scan3A_24, %mul3A_81 : i32
      %add3A_83 = arith.constant 8192 : i32
      %add3A_84 = arith.addi %add3A_83, %mul3A_82 : i32
      %get3A_85 = arith.index_cast %add3A_84 : i32 to index
      %get3A_86 = tpu.vector_load %arg6[%get3A_85] {strides = array<i32>} : memref<16384xf32, #tpu.memory_space<vmem>>, vector<16xf32>,
      %add3A_87 = arith.addf %add3A_80, %get3A_86 : vector<16xf32>
      %mul3A_88 = arith.constant 16 : i32
      %mul3A_89 = arith.muli %scan3A_24, %mul3A_88 : i32
      %add3A_90 = arith.constant 9216 : i32
      %add3A_91 = arith.addi %add3A_90, %mul3A_89 : i32
      %get3A_92 = arith.index_cast %add3A_91 : i32 to index
      %get3A_93 = tpu.vector_load %arg6[%get3A_92] {strides = array<i32>} : memref<16384xf32, #tpu.memory_space<vmem>>, vector<16xf32>,
      %add3A_94 = arith.addf %add3A_87, %get3A_93 : vector<16xf32>
      %mul3A_95 = arith.constant 16 : i32
      %mul3A_96 = arith.muli %scan3A_24, %mul3A_95 : i32
      %add3A_97 = arith.constant 10240 : i32
      %add3A_98 = arith.addi %add3A_97, %mul3A_96 : i32
      %get3A_99 = arith.index_cast %add3A_98 : i32 to index
      %get3A_100 = tpu.vector_load %arg6[%get3A_99] {strides = array<i32>} : memref<16384xf32, #tpu.memory_space<vmem>>, vector<16xf32>,
      %add3A_101 = arith.addf %add3A_94, %get3A_100 : vector<16xf32>
      %mul3A_102 = arith.constant 16 : i32
      %mul3A_103 = arith.muli %scan3A_24, %mul3A_102 : i32
      %add3A_104 = arith.constant 11264 : i32
      %add3A_105 = arith.addi %add3A_104, %mul3A_103 : i32
      %get3A_106 = arith.index_cast %add3A_105 : i32 to index
      %get3A_107 = tpu.vector_load %arg6[%get3A_106] {strides = array<i32>} : memref<16384xf32, #tpu.memory_space<vmem>>, vector<16xf32>,
      %add3A_108 = arith.addf %add3A_101, %get3A_107 : vector<16xf32>
      %mul3A_109 = arith.constant 16 : i32
      %mul3A_110 = arith.muli %scan3A_24, %mul3A_109 : i32
      %add3A_111 = arith.constant 12288 : i32
      %add3A_112 = arith.addi %add3A_111, %mul3A_110 : i32
      %get3A_113 = arith.index_cast %add3A_112 : i32 to index
      %get3A_114 = tpu.vector_load %arg6[%get3A_113] {strides = array<i32>} : memref<16384xf32, #tpu.memory_space<vmem>>, vector<16xf32>,
      %add3A_115 = arith.addf %add3A_108, %get3A_114 : vector<16xf32>
      %mul3A_116 = arith.constant 16 : i32
      %mul3A_117 = arith.muli %scan3A_24, %mul3A_116 : i32
      %add3A_118 = arith.constant 13312 : i32
      %add3A_119 = arith.addi %add3A_118, %mul3A_117 : i32
      %get3A_120 = arith.index_cast %add3A_119 : i32 to index
      %get3A_121 = tpu.vector_load %arg6[%get3A_120] {strides = array<i32>} : memref<16384xf32, #tpu.memory_space<vmem>>, vector<16xf32>,
      %add3A_122 = arith.addf %add3A_115, %get3A_121 : vector<16xf32>
      %mul3A_123 = arith.constant 16 : i32
      %mul3A_124 = arith.muli %scan3A_24, %mul3A_123 : i32
      %add3A_125 = arith.constant 14336 : i32
      %add3A_126 = arith.addi %add3A_125, %mul3A_124 : i32
      %get3A_127 = arith.index_cast %add3A_126 : i32 to index
      %get3A_128 = tpu.vector_load %arg6[%get3A_127] {strides = array<i32>} : memref<16384xf32, #tpu.memory_space<vmem>>, vector<16xf32>,
      %add3A_129 = arith.addf %add3A_122, %get3A_128 : vector<16xf32>
      %mul3A_130 = arith.constant 16 : i32
      %mul3A_131 = arith.muli %scan3A_24, %mul3A_130 : i32
      %add3A_132 = arith.constant 15360 : i32
      %add3A_133 = arith.addi %add3A_132, %mul3A_131 : i32
      %get3A_134 = arith.index_cast %add3A_133 : i32 to index
      %get3A_135 = tpu.vector_load %arg6[%get3A_134] {strides = array<i32>} : memref<16384xf32, #tpu.memory_space<vmem>>, vector<16xf32>,
      %add3A_136 = arith.addf %add3A_129, %get3A_135 : vector<16xf32>
      %mul3A_137 = arith.constant 16 : i32
      %mul3A_138 = arith.muli %scan3A_24, %mul3A_137 : i32
      %swap3A = arith.index_cast %mul3A_138 : i32 to index
      %swap3A_139 = tpu.vector_load %arg7[%swap3A] {strides = array<i32>} : memref<1024xf32, #tpu.memory_space<vmem>>, vector<16xf32>,
      tpu.vector_store %arg7[%swap3A], %add3A_136 {strides = array<i32>} : memref<1024xf32, #tpu.memory_space<vmem>>, vector<16xf32>,
    }
    %scan3A_23 = arith.constant 64 : i32
    "tpu.region"() ({
      %run_scoped3A = tpu.sem_alloc : memref<!tpu.dma_semaphore, #tpu.memory_space<semaphore_mem>>
      %dma_start3A = arith.constant 0 : i32
      %dma_start3A_24 = tpu.memref_slice %arg4[%add3A, %dma_start3A] : memref<32x1024xf32, #tpu.memory_space<hbm>> -> memref<1x1024xf32, #tpu.memory_space<hbm>>
      %dma_start3A_25 = tpu.memref_squeeze %dma_start3A_24 : memref<1x1024xf32, #tpu.memory_space<hbm>> -> memref<1024xf32, #tpu.memory_space<hbm>>
      %dma_start3A_26 = arith.constant 0 : i32
      %dma_start3A_27 = tpu.memref_slice %arg4[%add3A, %dma_start3A_26] : memref<32x1024xf32, #tpu.memory_space<hbm>> -> memref<1x1024xf32, #tpu.memory_space<hbm>>
      %dma_start3A_28 = tpu.memref_squeeze %dma_start3A_27 : memref<1x1024xf32, #tpu.memory_space<hbm>> -> memref<1024xf32, #tpu.memory_space<hbm>>
      tpu.enqueue_dma source(%arg7 : memref<1024xf32, #tpu.memory_space<vmem>>) target(%dma_start3A_28 : memref<1024xf32, #tpu.memory_space<hbm>>) target_semaphore(%run_scoped3A : memref<!tpu.dma_semaphore, #tpu.memory_space<semaphore_mem>>)
      %dma_wait3A = arith.constant 0 : i32
      %dma_wait3A_29 = tpu.memref_slice %arg4[%add3A, %dma_wait3A] : memref<32x1024xf32, #tpu.memory_space<hbm>> -> memref<1x1024xf32, #tpu.memory_space<hbm>>
      %dma_wait3A_30 = tpu.memref_squeeze %dma_wait3A_29 : memref<1x1024xf32, #tpu.memory_space<hbm>> -> memref<1024xf32, #tpu.memory_space<hbm>>
      %dma_wait3A_31 = arith.constant 0 : i32
      %dma_wait3A_32 = tpu.memref_slice %arg4[%add3A, %dma_wait3A_31] : memref<32x1024xf32, #tpu.memory_space<hbm>> -> memref<1x1024xf32, #tpu.memory_space<hbm>>
      %dma_wait3A_33 = tpu.memref_squeeze %dma_wait3A_32 : memref<1x1024xf32, #tpu.memory_space<hbm>> -> memref<1024xf32, #tpu.memory_space<hbm>>
      tpu.wait_dma2 semaphore(%run_scoped3A : memref<!tpu.dma_semaphore, #tpu.memory_space<semaphore_mem>>) src(%arg7 : memref<1024xf32, #tpu.memory_space<vmem>>) dst(%dma_wait3A_33 : memref<1024xf32, #tpu.memory_space<hbm>>)
      tpu.yield
    }) : () -> ()
    return
  }
}

#map = affine_map<(d0, d1) -> (0)>
#map1 = affine_map<(d0, d1) -> (0, 0)>
module attributes {stable_mosaic.version = 14 : i64} {
  func.func @final_kernel(%arg0: i32, %arg1: i32, %arg2: memref<2097152xi32, #tpu.memory_space<hbm>>, %arg3: memref<2097152xf32, #tpu.memory_space<hbm>>, %arg4: memref<16xi32, #tpu.memory_space<hbm>>, %arg5: memref<32x16xf32, #tpu.memory_space<hbm>>, %arg6: memref<8192xi32, #tpu.memory_space<vmem>>, %arg7: memref<8192xf32, #tpu.memory_space<vmem>>, %arg8: memref<16xi32, #tpu.memory_space<vmem>>, %arg9: memref<16xf32, #tpu.memory_space<vmem>>) attributes {dimension_semantics = [#tpu.dimension_semantics<core_parallel>, #tpu.dimension_semantics<subcore_parallel>], iteration_bounds = array<i64: 2, 16>, scalar_prefetch = 0 : i64, scratch_operands = 4 : i64, tpu.core_type = #tpu.core_type<sc_vector_subcore>, window_params = [{transform_indices = #map}, {transform_indices = #map}, {transform_indices = #map}, {transform_indices = #map1}]} {
    %mul3A = arith.constant 2 : i32
    %mul3A_0 = arith.muli %arg1, %mul3A : i32
    %add3A = arith.addi %mul3A_0, %arg0 : i32
    %mul3A_1 = arith.constant 65536 : i32
    %mul3A_2 = arith.muli %add3A, %mul3A_1 : i32
    "tpu.region"() ({
      %run_scoped3A = tpu.sem_alloc : memref<!tpu.dma_semaphore, #tpu.memory_space<semaphore_mem>>
      tpu.enqueue_dma source(%arg4 : memref<16xi32, #tpu.memory_space<hbm>>) target(%arg8 : memref<16xi32, #tpu.memory_space<vmem>>) target_semaphore(%run_scoped3A : memref<!tpu.dma_semaphore, #tpu.memory_space<semaphore_mem>>)
      tpu.wait_dma2 semaphore(%run_scoped3A : memref<!tpu.dma_semaphore, #tpu.memory_space<semaphore_mem>>) src(%arg4 : memref<16xi32, #tpu.memory_space<hbm>>) dst(%arg8 : memref<16xi32, #tpu.memory_space<vmem>>)
      tpu.yield
    }) : () -> ()
    %get3A = arith.constant 0 : index
    %get3A_3 = tpu.vector_load %arg8[%get3A] {strides = array<i32>} : memref<16xi32, #tpu.memory_space<vmem>>, vector<16xi32>,
    %slice3A = vector.extract_strided_slice %get3A_3 {offsets = [0], sizes = [1], strides = [1]} : vector<16xi32> to vector<1xi32>
    %squeeze3A = vector.extract %slice3A[0] : i32 from vector<1xi32>
    %iota3A = tpu.iota {dimensions = array<i32: 0>} : vector<16xi32>
    %broadcast_in_dim3A = arith.constant 0.000000e+00 : f32
    %broadcast_in_dim3A_4 = vector.broadcast %broadcast_in_dim3A : f32 to vector<16xf32>
    %scan3A = arith.constant 0 : i32
    %scan3A_5 = arith.constant 8 : i32
    %scan3A_6 = arith.addi %scan3A, %scan3A_5 : i32
    %scan3A_7 = arith.constant 1 : i32
    %scan3A_8:2 = scf.for %scan3A_27 = %scan3A to %scan3A_6 step %scan3A_7 iter_args(%scan3A_28 = %broadcast_in_dim3A_4, %scan3A_29 = %broadcast_in_dim3A_4) -> (vector<16xf32>, vector<16xf32>)  : i32 {
      %mul3A_30 = arith.constant 8192 : i32
      %mul3A_31 = arith.muli %scan3A_27, %mul3A_30 : i32
      %add3A_32 = arith.addi %mul3A_2, %mul3A_31 : i32
      "tpu.region"() ({
        %run_scoped3A = tpu.sem_alloc : memref<!tpu.dma_semaphore, #tpu.memory_space<semaphore_mem>>
        %dma_start3A = tpu.memref_slice %arg2[%add3A_32] : memref<2097152xi32, #tpu.memory_space<hbm>> -> memref<8192xi32, #tpu.memory_space<hbm>>
        %dma_start3A_42 = tpu.memref_slice %arg2[%add3A_32] : memref<2097152xi32, #tpu.memory_space<hbm>> -> memref<8192xi32, #tpu.memory_space<hbm>>
        tpu.enqueue_dma source(%dma_start3A_42 : memref<8192xi32, #tpu.memory_space<hbm>>) target(%arg6 : memref<8192xi32, #tpu.memory_space<vmem>>) target_semaphore(%run_scoped3A : memref<!tpu.dma_semaphore, #tpu.memory_space<semaphore_mem>>)
        %dma_wait3A = tpu.memref_slice %arg2[%add3A_32] : memref<2097152xi32, #tpu.memory_space<hbm>> -> memref<8192xi32, #tpu.memory_space<hbm>>
        %dma_wait3A_43 = tpu.memref_slice %arg2[%add3A_32] : memref<2097152xi32, #tpu.memory_space<hbm>> -> memref<8192xi32, #tpu.memory_space<hbm>>
        tpu.wait_dma2 semaphore(%run_scoped3A : memref<!tpu.dma_semaphore, #tpu.memory_space<semaphore_mem>>) src(%dma_wait3A_43 : memref<8192xi32, #tpu.memory_space<hbm>>) dst(%arg6 : memref<8192xi32, #tpu.memory_space<vmem>>)
        tpu.yield
      }) : () -> ()
      %mul3A_33 = arith.constant 8192 : i32
      %mul3A_34 = arith.muli %scan3A_27, %mul3A_33 : i32
      %add3A_35 = arith.addi %mul3A_2, %mul3A_34 : i32
      "tpu.region"() ({
        %run_scoped3A = tpu.sem_alloc : memref<!tpu.dma_semaphore, #tpu.memory_space<semaphore_mem>>
        %dma_start3A = tpu.memref_slice %arg3[%add3A_35] : memref<2097152xf32, #tpu.memory_space<hbm>> -> memref<8192xf32, #tpu.memory_space<hbm>>
        %dma_start3A_42 = tpu.memref_slice %arg3[%add3A_35] : memref<2097152xf32, #tpu.memory_space<hbm>> -> memref<8192xf32, #tpu.memory_space<hbm>>
        tpu.enqueue_dma source(%dma_start3A_42 : memref<8192xf32, #tpu.memory_space<hbm>>) target(%arg7 : memref<8192xf32, #tpu.memory_space<vmem>>) target_semaphore(%run_scoped3A : memref<!tpu.dma_semaphore, #tpu.memory_space<semaphore_mem>>)
        %dma_wait3A = tpu.memref_slice %arg3[%add3A_35] : memref<2097152xf32, #tpu.memory_space<hbm>> -> memref<8192xf32, #tpu.memory_space<hbm>>
        %dma_wait3A_43 = tpu.memref_slice %arg3[%add3A_35] : memref<2097152xf32, #tpu.memory_space<hbm>> -> memref<8192xf32, #tpu.memory_space<hbm>>
        tpu.wait_dma2 semaphore(%run_scoped3A : memref<!tpu.dma_semaphore, #tpu.memory_space<semaphore_mem>>) src(%dma_wait3A_43 : memref<8192xf32, #tpu.memory_space<hbm>>) dst(%arg7 : memref<8192xf32, #tpu.memory_space<vmem>>)
        tpu.yield
      }) : () -> ()
      %scan3A_36 = arith.constant 0 : i32
      %scan3A_37 = arith.constant 512 : i32
      %scan3A_38 = arith.addi %scan3A_36, %scan3A_37 : i32
      %scan3A_39 = arith.constant 1 : i32
      %scan3A_40:2 = scf.for %scan3A_42 = %scan3A_36 to %scan3A_38 step %scan3A_39 iter_args(%scan3A_43 = %scan3A_28, %scan3A_44 = %scan3A_29) -> (vector<16xf32>, vector<16xf32>)  : i32 {
        %mul3A_45 = arith.constant 16 : i32
        %mul3A_46 = arith.muli %scan3A_42, %mul3A_45 : i32
        %get3A_47 = arith.index_cast %mul3A_46 : i32 to index
        %get3A_48 = tpu.vector_load %arg6[%get3A_47] {strides = array<i32>} : memref<8192xi32, #tpu.memory_space<vmem>>, vector<16xi32>,
        %mul3A_49 = arith.constant 16 : i32
        %mul3A_50 = arith.muli %scan3A_42, %mul3A_49 : i32
        %get3A_51 = arith.index_cast %mul3A_50 : i32 to index
        %get3A_52 = tpu.vector_load %arg7[%get3A_51] {strides = array<i32>} : memref<8192xf32, #tpu.memory_space<vmem>>, vector<16xf32>,
        %lt3A = vector.broadcast %squeeze3A : i32 to vector<16xi32>
        %lt3A_53 = arith.cmpi slt, %get3A_48, %lt3A : vector<16xi32>
        %jit3A_54 = arith.constant 0.000000e+00 : f32
        %broadcast_in_dim3A_55 = vector.broadcast %jit3A_54 : f32 to vector<16xf32>
        %select_n3A_56 = arith.select %lt3A_53, %get3A_52, %broadcast_in_dim3A_55 : vector<16xi1>, vector<16xf32>
        %add3A_57 = arith.addf %scan3A_43, %select_n3A_56 : vector<16xf32>
        %jit3A_58 = arith.constant 1.000000e+00 : f32
        %jit3A_59 = arith.constant 0.000000e+00 : f32
        %broadcast_in_dim3A_60 = vector.broadcast %jit3A_58 : f32 to vector<16xf32>
        %broadcast_in_dim3A_61 = vector.broadcast %jit3A_59 : f32 to vector<16xf32>
        %select_n3A_62 = arith.select %lt3A_53, %broadcast_in_dim3A_60, %broadcast_in_dim3A_61 : vector<16xi1>, vector<16xf32>
        %add3A_63 = arith.addf %scan3A_44, %select_n3A_62 : vector<16xf32>
        scf.yield %add3A_57, %add3A_63 : vector<16xf32>, vector<16xf32>
      }
      %scan3A_41 = arith.constant 512 : i32
      scf.yield %scan3A_40#0, %scan3A_40#1 : vector<16xf32>, vector<16xf32>
    }
    %scan3A_9 = arith.constant 8 : i32
    %reduce_sum3A = arith.constant true
    %reduce_sum3A_10 = vector.broadcast %reduce_sum3A : i1 to vector<16xi1>
    %reduce_sum3A_11 = tpu.scan <sum>, %scan3A_8#0 masked %reduce_sum3A_10 : vector<16xf32>, vector<16xi1> -> vector<16xf32>
    %reduce_sum3A_12 = vector.extract %reduce_sum3A_11[15] : f32 from vector<16xf32>
    %reduce_sum3A_13 = arith.constant true
    %reduce_sum3A_14 = vector.broadcast %reduce_sum3A_13 : i1 to vector<16xi1>
    %reduce_sum3A_15 = tpu.scan <sum>, %scan3A_8#1 masked %reduce_sum3A_14 : vector<16xf32>, vector<16xi1> -> vector<16xf32>
    %reduce_sum3A_16 = vector.extract %reduce_sum3A_15[15] : f32 from vector<16xf32>
    %eq3A = arith.constant 0 : i32
    %eq3A_17 = vector.broadcast %eq3A : i32 to vector<16xi32>
    %eq3A_18 = arith.cmpi eq, %iota3A, %eq3A_17 : vector<16xi32>
    %eq3A_19 = arith.constant 1 : i32
    %eq3A_20 = vector.broadcast %eq3A_19 : i32 to vector<16xi32>
    %eq3A_21 = arith.cmpi eq, %iota3A, %eq3A_20 : vector<16xi32>
    %jit3A = arith.constant 0.000000e+00 : f32
    %broadcast_in_dim3A_22 = vector.broadcast %reduce_sum3A_16 : f32 to vector<16xf32>
    %broadcast_in_dim3A_23 = vector.broadcast %jit3A : f32 to vector<16xf32>
    %select_n3A = arith.select %eq3A_21, %broadcast_in_dim3A_22, %broadcast_in_dim3A_23 : vector<16xi1>, vector<16xf32>
    %broadcast_in_dim3A_24 = vector.broadcast %reduce_sum3A_12 : f32 to vector<16xf32>
    %select_n3A_25 = arith.select %eq3A_18, %broadcast_in_dim3A_24, %select_n3A : vector<16xi1>, vector<16xf32>
    %swap3A = arith.constant 0 : index
    %swap3A_26 = tpu.vector_load %arg9[%swap3A] {strides = array<i32>} : memref<16xf32, #tpu.memory_space<vmem>>, vector<16xf32>,
    tpu.vector_store %arg9[%swap3A], %select_n3A_25 {strides = array<i32>} : memref<16xf32, #tpu.memory_space<vmem>>, vector<16xf32>,
    "tpu.region"() ({
      %run_scoped3A = tpu.sem_alloc : memref<!tpu.dma_semaphore, #tpu.memory_space<semaphore_mem>>
      %dma_start3A = arith.constant 0 : i32
      %dma_start3A_27 = tpu.memref_slice %arg5[%add3A, %dma_start3A] : memref<32x16xf32, #tpu.memory_space<hbm>> -> memref<1x16xf32, #tpu.memory_space<hbm>>
      %dma_start3A_28 = tpu.memref_squeeze %dma_start3A_27 : memref<1x16xf32, #tpu.memory_space<hbm>> -> memref<16xf32, #tpu.memory_space<hbm>>
      %dma_start3A_29 = arith.constant 0 : i32
      %dma_start3A_30 = tpu.memref_slice %arg5[%add3A, %dma_start3A_29] : memref<32x16xf32, #tpu.memory_space<hbm>> -> memref<1x16xf32, #tpu.memory_space<hbm>>
      %dma_start3A_31 = tpu.memref_squeeze %dma_start3A_30 : memref<1x16xf32, #tpu.memory_space<hbm>> -> memref<16xf32, #tpu.memory_space<hbm>>
      tpu.enqueue_dma source(%arg9 : memref<16xf32, #tpu.memory_space<vmem>>) target(%dma_start3A_31 : memref<16xf32, #tpu.memory_space<hbm>>) target_semaphore(%run_scoped3A : memref<!tpu.dma_semaphore, #tpu.memory_space<semaphore_mem>>)
      %dma_wait3A = arith.constant 0 : i32
      %dma_wait3A_32 = tpu.memref_slice %arg5[%add3A, %dma_wait3A] : memref<32x16xf32, #tpu.memory_space<hbm>> -> memref<1x16xf32, #tpu.memory_space<hbm>>
      %dma_wait3A_33 = tpu.memref_squeeze %dma_wait3A_32 : memref<1x16xf32, #tpu.memory_space<hbm>> -> memref<16xf32, #tpu.memory_space<hbm>>
      %dma_wait3A_34 = arith.constant 0 : i32
      %dma_wait3A_35 = tpu.memref_slice %arg5[%add3A, %dma_wait3A_34] : memref<32x16xf32, #tpu.memory_space<hbm>> -> memref<1x16xf32, #tpu.memory_space<hbm>>
      %dma_wait3A_36 = tpu.memref_squeeze %dma_wait3A_35 : memref<1x16xf32, #tpu.memory_space<hbm>> -> memref<16xf32, #tpu.memory_space<hbm>>
      tpu.wait_dma2 semaphore(%run_scoped3A : memref<!tpu.dma_semaphore, #tpu.memory_space<semaphore_mem>>) src(%arg9 : memref<16xf32, #tpu.memory_space<vmem>>) dst(%dma_wait3A_36 : memref<16xf32, #tpu.memory_space<hbm>>)
      tpu.yield
    }) : () -> ()
    return
  }
}

#map = affine_map<(d0, d1) -> (0)>
#map1 = affine_map<(d0, d1) -> (0, 0)>
module attributes {stable_mosaic.version = 14 : i64} {
  func.func @reduce_kernel(%arg0: i32, %arg1: i32, %arg2: memref<2097152xi32, #tpu.memory_space<hbm>>, %arg3: memref<2097152xf32, #tpu.memory_space<hbm>>, %arg4: memref<32x16xf32, #tpu.memory_space<hbm>>, %arg5: memref<16384xi32, #tpu.memory_space<vmem>>, %arg6: memref<16384xi32, #tpu.memory_space<vmem>>, %arg7: memref<16384xf32, #tpu.memory_space<vmem>>, %arg8: memref<16384xf32, #tpu.memory_space<vmem>>, %arg9: memref<16xf32, #tpu.memory_space<vmem>>, %arg10: memref<!tpu.dma_semaphore, #tpu.memory_space<semaphore_mem>>, %arg11: memref<!tpu.dma_semaphore, #tpu.memory_space<semaphore_mem>>) attributes {dimension_semantics = [#tpu.dimension_semantics<core_parallel>, #tpu.dimension_semantics<subcore_parallel>], iteration_bounds = array<i64: 2, 16>, scalar_prefetch = 0 : i64, scratch_operands = 7 : i64, tpu.core_type = #tpu.core_type<sc_vector_subcore>, window_params = [{transform_indices = #map}, {transform_indices = #map}, {transform_indices = #map1}]} {
    %mul3A = arith.constant 2 : i32
    %mul3A_0 = arith.muli %arg1, %mul3A : i32
    %add3A = arith.addi %mul3A_0, %arg0 : i32
    %mul3A_1 = arith.constant 65536 : i32
    %mul3A_2 = arith.muli %add3A, %mul3A_1 : i32
    %iota3A = tpu.iota {dimensions = array<i32: 0>} : vector<16xi32>
    %broadcast_in_dim3A = arith.constant 0.000000e+00 : f32
    %broadcast_in_dim3A_3 = vector.broadcast %broadcast_in_dim3A : f32 to vector<16xf32>
    %add3A_4 = arith.constant 0 : i32
    %add3A_5 = arith.addi %mul3A_2, %add3A_4 : i32
    %dma_start3A = tpu.memref_slice %arg2[%add3A_5] : memref<2097152xi32, #tpu.memory_space<hbm>> -> memref<16384xi32, #tpu.memory_space<hbm>>
    %dma_start3A_6 = tpu.memref_slice %arg2[%add3A_5] : memref<2097152xi32, #tpu.memory_space<hbm>> -> memref<16384xi32, #tpu.memory_space<hbm>>
    tpu.enqueue_dma source(%dma_start3A_6 : memref<16384xi32, #tpu.memory_space<hbm>>) target(%arg5 : memref<16384xi32, #tpu.memory_space<vmem>>) target_semaphore(%arg10 : memref<!tpu.dma_semaphore, #tpu.memory_space<semaphore_mem>>)
    %dma_start3A_7 = tpu.memref_slice %arg3[%add3A_5] : memref<2097152xf32, #tpu.memory_space<hbm>> -> memref<16384xf32, #tpu.memory_space<hbm>>
    %dma_start3A_8 = tpu.memref_slice %arg3[%add3A_5] : memref<2097152xf32, #tpu.memory_space<hbm>> -> memref<16384xf32, #tpu.memory_space<hbm>>
    tpu.enqueue_dma source(%dma_start3A_8 : memref<16384xf32, #tpu.memory_space<hbm>>) target(%arg7 : memref<16384xf32, #tpu.memory_space<vmem>>) target_semaphore(%arg10 : memref<!tpu.dma_semaphore, #tpu.memory_space<semaphore_mem>>)
    %dma_wait3A = tpu.memref_slice %arg2[%add3A_5] : memref<2097152xi32, #tpu.memory_space<hbm>> -> memref<16384xi32, #tpu.memory_space<hbm>>
    %dma_wait3A_9 = tpu.memref_slice %arg2[%add3A_5] : memref<2097152xi32, #tpu.memory_space<hbm>> -> memref<16384xi32, #tpu.memory_space<hbm>>
    tpu.wait_dma2 semaphore(%arg10 : memref<!tpu.dma_semaphore, #tpu.memory_space<semaphore_mem>>) src(%dma_wait3A_9 : memref<16384xi32, #tpu.memory_space<hbm>>) dst(%arg5 : memref<16384xi32, #tpu.memory_space<vmem>>)
    %dma_wait3A_10 = tpu.memref_slice %arg3[%add3A_5] : memref<2097152xf32, #tpu.memory_space<hbm>> -> memref<16384xf32, #tpu.memory_space<hbm>>
    %dma_wait3A_11 = tpu.memref_slice %arg3[%add3A_5] : memref<2097152xf32, #tpu.memory_space<hbm>> -> memref<16384xf32, #tpu.memory_space<hbm>>
    tpu.wait_dma2 semaphore(%arg10 : memref<!tpu.dma_semaphore, #tpu.memory_space<semaphore_mem>>) src(%dma_wait3A_11 : memref<16384xf32, #tpu.memory_space<hbm>>) dst(%arg7 : memref<16384xf32, #tpu.memory_space<vmem>>)
    %add3A_12 = arith.constant 16384 : i32
    %add3A_13 = arith.addi %mul3A_2, %add3A_12 : i32
    %dma_start3A_14 = tpu.memref_slice %arg2[%add3A_13] : memref<2097152xi32, #tpu.memory_space<hbm>> -> memref<16384xi32, #tpu.memory_space<hbm>>
    %dma_start3A_15 = tpu.memref_slice %arg2[%add3A_13] : memref<2097152xi32, #tpu.memory_space<hbm>> -> memref<16384xi32, #tpu.memory_space<hbm>>
    tpu.enqueue_dma source(%dma_start3A_15 : memref<16384xi32, #tpu.memory_space<hbm>>) target(%arg6 : memref<16384xi32, #tpu.memory_space<vmem>>) target_semaphore(%arg11 : memref<!tpu.dma_semaphore, #tpu.memory_space<semaphore_mem>>)
    %dma_start3A_16 = tpu.memref_slice %arg3[%add3A_13] : memref<2097152xf32, #tpu.memory_space<hbm>> -> memref<16384xf32, #tpu.memory_space<hbm>>
    %dma_start3A_17 = tpu.memref_slice %arg3[%add3A_13] : memref<2097152xf32, #tpu.memory_space<hbm>> -> memref<16384xf32, #tpu.memory_space<hbm>>
    tpu.enqueue_dma source(%dma_start3A_17 : memref<16384xf32, #tpu.memory_space<hbm>>) target(%arg8 : memref<16384xf32, #tpu.memory_space<vmem>>) target_semaphore(%arg11 : memref<!tpu.dma_semaphore, #tpu.memory_space<semaphore_mem>>)
    %scan3A = arith.constant 0 : i32
    %scan3A_18 = arith.constant 256 : i32
    %scan3A_19 = arith.addi %scan3A, %scan3A_18 : i32
    %scan3A_20 = arith.constant 1 : i32
    %scan3A_21:2 = scf.for %scan3A_82 = %scan3A to %scan3A_19 step %scan3A_20 iter_args(%scan3A_83 = %broadcast_in_dim3A_3, %scan3A_84 = %broadcast_in_dim3A_3) -> (vector<16xf32>, vector<16xf32>)  : i32 {
      %mul3A_85 = arith.constant 64 : i32
      %mul3A_86 = arith.muli %scan3A_82, %mul3A_85 : i32
      %add3A_87 = arith.constant 0 : i32
      %add3A_88 = arith.addi %mul3A_86, %add3A_87 : i32
      %get3A = arith.index_cast %add3A_88 : i32 to index
      %get3A_89 = tpu.vector_load %arg5[%get3A] {strides = array<i32>} : memref<16384xi32, #tpu.memory_space<vmem>>, vector<16xi32>,
      %get3A_90 = arith.index_cast %add3A_88 : i32 to index
      %get3A_91 = tpu.vector_load %arg7[%get3A_90] {strides = array<i32>} : memref<16384xf32, #tpu.memory_space<vmem>>, vector<16xf32>,
      %lt3A = arith.constant 1060320051 : i32
      %lt3A_92 = vector.broadcast %lt3A : i32 to vector<16xi32>
      %lt3A_93 = arith.cmpi slt, %get3A_89, %lt3A_92 : vector<16xi32>
      %jit3A_94 = arith.constant 1.000000e+00 : f32
      %jit3A_95 = arith.constant 0.000000e+00 : f32
      %broadcast_in_dim3A_96 = vector.broadcast %jit3A_94 : f32 to vector<16xf32>
      %broadcast_in_dim3A_97 = vector.broadcast %jit3A_95 : f32 to vector<16xf32>
      %select_n3A_98 = arith.select %lt3A_93, %broadcast_in_dim3A_96, %broadcast_in_dim3A_97 : vector<16xi1>, vector<16xf32>
      %add3A_99 = arith.addf %scan3A_83, %select_n3A_98 : vector<16xf32>
      %jit3A_100 = arith.constant 0.000000e+00 : f32
      %broadcast_in_dim3A_101 = vector.broadcast %jit3A_100 : f32 to vector<16xf32>
      %select_n3A_102 = arith.select %lt3A_93, %get3A_91, %broadcast_in_dim3A_101 : vector<16xi1>, vector<16xf32>
      %add3A_103 = arith.addf %scan3A_84, %select_n3A_102 : vector<16xf32>
      %mul3A_104 = arith.constant 64 : i32
      %mul3A_105 = arith.muli %scan3A_82, %mul3A_104 : i32
      %add3A_106 = arith.constant 16 : i32
      %add3A_107 = arith.addi %mul3A_105, %add3A_106 : i32
      %get3A_108 = arith.index_cast %add3A_107 : i32 to index
      %get3A_109 = tpu.vector_load %arg5[%get3A_108] {strides = array<i32>} : memref<16384xi32, #tpu.memory_space<vmem>>, vector<16xi32>,
      %get3A_110 = arith.index_cast %add3A_107 : i32 to index
      %get3A_111 = tpu.vector_load %arg7[%get3A_110] {strides = array<i32>} : memref<16384xf32, #tpu.memory_space<vmem>>, vector<16xf32>,
      %lt3A_112 = arith.constant 1060320051 : i32
      %lt3A_113 = vector.broadcast %lt3A_112 : i32 to vector<16xi32>
      %lt3A_114 = arith.cmpi slt, %get3A_109, %lt3A_113 : vector<16xi32>
      %jit3A_115 = arith.constant 1.000000e+00 : f32
      %jit3A_116 = arith.constant 0.000000e+00 : f32
      %broadcast_in_dim3A_117 = vector.broadcast %jit3A_115 : f32 to vector<16xf32>
      %broadcast_in_dim3A_118 = vector.broadcast %jit3A_116 : f32 to vector<16xf32>
      %select_n3A_119 = arith.select %lt3A_114, %broadcast_in_dim3A_117, %broadcast_in_dim3A_118 : vector<16xi1>, vector<16xf32>
      %add3A_120 = arith.addf %add3A_99, %select_n3A_119 : vector<16xf32>
      %jit3A_121 = arith.constant 0.000000e+00 : f32
      %broadcast_in_dim3A_122 = vector.broadcast %jit3A_121 : f32 to vector<16xf32>
      %select_n3A_123 = arith.select %lt3A_114, %get3A_111, %broadcast_in_dim3A_122 : vector<16xi1>, vector<16xf32>
      %add3A_124 = arith.addf %add3A_103, %select_n3A_123 : vector<16xf32>
      %mul3A_125 = arith.constant 64 : i32
      %mul3A_126 = arith.muli %scan3A_82, %mul3A_125 : i32
      %add3A_127 = arith.constant 32 : i32
      %add3A_128 = arith.addi %mul3A_126, %add3A_127 : i32
      %get3A_129 = arith.index_cast %add3A_128 : i32 to index
      %get3A_130 = tpu.vector_load %arg5[%get3A_129] {strides = array<i32>} : memref<16384xi32, #tpu.memory_space<vmem>>, vector<16xi32>,
      %get3A_131 = arith.index_cast %add3A_128 : i32 to index
      %get3A_132 = tpu.vector_load %arg7[%get3A_131] {strides = array<i32>} : memref<16384xf32, #tpu.memory_space<vmem>>, vector<16xf32>,
      %lt3A_133 = arith.constant 1060320051 : i32
      %lt3A_134 = vector.broadcast %lt3A_133 : i32 to vector<16xi32>
      %lt3A_135 = arith.cmpi slt, %get3A_130, %lt3A_134 : vector<16xi32>
      %jit3A_136 = arith.constant 1.000000e+00 : f32
      %jit3A_137 = arith.constant 0.000000e+00 : f32
      %broadcast_in_dim3A_138 = vector.broadcast %jit3A_136 : f32 to vector<16xf32>
      %broadcast_in_dim3A_139 = vector.broadcast %jit3A_137 : f32 to vector<16xf32>
      %select_n3A_140 = arith.select %lt3A_135, %broadcast_in_dim3A_138, %broadcast_in_dim3A_139 : vector<16xi1>, vector<16xf32>
      %add3A_141 = arith.addf %add3A_120, %select_n3A_140 : vector<16xf32>
      %jit3A_142 = arith.constant 0.000000e+00 : f32
      %broadcast_in_dim3A_143 = vector.broadcast %jit3A_142 : f32 to vector<16xf32>
      %select_n3A_144 = arith.select %lt3A_135, %get3A_132, %broadcast_in_dim3A_143 : vector<16xi1>, vector<16xf32>
      %add3A_145 = arith.addf %add3A_124, %select_n3A_144 : vector<16xf32>
      %mul3A_146 = arith.constant 64 : i32
      %mul3A_147 = arith.muli %scan3A_82, %mul3A_146 : i32
      %add3A_148 = arith.constant 48 : i32
      %add3A_149 = arith.addi %mul3A_147, %add3A_148 : i32
      %get3A_150 = arith.index_cast %add3A_149 : i32 to index
      %get3A_151 = tpu.vector_load %arg5[%get3A_150] {strides = array<i32>} : memref<16384xi32, #tpu.memory_space<vmem>>, vector<16xi32>,
      %get3A_152 = arith.index_cast %add3A_149 : i32 to index
      %get3A_153 = tpu.vector_load %arg7[%get3A_152] {strides = array<i32>} : memref<16384xf32, #tpu.memory_space<vmem>>, vector<16xf32>,
      %lt3A_154 = arith.constant 1060320051 : i32
      %lt3A_155 = vector.broadcast %lt3A_154 : i32 to vector<16xi32>
      %lt3A_156 = arith.cmpi slt, %get3A_151, %lt3A_155 : vector<16xi32>
      %jit3A_157 = arith.constant 1.000000e+00 : f32
      %jit3A_158 = arith.constant 0.000000e+00 : f32
      %broadcast_in_dim3A_159 = vector.broadcast %jit3A_157 : f32 to vector<16xf32>
      %broadcast_in_dim3A_160 = vector.broadcast %jit3A_158 : f32 to vector<16xf32>
      %select_n3A_161 = arith.select %lt3A_156, %broadcast_in_dim3A_159, %broadcast_in_dim3A_160 : vector<16xi1>, vector<16xf32>
      %add3A_162 = arith.addf %add3A_141, %select_n3A_161 : vector<16xf32>
      %jit3A_163 = arith.constant 0.000000e+00 : f32
      %broadcast_in_dim3A_164 = vector.broadcast %jit3A_163 : f32 to vector<16xf32>
      %select_n3A_165 = arith.select %lt3A_156, %get3A_153, %broadcast_in_dim3A_164 : vector<16xi1>, vector<16xf32>
      %add3A_166 = arith.addf %add3A_145, %select_n3A_165 : vector<16xf32>
      scf.yield %add3A_162, %add3A_166 : vector<16xf32>, vector<16xf32>
    }
    %scan3A_22 = arith.constant 256 : i32
    %dma_wait3A_23 = tpu.memref_slice %arg2[%add3A_13] : memref<2097152xi32, #tpu.memory_space<hbm>> -> memref<16384xi32, #tpu.memory_space<hbm>>
    %dma_wait3A_24 = tpu.memref_slice %arg2[%add3A_13] : memref<2097152xi32, #tpu.memory_space<hbm>> -> memref<16384xi32, #tpu.memory_space<hbm>>
    tpu.wait_dma2 semaphore(%arg11 : memref<!tpu.dma_semaphore, #tpu.memory_space<semaphore_mem>>) src(%dma_wait3A_24 : memref<16384xi32, #tpu.memory_space<hbm>>) dst(%arg6 : memref<16384xi32, #tpu.memory_space<vmem>>)
    %dma_wait3A_25 = tpu.memref_slice %arg3[%add3A_13] : memref<2097152xf32, #tpu.memory_space<hbm>> -> memref<16384xf32, #tpu.memory_space<hbm>>
    %dma_wait3A_26 = tpu.memref_slice %arg3[%add3A_13] : memref<2097152xf32, #tpu.memory_space<hbm>> -> memref<16384xf32, #tpu.memory_space<hbm>>
    tpu.wait_dma2 semaphore(%arg11 : memref<!tpu.dma_semaphore, #tpu.memory_space<semaphore_mem>>) src(%dma_wait3A_26 : memref<16384xf32, #tpu.memory_space<hbm>>) dst(%arg8 : memref<16384xf32, #tpu.memory_space<vmem>>)
    %add3A_27 = arith.constant 32768 : i32
    %add3A_28 = arith.addi %mul3A_2, %add3A_27 : i32
    %dma_start3A_29 = tpu.memref_slice %arg2[%add3A_28] : memref<2097152xi32, #tpu.memory_space<hbm>> -> memref<16384xi32, #tpu.memory_space<hbm>>
    %dma_start3A_30 = tpu.memref_slice %arg2[%add3A_28] : memref<2097152xi32, #tpu.memory_space<hbm>> -> memref<16384xi32, #tpu.memory_space<hbm>>
    tpu.enqueue_dma source(%dma_start3A_30 : memref<16384xi32, #tpu.memory_space<hbm>>) target(%arg5 : memref<16384xi32, #tpu.memory_space<vmem>>) target_semaphore(%arg10 : memref<!tpu.dma_semaphore, #tpu.memory_space<semaphore_mem>>)
    %dma_start3A_31 = tpu.memref_slice %arg3[%add3A_28] : memref<2097152xf32, #tpu.memory_space<hbm>> -> memref<16384xf32, #tpu.memory_space<hbm>>
    %dma_start3A_32 = tpu.memref_slice %arg3[%add3A_28] : memref<2097152xf32, #tpu.memory_space<hbm>> -> memref<16384xf32, #tpu.memory_space<hbm>>
    tpu.enqueue_dma source(%dma_start3A_32 : memref<16384xf32, #tpu.memory_space<hbm>>) target(%arg7 : memref<16384xf32, #tpu.memory_space<vmem>>) target_semaphore(%arg10 : memref<!tpu.dma_semaphore, #tpu.memory_space<semaphore_mem>>)
    %scan3A_33 = arith.constant 0 : i32
    %scan3A_34 = arith.constant 256 : i32
    %scan3A_35 = arith.addi %scan3A_33, %scan3A_34 : i32
    %scan3A_36 = arith.constant 1 : i32
    %scan3A_37:2 = scf.for %scan3A_82 = %scan3A_33 to %scan3A_35 step %scan3A_36 iter_args(%scan3A_83 = %scan3A_21#0, %scan3A_84 = %scan3A_21#1) -> (vector<16xf32>, vector<16xf32>)  : i32 {
      %mul3A_85 = arith.constant 64 : i32
      %mul3A_86 = arith.muli %scan3A_82, %mul3A_85 : i32
      %add3A_87 = arith.constant 0 : i32
      %add3A_88 = arith.addi %mul3A_86, %add3A_87 : i32
      %get3A = arith.index_cast %add3A_88 : i32 to index
      %get3A_89 = tpu.vector_load %arg6[%get3A] {strides = array<i32>} : memref<16384xi32, #tpu.memory_space<vmem>>, vector<16xi32>,
      %get3A_90 = arith.index_cast %add3A_88 : i32 to index
      %get3A_91 = tpu.vector_load %arg8[%get3A_90] {strides = array<i32>} : memref<16384xf32, #tpu.memory_space<vmem>>, vector<16xf32>,
      %lt3A = arith.constant 1060320051 : i32
      %lt3A_92 = vector.broadcast %lt3A : i32 to vector<16xi32>
      %lt3A_93 = arith.cmpi slt, %get3A_89, %lt3A_92 : vector<16xi32>
      %jit3A_94 = arith.constant 1.000000e+00 : f32
      %jit3A_95 = arith.constant 0.000000e+00 : f32
      %broadcast_in_dim3A_96 = vector.broadcast %jit3A_94 : f32 to vector<16xf32>
      %broadcast_in_dim3A_97 = vector.broadcast %jit3A_95 : f32 to vector<16xf32>
      %select_n3A_98 = arith.select %lt3A_93, %broadcast_in_dim3A_96, %broadcast_in_dim3A_97 : vector<16xi1>, vector<16xf32>
      %add3A_99 = arith.addf %scan3A_83, %select_n3A_98 : vector<16xf32>
      %jit3A_100 = arith.constant 0.000000e+00 : f32
      %broadcast_in_dim3A_101 = vector.broadcast %jit3A_100 : f32 to vector<16xf32>
      %select_n3A_102 = arith.select %lt3A_93, %get3A_91, %broadcast_in_dim3A_101 : vector<16xi1>, vector<16xf32>
      %add3A_103 = arith.addf %scan3A_84, %select_n3A_102 : vector<16xf32>
      %mul3A_104 = arith.constant 64 : i32
      %mul3A_105 = arith.muli %scan3A_82, %mul3A_104 : i32
      %add3A_106 = arith.constant 16 : i32
      %add3A_107 = arith.addi %mul3A_105, %add3A_106 : i32
      %get3A_108 = arith.index_cast %add3A_107 : i32 to index
      %get3A_109 = tpu.vector_load %arg6[%get3A_108] {strides = array<i32>} : memref<16384xi32, #tpu.memory_space<vmem>>, vector<16xi32>,
      %get3A_110 = arith.index_cast %add3A_107 : i32 to index
      %get3A_111 = tpu.vector_load %arg8[%get3A_110] {strides = array<i32>} : memref<16384xf32, #tpu.memory_space<vmem>>, vector<16xf32>,
      %lt3A_112 = arith.constant 1060320051 : i32
      %lt3A_113 = vector.broadcast %lt3A_112 : i32 to vector<16xi32>
      %lt3A_114 = arith.cmpi slt, %get3A_109, %lt3A_113 : vector<16xi32>
      %jit3A_115 = arith.constant 1.000000e+00 : f32
      %jit3A_116 = arith.constant 0.000000e+00 : f32
      %broadcast_in_dim3A_117 = vector.broadcast %jit3A_115 : f32 to vector<16xf32>
      %broadcast_in_dim3A_118 = vector.broadcast %jit3A_116 : f32 to vector<16xf32>
      %select_n3A_119 = arith.select %lt3A_114, %broadcast_in_dim3A_117, %broadcast_in_dim3A_118 : vector<16xi1>, vector<16xf32>
      %add3A_120 = arith.addf %add3A_99, %select_n3A_119 : vector<16xf32>
      %jit3A_121 = arith.constant 0.000000e+00 : f32
      %broadcast_in_dim3A_122 = vector.broadcast %jit3A_121 : f32 to vector<16xf32>
      %select_n3A_123 = arith.select %lt3A_114, %get3A_111, %broadcast_in_dim3A_122 : vector<16xi1>, vector<16xf32>
      %add3A_124 = arith.addf %add3A_103, %select_n3A_123 : vector<16xf32>
      %mul3A_125 = arith.constant 64 : i32
      %mul3A_126 = arith.muli %scan3A_82, %mul3A_125 : i32
      %add3A_127 = arith.constant 32 : i32
      %add3A_128 = arith.addi %mul3A_126, %add3A_127 : i32
      %get3A_129 = arith.index_cast %add3A_128 : i32 to index
      %get3A_130 = tpu.vector_load %arg6[%get3A_129] {strides = array<i32>} : memref<16384xi32, #tpu.memory_space<vmem>>, vector<16xi32>,
      %get3A_131 = arith.index_cast %add3A_128 : i32 to index
      %get3A_132 = tpu.vector_load %arg8[%get3A_131] {strides = array<i32>} : memref<16384xf32, #tpu.memory_space<vmem>>, vector<16xf32>,
      %lt3A_133 = arith.constant 1060320051 : i32
      %lt3A_134 = vector.broadcast %lt3A_133 : i32 to vector<16xi32>
      %lt3A_135 = arith.cmpi slt, %get3A_130, %lt3A_134 : vector<16xi32>
      %jit3A_136 = arith.constant 1.000000e+00 : f32
      %jit3A_137 = arith.constant 0.000000e+00 : f32
      %broadcast_in_dim3A_138 = vector.broadcast %jit3A_136 : f32 to vector<16xf32>
      %broadcast_in_dim3A_139 = vector.broadcast %jit3A_137 : f32 to vector<16xf32>
      %select_n3A_140 = arith.select %lt3A_135, %broadcast_in_dim3A_138, %broadcast_in_dim3A_139 : vector<16xi1>, vector<16xf32>
      %add3A_141 = arith.addf %add3A_120, %select_n3A_140 : vector<16xf32>
      %jit3A_142 = arith.constant 0.000000e+00 : f32
      %broadcast_in_dim3A_143 = vector.broadcast %jit3A_142 : f32 to vector<16xf32>
      %select_n3A_144 = arith.select %lt3A_135, %get3A_132, %broadcast_in_dim3A_143 : vector<16xi1>, vector<16xf32>
      %add3A_145 = arith.addf %add3A_124, %select_n3A_144 : vector<16xf32>
      %mul3A_146 = arith.constant 64 : i32
      %mul3A_147 = arith.muli %scan3A_82, %mul3A_146 : i32
      %add3A_148 = arith.constant 48 : i32
      %add3A_149 = arith.addi %mul3A_147, %add3A_148 : i32
      %get3A_150 = arith.index_cast %add3A_149 : i32 to index
      %get3A_151 = tpu.vector_load %arg6[%get3A_150] {strides = array<i32>} : memref<16384xi32, #tpu.memory_space<vmem>>, vector<16xi32>,
      %get3A_152 = arith.index_cast %add3A_149 : i32 to index
      %get3A_153 = tpu.vector_load %arg8[%get3A_152] {strides = array<i32>} : memref<16384xf32, #tpu.memory_space<vmem>>, vector<16xf32>,
      %lt3A_154 = arith.constant 1060320051 : i32
      %lt3A_155 = vector.broadcast %lt3A_154 : i32 to vector<16xi32>
      %lt3A_156 = arith.cmpi slt, %get3A_151, %lt3A_155 : vector<16xi32>
      %jit3A_157 = arith.constant 1.000000e+00 : f32
      %jit3A_158 = arith.constant 0.000000e+00 : f32
      %broadcast_in_dim3A_159 = vector.broadcast %jit3A_157 : f32 to vector<16xf32>
      %broadcast_in_dim3A_160 = vector.broadcast %jit3A_158 : f32 to vector<16xf32>
      %select_n3A_161 = arith.select %lt3A_156, %broadcast_in_dim3A_159, %broadcast_in_dim3A_160 : vector<16xi1>, vector<16xf32>
      %add3A_162 = arith.addf %add3A_141, %select_n3A_161 : vector<16xf32>
      %jit3A_163 = arith.constant 0.000000e+00 : f32
      %broadcast_in_dim3A_164 = vector.broadcast %jit3A_163 : f32 to vector<16xf32>
      %select_n3A_165 = arith.select %lt3A_156, %get3A_153, %broadcast_in_dim3A_164 : vector<16xi1>, vector<16xf32>
      %add3A_166 = arith.addf %add3A_145, %select_n3A_165 : vector<16xf32>
      scf.yield %add3A_162, %add3A_166 : vector<16xf32>, vector<16xf32>
    }
    %scan3A_38 = arith.constant 256 : i32
    %dma_wait3A_39 = tpu.memref_slice %arg2[%add3A_28] : memref<2097152xi32, #tpu.memory_space<hbm>> -> memref<16384xi32, #tpu.memory_space<hbm>>
    %dma_wait3A_40 = tpu.memref_slice %arg2[%add3A_28] : memref<2097152xi32, #tpu.memory_space<hbm>> -> memref<16384xi32, #tpu.memory_space<hbm>>
    tpu.wait_dma2 semaphore(%arg10 : memref<!tpu.dma_semaphore, #tpu.memory_space<semaphore_mem>>) src(%dma_wait3A_40 : memref<16384xi32, #tpu.memory_space<hbm>>) dst(%arg5 : memref<16384xi32, #tpu.memory_space<vmem>>)
    %dma_wait3A_41 = tpu.memref_slice %arg3[%add3A_28] : memref<2097152xf32, #tpu.memory_space<hbm>> -> memref<16384xf32, #tpu.memory_space<hbm>>
    %dma_wait3A_42 = tpu.memref_slice %arg3[%add3A_28] : memref<2097152xf32, #tpu.memory_space<hbm>> -> memref<16384xf32, #tpu.memory_space<hbm>>
    tpu.wait_dma2 semaphore(%arg10 : memref<!tpu.dma_semaphore, #tpu.memory_space<semaphore_mem>>) src(%dma_wait3A_42 : memref<16384xf32, #tpu.memory_space<hbm>>) dst(%arg7 : memref<16384xf32, #tpu.memory_space<vmem>>)
    %add3A_43 = arith.constant 49152 : i32
    %add3A_44 = arith.addi %mul3A_2, %add3A_43 : i32
    %dma_start3A_45 = tpu.memref_slice %arg2[%add3A_44] : memref<2097152xi32, #tpu.memory_space<hbm>> -> memref<16384xi32, #tpu.memory_space<hbm>>
    %dma_start3A_46 = tpu.memref_slice %arg2[%add3A_44] : memref<2097152xi32, #tpu.memory_space<hbm>> -> memref<16384xi32, #tpu.memory_space<hbm>>
    tpu.enqueue_dma source(%dma_start3A_46 : memref<16384xi32, #tpu.memory_space<hbm>>) target(%arg6 : memref<16384xi32, #tpu.memory_space<vmem>>) target_semaphore(%arg11 : memref<!tpu.dma_semaphore, #tpu.memory_space<semaphore_mem>>)
    %dma_start3A_47 = tpu.memref_slice %arg3[%add3A_44] : memref<2097152xf32, #tpu.memory_space<hbm>> -> memref<16384xf32, #tpu.memory_space<hbm>>
    %dma_start3A_48 = tpu.memref_slice %arg3[%add3A_44] : memref<2097152xf32, #tpu.memory_space<hbm>> -> memref<16384xf32, #tpu.memory_space<hbm>>
    tpu.enqueue_dma source(%dma_start3A_48 : memref<16384xf32, #tpu.memory_space<hbm>>) target(%arg8 : memref<16384xf32, #tpu.memory_space<vmem>>) target_semaphore(%arg11 : memref<!tpu.dma_semaphore, #tpu.memory_space<semaphore_mem>>)
    %scan3A_49 = arith.constant 0 : i32
    %scan3A_50 = arith.constant 256 : i32
    %scan3A_51 = arith.addi %scan3A_49, %scan3A_50 : i32
    %scan3A_52 = arith.constant 1 : i32
    %scan3A_53:2 = scf.for %scan3A_82 = %scan3A_49 to %scan3A_51 step %scan3A_52 iter_args(%scan3A_83 = %scan3A_37#0, %scan3A_84 = %scan3A_37#1) -> (vector<16xf32>, vector<16xf32>)  : i32 {
      %mul3A_85 = arith.constant 64 : i32
      %mul3A_86 = arith.muli %scan3A_82, %mul3A_85 : i32
      %add3A_87 = arith.constant 0 : i32
      %add3A_88 = arith.addi %mul3A_86, %add3A_87 : i32
      %get3A = arith.index_cast %add3A_88 : i32 to index
      %get3A_89 = tpu.vector_load %arg5[%get3A] {strides = array<i32>} : memref<16384xi32, #tpu.memory_space<vmem>>, vector<16xi32>,
      %get3A_90 = arith.index_cast %add3A_88 : i32 to index
      %get3A_91 = tpu.vector_load %arg7[%get3A_90] {strides = array<i32>} : memref<16384xf32, #tpu.memory_space<vmem>>, vector<16xf32>,
      %lt3A = arith.constant 1060320051 : i32
      %lt3A_92 = vector.broadcast %lt3A : i32 to vector<16xi32>
      %lt3A_93 = arith.cmpi slt, %get3A_89, %lt3A_92 : vector<16xi32>
      %jit3A_94 = arith.constant 1.000000e+00 : f32
      %jit3A_95 = arith.constant 0.000000e+00 : f32
      %broadcast_in_dim3A_96 = vector.broadcast %jit3A_94 : f32 to vector<16xf32>
      %broadcast_in_dim3A_97 = vector.broadcast %jit3A_95 : f32 to vector<16xf32>
      %select_n3A_98 = arith.select %lt3A_93, %broadcast_in_dim3A_96, %broadcast_in_dim3A_97 : vector<16xi1>, vector<16xf32>
      %add3A_99 = arith.addf %scan3A_83, %select_n3A_98 : vector<16xf32>
      %jit3A_100 = arith.constant 0.000000e+00 : f32
      %broadcast_in_dim3A_101 = vector.broadcast %jit3A_100 : f32 to vector<16xf32>
      %select_n3A_102 = arith.select %lt3A_93, %get3A_91, %broadcast_in_dim3A_101 : vector<16xi1>, vector<16xf32>
      %add3A_103 = arith.addf %scan3A_84, %select_n3A_102 : vector<16xf32>
      %mul3A_104 = arith.constant 64 : i32
      %mul3A_105 = arith.muli %scan3A_82, %mul3A_104 : i32
      %add3A_106 = arith.constant 16 : i32
      %add3A_107 = arith.addi %mul3A_105, %add3A_106 : i32
      %get3A_108 = arith.index_cast %add3A_107 : i32 to index
      %get3A_109 = tpu.vector_load %arg5[%get3A_108] {strides = array<i32>} : memref<16384xi32, #tpu.memory_space<vmem>>, vector<16xi32>,
      %get3A_110 = arith.index_cast %add3A_107 : i32 to index
      %get3A_111 = tpu.vector_load %arg7[%get3A_110] {strides = array<i32>} : memref<16384xf32, #tpu.memory_space<vmem>>, vector<16xf32>,
      %lt3A_112 = arith.constant 1060320051 : i32
      %lt3A_113 = vector.broadcast %lt3A_112 : i32 to vector<16xi32>
      %lt3A_114 = arith.cmpi slt, %get3A_109, %lt3A_113 : vector<16xi32>
      %jit3A_115 = arith.constant 1.000000e+00 : f32
      %jit3A_116 = arith.constant 0.000000e+00 : f32
      %broadcast_in_dim3A_117 = vector.broadcast %jit3A_115 : f32 to vector<16xf32>
      %broadcast_in_dim3A_118 = vector.broadcast %jit3A_116 : f32 to vector<16xf32>
      %select_n3A_119 = arith.select %lt3A_114, %broadcast_in_dim3A_117, %broadcast_in_dim3A_118 : vector<16xi1>, vector<16xf32>
      %add3A_120 = arith.addf %add3A_99, %select_n3A_119 : vector<16xf32>
      %jit3A_121 = arith.constant 0.000000e+00 : f32
      %broadcast_in_dim3A_122 = vector.broadcast %jit3A_121 : f32 to vector<16xf32>
      %select_n3A_123 = arith.select %lt3A_114, %get3A_111, %broadcast_in_dim3A_122 : vector<16xi1>, vector<16xf32>
      %add3A_124 = arith.addf %add3A_103, %select_n3A_123 : vector<16xf32>
      %mul3A_125 = arith.constant 64 : i32
      %mul3A_126 = arith.muli %scan3A_82, %mul3A_125 : i32
      %add3A_127 = arith.constant 32 : i32
      %add3A_128 = arith.addi %mul3A_126, %add3A_127 : i32
      %get3A_129 = arith.index_cast %add3A_128 : i32 to index
      %get3A_130 = tpu.vector_load %arg5[%get3A_129] {strides = array<i32>} : memref<16384xi32, #tpu.memory_space<vmem>>, vector<16xi32>,
      %get3A_131 = arith.index_cast %add3A_128 : i32 to index
      %get3A_132 = tpu.vector_load %arg7[%get3A_131] {strides = array<i32>} : memref<16384xf32, #tpu.memory_space<vmem>>, vector<16xf32>,
      %lt3A_133 = arith.constant 1060320051 : i32
      %lt3A_134 = vector.broadcast %lt3A_133 : i32 to vector<16xi32>
      %lt3A_135 = arith.cmpi slt, %get3A_130, %lt3A_134 : vector<16xi32>
      %jit3A_136 = arith.constant 1.000000e+00 : f32
      %jit3A_137 = arith.constant 0.000000e+00 : f32
      %broadcast_in_dim3A_138 = vector.broadcast %jit3A_136 : f32 to vector<16xf32>
      %broadcast_in_dim3A_139 = vector.broadcast %jit3A_137 : f32 to vector<16xf32>
      %select_n3A_140 = arith.select %lt3A_135, %broadcast_in_dim3A_138, %broadcast_in_dim3A_139 : vector<16xi1>, vector<16xf32>
      %add3A_141 = arith.addf %add3A_120, %select_n3A_140 : vector<16xf32>
      %jit3A_142 = arith.constant 0.000000e+00 : f32
      %broadcast_in_dim3A_143 = vector.broadcast %jit3A_142 : f32 to vector<16xf32>
      %select_n3A_144 = arith.select %lt3A_135, %get3A_132, %broadcast_in_dim3A_143 : vector<16xi1>, vector<16xf32>
      %add3A_145 = arith.addf %add3A_124, %select_n3A_144 : vector<16xf32>
      %mul3A_146 = arith.constant 64 : i32
      %mul3A_147 = arith.muli %scan3A_82, %mul3A_146 : i32
      %add3A_148 = arith.constant 48 : i32
      %add3A_149 = arith.addi %mul3A_147, %add3A_148 : i32
      %get3A_150 = arith.index_cast %add3A_149 : i32 to index
      %get3A_151 = tpu.vector_load %arg5[%get3A_150] {strides = array<i32>} : memref<16384xi32, #tpu.memory_space<vmem>>, vector<16xi32>,
      %get3A_152 = arith.index_cast %add3A_149 : i32 to index
      %get3A_153 = tpu.vector_load %arg7[%get3A_152] {strides = array<i32>} : memref<16384xf32, #tpu.memory_space<vmem>>, vector<16xf32>,
      %lt3A_154 = arith.constant 1060320051 : i32
      %lt3A_155 = vector.broadcast %lt3A_154 : i32 to vector<16xi32>
      %lt3A_156 = arith.cmpi slt, %get3A_151, %lt3A_155 : vector<16xi32>
      %jit3A_157 = arith.constant 1.000000e+00 : f32
      %jit3A_158 = arith.constant 0.000000e+00 : f32
      %broadcast_in_dim3A_159 = vector.broadcast %jit3A_157 : f32 to vector<16xf32>
      %broadcast_in_dim3A_160 = vector.broadcast %jit3A_158 : f32 to vector<16xf32>
      %select_n3A_161 = arith.select %lt3A_156, %broadcast_in_dim3A_159, %broadcast_in_dim3A_160 : vector<16xi1>, vector<16xf32>
      %add3A_162 = arith.addf %add3A_141, %select_n3A_161 : vector<16xf32>
      %jit3A_163 = arith.constant 0.000000e+00 : f32
      %broadcast_in_dim3A_164 = vector.broadcast %jit3A_163 : f32 to vector<16xf32>
      %select_n3A_165 = arith.select %lt3A_156, %get3A_153, %broadcast_in_dim3A_164 : vector<16xi1>, vector<16xf32>
      %add3A_166 = arith.addf %add3A_145, %select_n3A_165 : vector<16xf32>
      scf.yield %add3A_162, %add3A_166 : vector<16xf32>, vector<16xf32>
    }
    %scan3A_54 = arith.constant 256 : i32
    %dma_wait3A_55 = tpu.memref_slice %arg2[%add3A_44] : memref<2097152xi32, #tpu.memory_space<hbm>> -> memref<16384xi32, #tpu.memory_space<hbm>>
    %dma_wait3A_56 = tpu.memref_slice %arg2[%add3A_44] : memref<2097152xi32, #tpu.memory_space<hbm>> -> memref<16384xi32, #tpu.memory_space<hbm>>
    tpu.wait_dma2 semaphore(%arg11 : memref<!tpu.dma_semaphore, #tpu.memory_space<semaphore_mem>>) src(%dma_wait3A_56 : memref<16384xi32, #tpu.memory_space<hbm>>) dst(%arg6 : memref<16384xi32, #tpu.memory_space<vmem>>)
    %dma_wait3A_57 = tpu.memref_slice %arg3[%add3A_44] : memref<2097152xf32, #tpu.memory_space<hbm>> -> memref<16384xf32, #tpu.memory_space<hbm>>
    %dma_wait3A_58 = tpu.memref_slice %arg3[%add3A_44] : memref<2097152xf32, #tpu.memory_space<hbm>> -> memref<16384xf32, #tpu.memory_space<hbm>>
    tpu.wait_dma2 semaphore(%arg11 : memref<!tpu.dma_semaphore, #tpu.memory_space<semaphore_mem>>) src(%dma_wait3A_58 : memref<16384xf32, #tpu.memory_space<hbm>>) dst(%arg8 : memref<16384xf32, #tpu.memory_space<vmem>>)
    %scan3A_59 = arith.constant 0 : i32
    %scan3A_60 = arith.constant 256 : i32
    %scan3A_61 = arith.addi %scan3A_59, %scan3A_60 : i32
    %scan3A_62 = arith.constant 1 : i32
    %scan3A_63:2 = scf.for %scan3A_82 = %scan3A_59 to %scan3A_61 step %scan3A_62 iter_args(%scan3A_83 = %scan3A_53#0, %scan3A_84 = %scan3A_53#1) -> (vector<16xf32>, vector<16xf32>)  : i32 {
      %mul3A_85 = arith.constant 64 : i32
      %mul3A_86 = arith.muli %scan3A_82, %mul3A_85 : i32
      %add3A_87 = arith.constant 0 : i32
      %add3A_88 = arith.addi %mul3A_86, %add3A_87 : i32
      %get3A = arith.index_cast %add3A_88 : i32 to index
      %get3A_89 = tpu.vector_load %arg6[%get3A] {strides = array<i32>} : memref<16384xi32, #tpu.memory_space<vmem>>, vector<16xi32>,
      %get3A_90 = arith.index_cast %add3A_88 : i32 to index
      %get3A_91 = tpu.vector_load %arg8[%get3A_90] {strides = array<i32>} : memref<16384xf32, #tpu.memory_space<vmem>>, vector<16xf32>,
      %lt3A = arith.constant 1060320051 : i32
      %lt3A_92 = vector.broadcast %lt3A : i32 to vector<16xi32>
      %lt3A_93 = arith.cmpi slt, %get3A_89, %lt3A_92 : vector<16xi32>
      %jit3A_94 = arith.constant 1.000000e+00 : f32
      %jit3A_95 = arith.constant 0.000000e+00 : f32
      %broadcast_in_dim3A_96 = vector.broadcast %jit3A_94 : f32 to vector<16xf32>
      %broadcast_in_dim3A_97 = vector.broadcast %jit3A_95 : f32 to vector<16xf32>
      %select_n3A_98 = arith.select %lt3A_93, %broadcast_in_dim3A_96, %broadcast_in_dim3A_97 : vector<16xi1>, vector<16xf32>
      %add3A_99 = arith.addf %scan3A_83, %select_n3A_98 : vector<16xf32>
      %jit3A_100 = arith.constant 0.000000e+00 : f32
      %broadcast_in_dim3A_101 = vector.broadcast %jit3A_100 : f32 to vector<16xf32>
      %select_n3A_102 = arith.select %lt3A_93, %get3A_91, %broadcast_in_dim3A_101 : vector<16xi1>, vector<16xf32>
      %add3A_103 = arith.addf %scan3A_84, %select_n3A_102 : vector<16xf32>
      %mul3A_104 = arith.constant 64 : i32
      %mul3A_105 = arith.muli %scan3A_82, %mul3A_104 : i32
      %add3A_106 = arith.constant 16 : i32
      %add3A_107 = arith.addi %mul3A_105, %add3A_106 : i32
      %get3A_108 = arith.index_cast %add3A_107 : i32 to index
      %get3A_109 = tpu.vector_load %arg6[%get3A_108] {strides = array<i32>} : memref<16384xi32, #tpu.memory_space<vmem>>, vector<16xi32>,
      %get3A_110 = arith.index_cast %add3A_107 : i32 to index
      %get3A_111 = tpu.vector_load %arg8[%get3A_110] {strides = array<i32>} : memref<16384xf32, #tpu.memory_space<vmem>>, vector<16xf32>,
      %lt3A_112 = arith.constant 1060320051 : i32
      %lt3A_113 = vector.broadcast %lt3A_112 : i32 to vector<16xi32>
      %lt3A_114 = arith.cmpi slt, %get3A_109, %lt3A_113 : vector<16xi32>
      %jit3A_115 = arith.constant 1.000000e+00 : f32
      %jit3A_116 = arith.constant 0.000000e+00 : f32
      %broadcast_in_dim3A_117 = vector.broadcast %jit3A_115 : f32 to vector<16xf32>
      %broadcast_in_dim3A_118 = vector.broadcast %jit3A_116 : f32 to vector<16xf32>
      %select_n3A_119 = arith.select %lt3A_114, %broadcast_in_dim3A_117, %broadcast_in_dim3A_118 : vector<16xi1>, vector<16xf32>
      %add3A_120 = arith.addf %add3A_99, %select_n3A_119 : vector<16xf32>
      %jit3A_121 = arith.constant 0.000000e+00 : f32
      %broadcast_in_dim3A_122 = vector.broadcast %jit3A_121 : f32 to vector<16xf32>
      %select_n3A_123 = arith.select %lt3A_114, %get3A_111, %broadcast_in_dim3A_122 : vector<16xi1>, vector<16xf32>
      %add3A_124 = arith.addf %add3A_103, %select_n3A_123 : vector<16xf32>
      %mul3A_125 = arith.constant 64 : i32
      %mul3A_126 = arith.muli %scan3A_82, %mul3A_125 : i32
      %add3A_127 = arith.constant 32 : i32
      %add3A_128 = arith.addi %mul3A_126, %add3A_127 : i32
      %get3A_129 = arith.index_cast %add3A_128 : i32 to index
      %get3A_130 = tpu.vector_load %arg6[%get3A_129] {strides = array<i32>} : memref<16384xi32, #tpu.memory_space<vmem>>, vector<16xi32>,
      %get3A_131 = arith.index_cast %add3A_128 : i32 to index
      %get3A_132 = tpu.vector_load %arg8[%get3A_131] {strides = array<i32>} : memref<16384xf32, #tpu.memory_space<vmem>>, vector<16xf32>,
      %lt3A_133 = arith.constant 1060320051 : i32
      %lt3A_134 = vector.broadcast %lt3A_133 : i32 to vector<16xi32>
      %lt3A_135 = arith.cmpi slt, %get3A_130, %lt3A_134 : vector<16xi32>
      %jit3A_136 = arith.constant 1.000000e+00 : f32
      %jit3A_137 = arith.constant 0.000000e+00 : f32
      %broadcast_in_dim3A_138 = vector.broadcast %jit3A_136 : f32 to vector<16xf32>
      %broadcast_in_dim3A_139 = vector.broadcast %jit3A_137 : f32 to vector<16xf32>
      %select_n3A_140 = arith.select %lt3A_135, %broadcast_in_dim3A_138, %broadcast_in_dim3A_139 : vector<16xi1>, vector<16xf32>
      %add3A_141 = arith.addf %add3A_120, %select_n3A_140 : vector<16xf32>
      %jit3A_142 = arith.constant 0.000000e+00 : f32
      %broadcast_in_dim3A_143 = vector.broadcast %jit3A_142 : f32 to vector<16xf32>
      %select_n3A_144 = arith.select %lt3A_135, %get3A_132, %broadcast_in_dim3A_143 : vector<16xi1>, vector<16xf32>
      %add3A_145 = arith.addf %add3A_124, %select_n3A_144 : vector<16xf32>
      %mul3A_146 = arith.constant 64 : i32
      %mul3A_147 = arith.muli %scan3A_82, %mul3A_146 : i32
      %add3A_148 = arith.constant 48 : i32
      %add3A_149 = arith.addi %mul3A_147, %add3A_148 : i32
      %get3A_150 = arith.index_cast %add3A_149 : i32 to index
      %get3A_151 = tpu.vector_load %arg6[%get3A_150] {strides = array<i32>} : memref<16384xi32, #tpu.memory_space<vmem>>, vector<16xi32>,
      %get3A_152 = arith.index_cast %add3A_149 : i32 to index
      %get3A_153 = tpu.vector_load %arg8[%get3A_152] {strides = array<i32>} : memref<16384xf32, #tpu.memory_space<vmem>>, vector<16xf32>,
      %lt3A_154 = arith.constant 1060320051 : i32
      %lt3A_155 = vector.broadcast %lt3A_154 : i32 to vector<16xi32>
      %lt3A_156 = arith.cmpi slt, %get3A_151, %lt3A_155 : vector<16xi32>
      %jit3A_157 = arith.constant 1.000000e+00 : f32
      %jit3A_158 = arith.constant 0.000000e+00 : f32
      %broadcast_in_dim3A_159 = vector.broadcast %jit3A_157 : f32 to vector<16xf32>
      %broadcast_in_dim3A_160 = vector.broadcast %jit3A_158 : f32 to vector<16xf32>
      %select_n3A_161 = arith.select %lt3A_156, %broadcast_in_dim3A_159, %broadcast_in_dim3A_160 : vector<16xi1>, vector<16xf32>
      %add3A_162 = arith.addf %add3A_141, %select_n3A_161 : vector<16xf32>
      %jit3A_163 = arith.constant 0.000000e+00 : f32
      %broadcast_in_dim3A_164 = vector.broadcast %jit3A_163 : f32 to vector<16xf32>
      %select_n3A_165 = arith.select %lt3A_156, %get3A_153, %broadcast_in_dim3A_164 : vector<16xi1>, vector<16xf32>
      %add3A_166 = arith.addf %add3A_145, %select_n3A_165 : vector<16xf32>
      scf.yield %add3A_162, %add3A_166 : vector<16xf32>, vector<16xf32>
    }
    %scan3A_64 = arith.constant 256 : i32
    %reduce_sum3A = arith.constant true
    %reduce_sum3A_65 = vector.broadcast %reduce_sum3A : i1 to vector<16xi1>
    %reduce_sum3A_66 = tpu.scan <sum>, %scan3A_63#0 masked %reduce_sum3A_65 : vector<16xf32>, vector<16xi1> -> vector<16xf32>
    %reduce_sum3A_67 = vector.extract %reduce_sum3A_66[15] : f32 from vector<16xf32>
    %reduce_sum3A_68 = arith.constant true
    %reduce_sum3A_69 = vector.broadcast %reduce_sum3A_68 : i1 to vector<16xi1>
    %reduce_sum3A_70 = tpu.scan <sum>, %scan3A_63#1 masked %reduce_sum3A_69 : vector<16xf32>, vector<16xi1> -> vector<16xf32>
    %reduce_sum3A_71 = vector.extract %reduce_sum3A_70[15] : f32 from vector<16xf32>
    %eq3A = arith.constant 0 : i32
    %eq3A_72 = vector.broadcast %eq3A : i32 to vector<16xi32>
    %eq3A_73 = arith.cmpi eq, %iota3A, %eq3A_72 : vector<16xi32>
    %eq3A_74 = arith.constant 1 : i32
    %eq3A_75 = vector.broadcast %eq3A_74 : i32 to vector<16xi32>
    %eq3A_76 = arith.cmpi eq, %iota3A, %eq3A_75 : vector<16xi32>
    %jit3A = arith.constant 0.000000e+00 : f32
    %broadcast_in_dim3A_77 = vector.broadcast %reduce_sum3A_71 : f32 to vector<16xf32>
    %broadcast_in_dim3A_78 = vector.broadcast %jit3A : f32 to vector<16xf32>
    %select_n3A = arith.select %eq3A_76, %broadcast_in_dim3A_77, %broadcast_in_dim3A_78 : vector<16xi1>, vector<16xf32>
    %broadcast_in_dim3A_79 = vector.broadcast %reduce_sum3A_67 : f32 to vector<16xf32>
    %select_n3A_80 = arith.select %eq3A_73, %broadcast_in_dim3A_79, %select_n3A : vector<16xi1>, vector<16xf32>
    %swap3A = arith.constant 0 : index
    %swap3A_81 = tpu.vector_load %arg9[%swap3A] {strides = array<i32>} : memref<16xf32, #tpu.memory_space<vmem>>, vector<16xf32>,
    tpu.vector_store %arg9[%swap3A], %select_n3A_80 {strides = array<i32>} : memref<16xf32, #tpu.memory_space<vmem>>, vector<16xf32>,
    "tpu.region"() ({
      %run_scoped3A = tpu.sem_alloc : memref<!tpu.dma_semaphore, #tpu.memory_space<semaphore_mem>>
      %dma_start3A_82 = arith.constant 0 : i32
      %dma_start3A_83 = tpu.memref_slice %arg4[%add3A, %dma_start3A_82] : memref<32x16xf32, #tpu.memory_space<hbm>> -> memref<1x16xf32, #tpu.memory_space<hbm>>
      %dma_start3A_84 = tpu.memref_squeeze %dma_start3A_83 : memref<1x16xf32, #tpu.memory_space<hbm>> -> memref<16xf32, #tpu.memory_space<hbm>>
      %dma_start3A_85 = arith.constant 0 : i32
      %dma_start3A_86 = tpu.memref_slice %arg4[%add3A, %dma_start3A_85] : memref<32x16xf32, #tpu.memory_space<hbm>> -> memref<1x16xf32, #tpu.memory_space<hbm>>
      %dma_start3A_87 = tpu.memref_squeeze %dma_start3A_86 : memref<1x16xf32, #tpu.memory_space<hbm>> -> memref<16xf32, #tpu.memory_space<hbm>>
      tpu.enqueue_dma source(%arg9 : memref<16xf32, #tpu.memory_space<vmem>>) target(%dma_start3A_87 : memref<16xf32, #tpu.memory_space<hbm>>) target_semaphore(%run_scoped3A : memref<!tpu.dma_semaphore, #tpu.memory_space<semaphore_mem>>)
      %dma_wait3A_88 = arith.constant 0 : i32
      %dma_wait3A_89 = tpu.memref_slice %arg4[%add3A, %dma_wait3A_88] : memref<32x16xf32, #tpu.memory_space<hbm>> -> memref<1x16xf32, #tpu.memory_space<hbm>>
      %dma_wait3A_90 = tpu.memref_squeeze %dma_wait3A_89 : memref<1x16xf32, #tpu.memory_space<hbm>> -> memref<16xf32, #tpu.memory_space<hbm>>
      %dma_wait3A_91 = arith.constant 0 : i32
      %dma_wait3A_92 = tpu.memref_slice %arg4[%add3A, %dma_wait3A_91] : memref<32x16xf32, #tpu.memory_space<hbm>> -> memref<1x16xf32, #tpu.memory_space<hbm>>
      %dma_wait3A_93 = tpu.memref_squeeze %dma_wait3A_92 : memref<1x16xf32, #tpu.memory_space<hbm>> -> memref<16xf32, #tpu.memory_space<hbm>>
      tpu.wait_dma2 semaphore(%run_scoped3A : memref<!tpu.dma_semaphore, #tpu.memory_space<semaphore_mem>>) src(%arg9 : memref<16xf32, #tpu.memory_space<vmem>>) dst(%dma_wait3A_93 : memref<16xf32, #tpu.memory_space<hbm>>)
      tpu.yield
    }) : () -> ()
    return
  }
}

module attributes {stable_mosaic.version = 14 : i64} {
  func.func @_ce_body(%arg0: i32, %arg1: i32, %arg2: memref<1x19x1024x128xf32, #tpu.memory_space<vmem>>, %arg3: memref<1x1024x128xi32, #tpu.memory_space<vmem>>, %arg4: memref<1x1024x128xi32, #tpu.memory_space<vmem>>, %arg5: memref<1x1024x128xf32, #tpu.memory_space<vmem>>) attributes {dimension_semantics = [#tpu.dimension_semantics<parallel>, #tpu.dimension_semantics<parallel>], iteration_bounds = array<i64: 8, 2>, scalar_prefetch = 0 : i64, scratch_operands = 0 : i64, tpu.core_type = #tpu.core_type<tc>, window_params = [{transform_indices = @transform_0, window_bounds = array<i64: 1, 19, 1024, 128>}, {transform_indices = @transform_1, window_bounds = array<i64: 1, 1024, 128>}, {transform_indices = @transform_2, window_bounds = array<i64: 1, 1024, 128>}, {transform_indices = @transform_3, window_bounds = array<i64: 1, 1024, 128>}]} {
    %get3A = arith.constant 0 : index
    %get3A_0 = arith.constant 0 : index
    %get3A_1 = arith.constant 0 : index
    %get3A_2 = arith.constant 0 : index
    %get3A_3 = vector.load %arg2[%get3A, %get3A_0, %get3A_1, %get3A_2] : memref<1x19x1024x128xf32, #tpu.memory_space<vmem>>, vector<1x19x1024x128xf32>
    %get3A_4 = vector.shape_cast %get3A_3 : vector<1x19x1024x128xf32> to vector<19x1024x128xf32>
    %get3A_5 = arith.constant 0 : index
    %get3A_6 = arith.constant 0 : index
    %get3A_7 = arith.constant 0 : index
    %get3A_8 = vector.load %arg3[%get3A_5, %get3A_6, %get3A_7] : memref<1x1024x128xi32, #tpu.memory_space<vmem>>, vector<1x1024x128xi32>
    %get3A_9 = vector.shape_cast %get3A_8 : vector<1x1024x128xi32> to vector<1024x128xi32>
    %slice3A = vector.extract_strided_slice %get3A_4 {offsets = [0, 0, 0], sizes = [1, 1024, 128], strides = [1, 1, 1]} : vector<19x1024x128xf32> to vector<1x1024x128xf32>
    %squeeze3A = vector.shape_cast %slice3A : vector<1x1024x128xf32> to vector<1024x128xf32>
    %slice3A_10 = vector.extract_strided_slice %get3A_4 {offsets = [1, 0, 0], sizes = [1, 1024, 128], strides = [1, 1, 1]} : vector<19x1024x128xf32> to vector<1x1024x128xf32>
    %squeeze3A_11 = vector.shape_cast %slice3A_10 : vector<1x1024x128xf32> to vector<1024x128xf32>
    %max3A = arith.maximumf %squeeze3A, %squeeze3A_11 : vector<1024x128xf32>
    %slice3A_12 = vector.extract_strided_slice %get3A_4 {offsets = [2, 0, 0], sizes = [1, 1024, 128], strides = [1, 1, 1]} : vector<19x1024x128xf32> to vector<1x1024x128xf32>
    %squeeze3A_13 = vector.shape_cast %slice3A_12 : vector<1x1024x128xf32> to vector<1024x128xf32>
    %max3A_14 = arith.maximumf %max3A, %squeeze3A_13 : vector<1024x128xf32>
    %slice3A_15 = vector.extract_strided_slice %get3A_4 {offsets = [3, 0, 0], sizes = [1, 1024, 128], strides = [1, 1, 1]} : vector<19x1024x128xf32> to vector<1x1024x128xf32>
    %squeeze3A_16 = vector.shape_cast %slice3A_15 : vector<1x1024x128xf32> to vector<1024x128xf32>
    %max3A_17 = arith.maximumf %max3A_14, %squeeze3A_16 : vector<1024x128xf32>
    %slice3A_18 = vector.extract_strided_slice %get3A_4 {offsets = [4, 0, 0], sizes = [1, 1024, 128], strides = [1, 1, 1]} : vector<19x1024x128xf32> to vector<1x1024x128xf32>
    %squeeze3A_19 = vector.shape_cast %slice3A_18 : vector<1x1024x128xf32> to vector<1024x128xf32>
    %max3A_20 = arith.maximumf %max3A_17, %squeeze3A_19 : vector<1024x128xf32>
    %slice3A_21 = vector.extract_strided_slice %get3A_4 {offsets = [5, 0, 0], sizes = [1, 1024, 128], strides = [1, 1, 1]} : vector<19x1024x128xf32> to vector<1x1024x128xf32>
    %squeeze3A_22 = vector.shape_cast %slice3A_21 : vector<1x1024x128xf32> to vector<1024x128xf32>
    %max3A_23 = arith.maximumf %max3A_20, %squeeze3A_22 : vector<1024x128xf32>
    %slice3A_24 = vector.extract_strided_slice %get3A_4 {offsets = [6, 0, 0], sizes = [1, 1024, 128], strides = [1, 1, 1]} : vector<19x1024x128xf32> to vector<1x1024x128xf32>
    %squeeze3A_25 = vector.shape_cast %slice3A_24 : vector<1x1024x128xf32> to vector<1024x128xf32>
    %max3A_26 = arith.maximumf %max3A_23, %squeeze3A_25 : vector<1024x128xf32>
    %slice3A_27 = vector.extract_strided_slice %get3A_4 {offsets = [7, 0, 0], sizes = [1, 1024, 128], strides = [1, 1, 1]} : vector<19x1024x128xf32> to vector<1x1024x128xf32>
    %squeeze3A_28 = vector.shape_cast %slice3A_27 : vector<1x1024x128xf32> to vector<1024x128xf32>
    %max3A_29 = arith.maximumf %max3A_26, %squeeze3A_28 : vector<1024x128xf32>
    %slice3A_30 = vector.extract_strided_slice %get3A_4 {offsets = [8, 0, 0], sizes = [1, 1024, 128], strides = [1, 1, 1]} : vector<19x1024x128xf32> to vector<1x1024x128xf32>
    %squeeze3A_31 = vector.shape_cast %slice3A_30 : vector<1x1024x128xf32> to vector<1024x128xf32>
    %max3A_32 = arith.maximumf %max3A_29, %squeeze3A_31 : vector<1024x128xf32>
    %slice3A_33 = vector.extract_strided_slice %get3A_4 {offsets = [9, 0, 0], sizes = [1, 1024, 128], strides = [1, 1, 1]} : vector<19x1024x128xf32> to vector<1x1024x128xf32>
    %squeeze3A_34 = vector.shape_cast %slice3A_33 : vector<1x1024x128xf32> to vector<1024x128xf32>
    %max3A_35 = arith.maximumf %max3A_32, %squeeze3A_34 : vector<1024x128xf32>
    %slice3A_36 = vector.extract_strided_slice %get3A_4 {offsets = [10, 0, 0], sizes = [1, 1024, 128], strides = [1, 1, 1]} : vector<19x1024x128xf32> to vector<1x1024x128xf32>
    %squeeze3A_37 = vector.shape_cast %slice3A_36 : vector<1x1024x128xf32> to vector<1024x128xf32>
    %max3A_38 = arith.maximumf %max3A_35, %squeeze3A_37 : vector<1024x128xf32>
    %slice3A_39 = vector.extract_strided_slice %get3A_4 {offsets = [11, 0, 0], sizes = [1, 1024, 128], strides = [1, 1, 1]} : vector<19x1024x128xf32> to vector<1x1024x128xf32>
    %squeeze3A_40 = vector.shape_cast %slice3A_39 : vector<1x1024x128xf32> to vector<1024x128xf32>
    %max3A_41 = arith.maximumf %max3A_38, %squeeze3A_40 : vector<1024x128xf32>
    %slice3A_42 = vector.extract_strided_slice %get3A_4 {offsets = [12, 0, 0], sizes = [1, 1024, 128], strides = [1, 1, 1]} : vector<19x1024x128xf32> to vector<1x1024x128xf32>
    %squeeze3A_43 = vector.shape_cast %slice3A_42 : vector<1x1024x128xf32> to vector<1024x128xf32>
    %max3A_44 = arith.maximumf %max3A_41, %squeeze3A_43 : vector<1024x128xf32>
    %slice3A_45 = vector.extract_strided_slice %get3A_4 {offsets = [13, 0, 0], sizes = [1, 1024, 128], strides = [1, 1, 1]} : vector<19x1024x128xf32> to vector<1x1024x128xf32>
    %squeeze3A_46 = vector.shape_cast %slice3A_45 : vector<1x1024x128xf32> to vector<1024x128xf32>
    %max3A_47 = arith.maximumf %max3A_44, %squeeze3A_46 : vector<1024x128xf32>
    %slice3A_48 = vector.extract_strided_slice %get3A_4 {offsets = [14, 0, 0], sizes = [1, 1024, 128], strides = [1, 1, 1]} : vector<19x1024x128xf32> to vector<1x1024x128xf32>
    %squeeze3A_49 = vector.shape_cast %slice3A_48 : vector<1x1024x128xf32> to vector<1024x128xf32>
    %max3A_50 = arith.maximumf %max3A_47, %squeeze3A_49 : vector<1024x128xf32>
    %slice3A_51 = vector.extract_strided_slice %get3A_4 {offsets = [15, 0, 0], sizes = [1, 1024, 128], strides = [1, 1, 1]} : vector<19x1024x128xf32> to vector<1x1024x128xf32>
    %squeeze3A_52 = vector.shape_cast %slice3A_51 : vector<1x1024x128xf32> to vector<1024x128xf32>
    %max3A_53 = arith.maximumf %max3A_50, %squeeze3A_52 : vector<1024x128xf32>
    %slice3A_54 = vector.extract_strided_slice %get3A_4 {offsets = [16, 0, 0], sizes = [1, 1024, 128], strides = [1, 1, 1]} : vector<19x1024x128xf32> to vector<1x1024x128xf32>
    %squeeze3A_55 = vector.shape_cast %slice3A_54 : vector<1x1024x128xf32> to vector<1024x128xf32>
    %max3A_56 = arith.maximumf %max3A_53, %squeeze3A_55 : vector<1024x128xf32>
    %slice3A_57 = vector.extract_strided_slice %get3A_4 {offsets = [17, 0, 0], sizes = [1, 1024, 128], strides = [1, 1, 1]} : vector<19x1024x128xf32> to vector<1x1024x128xf32>
    %squeeze3A_58 = vector.shape_cast %slice3A_57 : vector<1x1024x128xf32> to vector<1024x128xf32>
    %max3A_59 = arith.maximumf %max3A_56, %squeeze3A_58 : vector<1024x128xf32>
    %slice3A_60 = vector.extract_strided_slice %get3A_4 {offsets = [18, 0, 0], sizes = [1, 1024, 128], strides = [1, 1, 1]} : vector<19x1024x128xf32> to vector<1x1024x128xf32>
    %squeeze3A_61 = vector.shape_cast %slice3A_60 : vector<1x1024x128xf32> to vector<1024x128xf32>
    %max3A_62 = arith.maximumf %max3A_59, %squeeze3A_61 : vector<1024x128xf32>
    %broadcast_in_dim3A = arith.constant 0.000000e+00 : f32
    %broadcast_in_dim3A_63 = vector.broadcast %broadcast_in_dim3A : f32 to vector<1024x128xf32>
    %broadcast_in_dim3A_64 = arith.constant 0.000000e+00 : f32
    %broadcast_in_dim3A_65 = vector.broadcast %broadcast_in_dim3A_64 : f32 to vector<1024x128xf32>
    %slice3A_66 = vector.extract_strided_slice %get3A_4 {offsets = [0, 0, 0], sizes = [1, 1024, 128], strides = [1, 1, 1]} : vector<19x1024x128xf32> to vector<1x1024x128xf32>
    %squeeze3A_67 = vector.shape_cast %slice3A_66 : vector<1x1024x128xf32> to vector<1024x128xf32>
    %sub3A = arith.subf %squeeze3A_67, %max3A_62 : vector<1024x128xf32>
    %exp3A = math.exp %sub3A : vector<1024x128xf32>
    %add3A = arith.addf %broadcast_in_dim3A_63, %exp3A : vector<1024x128xf32>
    %eq3A = arith.constant 0 : i32
    %eq3A_68 = vector.broadcast %eq3A : i32 to vector<1024x128xi32>
    %eq3A_69 = arith.cmpi eq, %get3A_9, %eq3A_68 : vector<1024x128xi32>
    %select_n3A = arith.select %eq3A_69, %sub3A, %broadcast_in_dim3A_65 : vector<1024x128xi1>, vector<1024x128xf32>
    %slice3A_70 = vector.extract_strided_slice %get3A_4 {offsets = [1, 0, 0], sizes = [1, 1024, 128], strides = [1, 1, 1]} : vector<19x1024x128xf32> to vector<1x1024x128xf32>
    %squeeze3A_71 = vector.shape_cast %slice3A_70 : vector<1x1024x128xf32> to vector<1024x128xf32>
    %sub3A_72 = arith.subf %squeeze3A_71, %max3A_62 : vector<1024x128xf32>
    %exp3A_73 = math.exp %sub3A_72 : vector<1024x128xf32>
    %add3A_74 = arith.addf %add3A, %exp3A_73 : vector<1024x128xf32>
    %eq3A_75 = arith.constant 1 : i32
    %eq3A_76 = vector.broadcast %eq3A_75 : i32 to vector<1024x128xi32>
    %eq3A_77 = arith.cmpi eq, %get3A_9, %eq3A_76 : vector<1024x128xi32>
    %select_n3A_78 = arith.select %eq3A_77, %sub3A_72, %select_n3A : vector<1024x128xi1>, vector<1024x128xf32>
    %slice3A_79 = vector.extract_strided_slice %get3A_4 {offsets = [2, 0, 0], sizes = [1, 1024, 128], strides = [1, 1, 1]} : vector<19x1024x128xf32> to vector<1x1024x128xf32>
    %squeeze3A_80 = vector.shape_cast %slice3A_79 : vector<1x1024x128xf32> to vector<1024x128xf32>
    %sub3A_81 = arith.subf %squeeze3A_80, %max3A_62 : vector<1024x128xf32>
    %exp3A_82 = math.exp %sub3A_81 : vector<1024x128xf32>
    %add3A_83 = arith.addf %add3A_74, %exp3A_82 : vector<1024x128xf32>
    %eq3A_84 = arith.constant 2 : i32
    %eq3A_85 = vector.broadcast %eq3A_84 : i32 to vector<1024x128xi32>
    %eq3A_86 = arith.cmpi eq, %get3A_9, %eq3A_85 : vector<1024x128xi32>
    %select_n3A_87 = arith.select %eq3A_86, %sub3A_81, %select_n3A_78 : vector<1024x128xi1>, vector<1024x128xf32>
    %slice3A_88 = vector.extract_strided_slice %get3A_4 {offsets = [3, 0, 0], sizes = [1, 1024, 128], strides = [1, 1, 1]} : vector<19x1024x128xf32> to vector<1x1024x128xf32>
    %squeeze3A_89 = vector.shape_cast %slice3A_88 : vector<1x1024x128xf32> to vector<1024x128xf32>
    %sub3A_90 = arith.subf %squeeze3A_89, %max3A_62 : vector<1024x128xf32>
    %exp3A_91 = math.exp %sub3A_90 : vector<1024x128xf32>
    %add3A_92 = arith.addf %add3A_83, %exp3A_91 : vector<1024x128xf32>
    %eq3A_93 = arith.constant 3 : i32
    %eq3A_94 = vector.broadcast %eq3A_93 : i32 to vector<1024x128xi32>
    %eq3A_95 = arith.cmpi eq, %get3A_9, %eq3A_94 : vector<1024x128xi32>
    %select_n3A_96 = arith.select %eq3A_95, %sub3A_90, %select_n3A_87 : vector<1024x128xi1>, vector<1024x128xf32>
    %slice3A_97 = vector.extract_strided_slice %get3A_4 {offsets = [4, 0, 0], sizes = [1, 1024, 128], strides = [1, 1, 1]} : vector<19x1024x128xf32> to vector<1x1024x128xf32>
    %squeeze3A_98 = vector.shape_cast %slice3A_97 : vector<1x1024x128xf32> to vector<1024x128xf32>
    %sub3A_99 = arith.subf %squeeze3A_98, %max3A_62 : vector<1024x128xf32>
    %exp3A_100 = math.exp %sub3A_99 : vector<1024x128xf32>
    %add3A_101 = arith.addf %add3A_92, %exp3A_100 : vector<1024x128xf32>
    %eq3A_102 = arith.constant 4 : i32
    %eq3A_103 = vector.broadcast %eq3A_102 : i32 to vector<1024x128xi32>
    %eq3A_104 = arith.cmpi eq, %get3A_9, %eq3A_103 : vector<1024x128xi32>
    %select_n3A_105 = arith.select %eq3A_104, %sub3A_99, %select_n3A_96 : vector<1024x128xi1>, vector<1024x128xf32>
    %slice3A_106 = vector.extract_strided_slice %get3A_4 {offsets = [5, 0, 0], sizes = [1, 1024, 128], strides = [1, 1, 1]} : vector<19x1024x128xf32> to vector<1x1024x128xf32>
    %squeeze3A_107 = vector.shape_cast %slice3A_106 : vector<1x1024x128xf32> to vector<1024x128xf32>
    %sub3A_108 = arith.subf %squeeze3A_107, %max3A_62 : vector<1024x128xf32>
    %exp3A_109 = math.exp %sub3A_108 : vector<1024x128xf32>
    %add3A_110 = arith.addf %add3A_101, %exp3A_109 : vector<1024x128xf32>
    %eq3A_111 = arith.constant 5 : i32
    %eq3A_112 = vector.broadcast %eq3A_111 : i32 to vector<1024x128xi32>
    %eq3A_113 = arith.cmpi eq, %get3A_9, %eq3A_112 : vector<1024x128xi32>
    %select_n3A_114 = arith.select %eq3A_113, %sub3A_108, %select_n3A_105 : vector<1024x128xi1>, vector<1024x128xf32>
    %slice3A_115 = vector.extract_strided_slice %get3A_4 {offsets = [6, 0, 0], sizes = [1, 1024, 128], strides = [1, 1, 1]} : vector<19x1024x128xf32> to vector<1x1024x128xf32>
    %squeeze3A_116 = vector.shape_cast %slice3A_115 : vector<1x1024x128xf32> to vector<1024x128xf32>
    %sub3A_117 = arith.subf %squeeze3A_116, %max3A_62 : vector<1024x128xf32>
    %exp3A_118 = math.exp %sub3A_117 : vector<1024x128xf32>
    %add3A_119 = arith.addf %add3A_110, %exp3A_118 : vector<1024x128xf32>
    %eq3A_120 = arith.constant 6 : i32
    %eq3A_121 = vector.broadcast %eq3A_120 : i32 to vector<1024x128xi32>
    %eq3A_122 = arith.cmpi eq, %get3A_9, %eq3A_121 : vector<1024x128xi32>
    %select_n3A_123 = arith.select %eq3A_122, %sub3A_117, %select_n3A_114 : vector<1024x128xi1>, vector<1024x128xf32>
    %slice3A_124 = vector.extract_strided_slice %get3A_4 {offsets = [7, 0, 0], sizes = [1, 1024, 128], strides = [1, 1, 1]} : vector<19x1024x128xf32> to vector<1x1024x128xf32>
    %squeeze3A_125 = vector.shape_cast %slice3A_124 : vector<1x1024x128xf32> to vector<1024x128xf32>
    %sub3A_126 = arith.subf %squeeze3A_125, %max3A_62 : vector<1024x128xf32>
    %exp3A_127 = math.exp %sub3A_126 : vector<1024x128xf32>
    %add3A_128 = arith.addf %add3A_119, %exp3A_127 : vector<1024x128xf32>
    %eq3A_129 = arith.constant 7 : i32
    %eq3A_130 = vector.broadcast %eq3A_129 : i32 to vector<1024x128xi32>
    %eq3A_131 = arith.cmpi eq, %get3A_9, %eq3A_130 : vector<1024x128xi32>
    %select_n3A_132 = arith.select %eq3A_131, %sub3A_126, %select_n3A_123 : vector<1024x128xi1>, vector<1024x128xf32>
    %slice3A_133 = vector.extract_strided_slice %get3A_4 {offsets = [8, 0, 0], sizes = [1, 1024, 128], strides = [1, 1, 1]} : vector<19x1024x128xf32> to vector<1x1024x128xf32>
    %squeeze3A_134 = vector.shape_cast %slice3A_133 : vector<1x1024x128xf32> to vector<1024x128xf32>
    %sub3A_135 = arith.subf %squeeze3A_134, %max3A_62 : vector<1024x128xf32>
    %exp3A_136 = math.exp %sub3A_135 : vector<1024x128xf32>
    %add3A_137 = arith.addf %add3A_128, %exp3A_136 : vector<1024x128xf32>
    %eq3A_138 = arith.constant 8 : i32
    %eq3A_139 = vector.broadcast %eq3A_138 : i32 to vector<1024x128xi32>
    %eq3A_140 = arith.cmpi eq, %get3A_9, %eq3A_139 : vector<1024x128xi32>
    %select_n3A_141 = arith.select %eq3A_140, %sub3A_135, %select_n3A_132 : vector<1024x128xi1>, vector<1024x128xf32>
    %slice3A_142 = vector.extract_strided_slice %get3A_4 {offsets = [9, 0, 0], sizes = [1, 1024, 128], strides = [1, 1, 1]} : vector<19x1024x128xf32> to vector<1x1024x128xf32>
    %squeeze3A_143 = vector.shape_cast %slice3A_142 : vector<1x1024x128xf32> to vector<1024x128xf32>
    %sub3A_144 = arith.subf %squeeze3A_143, %max3A_62 : vector<1024x128xf32>
    %exp3A_145 = math.exp %sub3A_144 : vector<1024x128xf32>
    %add3A_146 = arith.addf %add3A_137, %exp3A_145 : vector<1024x128xf32>
    %eq3A_147 = arith.constant 9 : i32
    %eq3A_148 = vector.broadcast %eq3A_147 : i32 to vector<1024x128xi32>
    %eq3A_149 = arith.cmpi eq, %get3A_9, %eq3A_148 : vector<1024x128xi32>
    %select_n3A_150 = arith.select %eq3A_149, %sub3A_144, %select_n3A_141 : vector<1024x128xi1>, vector<1024x128xf32>
    %slice3A_151 = vector.extract_strided_slice %get3A_4 {offsets = [10, 0, 0], sizes = [1, 1024, 128], strides = [1, 1, 1]} : vector<19x1024x128xf32> to vector<1x1024x128xf32>
    %squeeze3A_152 = vector.shape_cast %slice3A_151 : vector<1x1024x128xf32> to vector<1024x128xf32>
    %sub3A_153 = arith.subf %squeeze3A_152, %max3A_62 : vector<1024x128xf32>
    %exp3A_154 = math.exp %sub3A_153 : vector<1024x128xf32>
    %add3A_155 = arith.addf %add3A_146, %exp3A_154 : vector<1024x128xf32>
    %eq3A_156 = arith.constant 10 : i32
    %eq3A_157 = vector.broadcast %eq3A_156 : i32 to vector<1024x128xi32>
    %eq3A_158 = arith.cmpi eq, %get3A_9, %eq3A_157 : vector<1024x128xi32>
    %select_n3A_159 = arith.select %eq3A_158, %sub3A_153, %select_n3A_150 : vector<1024x128xi1>, vector<1024x128xf32>
    %slice3A_160 = vector.extract_strided_slice %get3A_4 {offsets = [11, 0, 0], sizes = [1, 1024, 128], strides = [1, 1, 1]} : vector<19x1024x128xf32> to vector<1x1024x128xf32>
    %squeeze3A_161 = vector.shape_cast %slice3A_160 : vector<1x1024x128xf32> to vector<1024x128xf32>
    %sub3A_162 = arith.subf %squeeze3A_161, %max3A_62 : vector<1024x128xf32>
    %exp3A_163 = math.exp %sub3A_162 : vector<1024x128xf32>
    %add3A_164 = arith.addf %add3A_155, %exp3A_163 : vector<1024x128xf32>
    %eq3A_165 = arith.constant 11 : i32
    %eq3A_166 = vector.broadcast %eq3A_165 : i32 to vector<1024x128xi32>
    %eq3A_167 = arith.cmpi eq, %get3A_9, %eq3A_166 : vector<1024x128xi32>
    %select_n3A_168 = arith.select %eq3A_167, %sub3A_162, %select_n3A_159 : vector<1024x128xi1>, vector<1024x128xf32>
    %slice3A_169 = vector.extract_strided_slice %get3A_4 {offsets = [12, 0, 0], sizes = [1, 1024, 128], strides = [1, 1, 1]} : vector<19x1024x128xf32> to vector<1x1024x128xf32>
    %squeeze3A_170 = vector.shape_cast %slice3A_169 : vector<1x1024x128xf32> to vector<1024x128xf32>
    %sub3A_171 = arith.subf %squeeze3A_170, %max3A_62 : vector<1024x128xf32>
    %exp3A_172 = math.exp %sub3A_171 : vector<1024x128xf32>
    %add3A_173 = arith.addf %add3A_164, %exp3A_172 : vector<1024x128xf32>
    %eq3A_174 = arith.constant 12 : i32
    %eq3A_175 = vector.broadcast %eq3A_174 : i32 to vector<1024x128xi32>
    %eq3A_176 = arith.cmpi eq, %get3A_9, %eq3A_175 : vector<1024x128xi32>
    %select_n3A_177 = arith.select %eq3A_176, %sub3A_171, %select_n3A_168 : vector<1024x128xi1>, vector<1024x128xf32>
    %slice3A_178 = vector.extract_strided_slice %get3A_4 {offsets = [13, 0, 0], sizes = [1, 1024, 128], strides = [1, 1, 1]} : vector<19x1024x128xf32> to vector<1x1024x128xf32>
    %squeeze3A_179 = vector.shape_cast %slice3A_178 : vector<1x1024x128xf32> to vector<1024x128xf32>
    %sub3A_180 = arith.subf %squeeze3A_179, %max3A_62 : vector<1024x128xf32>
    %exp3A_181 = math.exp %sub3A_180 : vector<1024x128xf32>
    %add3A_182 = arith.addf %add3A_173, %exp3A_181 : vector<1024x128xf32>
    %eq3A_183 = arith.constant 13 : i32
    %eq3A_184 = vector.broadcast %eq3A_183 : i32 to vector<1024x128xi32>
    %eq3A_185 = arith.cmpi eq, %get3A_9, %eq3A_184 : vector<1024x128xi32>
    %select_n3A_186 = arith.select %eq3A_185, %sub3A_180, %select_n3A_177 : vector<1024x128xi1>, vector<1024x128xf32>
    %slice3A_187 = vector.extract_strided_slice %get3A_4 {offsets = [14, 0, 0], sizes = [1, 1024, 128], strides = [1, 1, 1]} : vector<19x1024x128xf32> to vector<1x1024x128xf32>
    %squeeze3A_188 = vector.shape_cast %slice3A_187 : vector<1x1024x128xf32> to vector<1024x128xf32>
    %sub3A_189 = arith.subf %squeeze3A_188, %max3A_62 : vector<1024x128xf32>
    %exp3A_190 = math.exp %sub3A_189 : vector<1024x128xf32>
    %add3A_191 = arith.addf %add3A_182, %exp3A_190 : vector<1024x128xf32>
    %eq3A_192 = arith.constant 14 : i32
    %eq3A_193 = vector.broadcast %eq3A_192 : i32 to vector<1024x128xi32>
    %eq3A_194 = arith.cmpi eq, %get3A_9, %eq3A_193 : vector<1024x128xi32>
    %select_n3A_195 = arith.select %eq3A_194, %sub3A_189, %select_n3A_186 : vector<1024x128xi1>, vector<1024x128xf32>
    %slice3A_196 = vector.extract_strided_slice %get3A_4 {offsets = [15, 0, 0], sizes = [1, 1024, 128], strides = [1, 1, 1]} : vector<19x1024x128xf32> to vector<1x1024x128xf32>
    %squeeze3A_197 = vector.shape_cast %slice3A_196 : vector<1x1024x128xf32> to vector<1024x128xf32>
    %sub3A_198 = arith.subf %squeeze3A_197, %max3A_62 : vector<1024x128xf32>
    %exp3A_199 = math.exp %sub3A_198 : vector<1024x128xf32>
    %add3A_200 = arith.addf %add3A_191, %exp3A_199 : vector<1024x128xf32>
    %eq3A_201 = arith.constant 15 : i32
    %eq3A_202 = vector.broadcast %eq3A_201 : i32 to vector<1024x128xi32>
    %eq3A_203 = arith.cmpi eq, %get3A_9, %eq3A_202 : vector<1024x128xi32>
    %select_n3A_204 = arith.select %eq3A_203, %sub3A_198, %select_n3A_195 : vector<1024x128xi1>, vector<1024x128xf32>
    %slice3A_205 = vector.extract_strided_slice %get3A_4 {offsets = [16, 0, 0], sizes = [1, 1024, 128], strides = [1, 1, 1]} : vector<19x1024x128xf32> to vector<1x1024x128xf32>
    %squeeze3A_206 = vector.shape_cast %slice3A_205 : vector<1x1024x128xf32> to vector<1024x128xf32>
    %sub3A_207 = arith.subf %squeeze3A_206, %max3A_62 : vector<1024x128xf32>
    %exp3A_208 = math.exp %sub3A_207 : vector<1024x128xf32>
    %add3A_209 = arith.addf %add3A_200, %exp3A_208 : vector<1024x128xf32>
    %eq3A_210 = arith.constant 16 : i32
    %eq3A_211 = vector.broadcast %eq3A_210 : i32 to vector<1024x128xi32>
    %eq3A_212 = arith.cmpi eq, %get3A_9, %eq3A_211 : vector<1024x128xi32>
    %select_n3A_213 = arith.select %eq3A_212, %sub3A_207, %select_n3A_204 : vector<1024x128xi1>, vector<1024x128xf32>
    %slice3A_214 = vector.extract_strided_slice %get3A_4 {offsets = [17, 0, 0], sizes = [1, 1024, 128], strides = [1, 1, 1]} : vector<19x1024x128xf32> to vector<1x1024x128xf32>
    %squeeze3A_215 = vector.shape_cast %slice3A_214 : vector<1x1024x128xf32> to vector<1024x128xf32>
    %sub3A_216 = arith.subf %squeeze3A_215, %max3A_62 : vector<1024x128xf32>
    %exp3A_217 = math.exp %sub3A_216 : vector<1024x128xf32>
    %add3A_218 = arith.addf %add3A_209, %exp3A_217 : vector<1024x128xf32>
    %eq3A_219 = arith.constant 17 : i32
    %eq3A_220 = vector.broadcast %eq3A_219 : i32 to vector<1024x128xi32>
    %eq3A_221 = arith.cmpi eq, %get3A_9, %eq3A_220 : vector<1024x128xi32>
    %select_n3A_222 = arith.select %eq3A_221, %sub3A_216, %select_n3A_213 : vector<1024x128xi1>, vector<1024x128xf32>
    %slice3A_223 = vector.extract_strided_slice %get3A_4 {offsets = [18, 0, 0], sizes = [1, 1024, 128], strides = [1, 1, 1]} : vector<19x1024x128xf32> to vector<1x1024x128xf32>
    %squeeze3A_224 = vector.shape_cast %slice3A_223 : vector<1x1024x128xf32> to vector<1024x128xf32>
    %sub3A_225 = arith.subf %squeeze3A_224, %max3A_62 : vector<1024x128xf32>
    %exp3A_226 = math.exp %sub3A_225 : vector<1024x128xf32>
    %add3A_227 = arith.addf %add3A_218, %exp3A_226 : vector<1024x128xf32>
    %eq3A_228 = arith.constant 18 : i32
    %eq3A_229 = vector.broadcast %eq3A_228 : i32 to vector<1024x128xi32>
    %eq3A_230 = arith.cmpi eq, %get3A_9, %eq3A_229 : vector<1024x128xi32>
    %select_n3A_231 = arith.select %eq3A_230, %sub3A_225, %select_n3A_222 : vector<1024x128xi1>, vector<1024x128xf32>
    %log3A = math.log %add3A_227 : vector<1024x128xf32>
    %sub3A_232 = arith.subf %log3A, %select_n3A_231 : vector<1024x128xf32>
    %swap3A = arith.constant 0 : index
    %swap3A_233 = arith.constant 0 : index
    %swap3A_234 = arith.constant 0 : index
    %swap3A_235 = vector.load %arg5[%swap3A, %swap3A_233, %swap3A_234] : memref<1x1024x128xf32, #tpu.memory_space<vmem>>, vector<1x1024x128xf32>
    %swap3A_236 = vector.shape_cast %swap3A_235 : vector<1x1024x128xf32> to vector<1024x128xf32>
    %swap3A_237 = vector.shape_cast %sub3A_232 : vector<1024x128xf32> to vector<1x1024x128xf32>
    tpu.vector_store %arg5[%swap3A, %swap3A_233, %swap3A_234], %swap3A_237 {strides = array<i32>} : memref<1x1024x128xf32, #tpu.memory_space<vmem>>, vector<1x1024x128xf32>,
    %exp3A_238 = math.exp %select_n3A_231 : vector<1024x128xf32>
    %div3A = arith.divf %exp3A_238, %add3A_227 : vector<1024x128xf32>
    %bitcast_convert_type3A = tpu.bitcast %div3A : vector<1024x128xf32> -> vector<1024x128xi32>
    %swap3A_239 = arith.constant 0 : index
    %swap3A_240 = arith.constant 0 : index
    %swap3A_241 = arith.constant 0 : index
    %swap3A_242 = vector.load %arg4[%swap3A_239, %swap3A_240, %swap3A_241] : memref<1x1024x128xi32, #tpu.memory_space<vmem>>, vector<1x1024x128xi32>
    %swap3A_243 = vector.shape_cast %swap3A_242 : vector<1x1024x128xi32> to vector<1024x128xi32>
    %swap3A_244 = vector.shape_cast %bitcast_convert_type3A : vector<1024x128xi32> to vector<1x1024x128xi32>
    tpu.vector_store %arg4[%swap3A_239, %swap3A_240, %swap3A_241], %swap3A_244 {strides = array<i32>} : memref<1x1024x128xi32, #tpu.memory_space<vmem>>, vector<1x1024x128xi32>,
    return
  }
  func.func @transform_0(%arg0: i32, %arg1: i32) -> (i32, i32, i32, i32) {
    %c0_i32 = arith.constant 0 : i32
    %c0_i32_0 = arith.constant 0 : i32
    %c0_i32_1 = arith.constant 0 : i32
    return %arg0, %c0_i32, %arg1, %c0_i32_0 : i32, i32, i32, i32
  }
  func.func @transform_1(%arg0: i32, %arg1: i32) -> (i32, i32, i32) {
    %c0_i32 = arith.constant 0 : i32
    %c0_i32_0 = arith.constant 0 : i32
    return %arg0, %arg1, %c0_i32 : i32, i32, i32
  }
  func.func @transform_2(%arg0: i32, %arg1: i32) -> (i32, i32, i32) {
    %c0_i32 = arith.constant 0 : i32
    %c0_i32_0 = arith.constant 0 : i32
    return %arg0, %arg1, %c0_i32 : i32, i32, i32
  }
  func.func @transform_3(%arg0: i32, %arg1: i32) -> (i32, i32, i32) {
    %c0_i32 = arith.constant 0 : i32
    %c0_i32_0 = arith.constant 0 : i32
    return %arg0, %arg1, %c0_i32 : i32, i32, i32
  }
}

</mosaic_0001>

<sc_bundles>
// kernel: branch_0_fun.12.cloned.1.call-start
scs
__scs_entry_jumppad:
0x0: {  	(pc) =	sbr.rel $0x88, $3  }
0x1: {  	(tag) =	ssettag $0x0;
	lr =	simm.s32 $0x1  }
0x2: {  	[smem:$0x3F9F] =	sst lr;
	_ =	strace $0xD0000000  }
0x3: {  	_ = 	snop  }
0x4: {  	_ = 	snop  }
0x5: {  	_ = 	snop  }
0x6: {  	_ = 	snop  }
0x7: {  	_ = 	snop  }
__scs_overlays_trampoline_lowered:
0x8: {  	[smem:$0x3FAE] =	sst s0  }
0x9: {  	[smem:$0x3FAF] =	sst s1  }
0xa: {  	[smem:$0x3FB0] =	sst s2  }
0xb: {  	[smem:$0x3FB1] =	sst s3  }
0xc: {  	[smem:$0x3FB2] =	sst s4  }
0xd: {  	[smem:$0x3FB3] =	sst s5  }
0xe: {  	[smem:$0x3FB4] =	sst s6  }
0xf: {  	[smem:$0x3FB5] =	sst s7  }
0x10: {  	[smem:$0x3FB6] =	sst s8  }
0x11: {  	[smem:$0x3FB7] =	sst s9;
	s0 =	simm.s32 @!p0 $0x0  }
0x12: {  	s1 =	sld [smem:$0x3F9D];
	s0 =	simm.s32 @p0 $0x1  }
0x13: {  	[smem:$0x3FB8] =	sst s0;
	s0 =	simm.s32 @!p1 $0x0  }
0x14: {  	s2 =	sld [smem:$0x3F9C];
	s0 =	simm.s32 @p1 $0x1  }
0x15: {  	[smem:$0x3FB9] =	sst s0;
	s0 =	simm.s32 @!p2 $0x0  }
0x16: {  	s3 =	sld [smem:$0x3FDB];
	s0 =	simm.s32 @p2 $0x1  }
0x17: {  	s4 =	simm.s32 $0x1BF5;
	[smem:$0x3FBB] =	sst s0  }
0x18: {  	s0 =	sld [smem:$0x3F9E];
	_ =	swait.ge [sflag:s4], $0x0  }
0x19: {  	s7 =	sld [smem:$0x3F9F]  }
0x1a: {  	s8 =	sadd.s32 $0xFFFFE003, lr  }
0x1b: {  	s9 =	sadd.s32 $0xFFFFFEF7, lr;
	s5 =	simm.s32 $0xFFFFFFFF;
	p2 =	slt.u32 s8, $0xFFFFF086  }
0x1c: {  	p1 =	slt.u32 s9, $0xF7A;
	s5 =	simm.s32 @!p2 $0x0  }
0x1d: {  	s5 =	simm.s32 @p1 $0x1;
	p0 =	seq.s32 s7, s2  }
0x1e: {  	s7 =	smul.u32 @!p0 $0xF7A, s2;
	p2 =	seq.s32 @!p0 s5, $0x0  }
0x1f: {  	s9 =	smul.u32 $0xF7A, s1;
	s8 =	simm.s32 @!p0 $0x1BF5;
	p2 =	por !p2, p0  }
0x20: {  	[sflag:s8] =	ssyncset.s32 @!p0 $0xFFFFF086;
	s6 =	sadd.s32 @!p0 s3, s7;
	s7 =	simm.s32 @!p0 $0x108  }
0x21: {  	s3 =	sadd.s32 s3, s9;
	s6 =	sadd.s32 @!p0 $0x88, s6;
	s7 =	simm.s32 @p2 $0x1082  }
0x22: {  	[simem:s7], [sflag:s8] =	dma.local @!p0 [hbm:s6], $0xF7A  }
0x23: {  	s9 =	sor.u32 $0xD0000000, s2;
	s6 =	simm.s32 $0x108;
	_ =	swait.ge @!p0 [sflag:s8], $0x0  }
0x24: {  	s3 =	sadd.s32 $0x88, s3;
	s6 =	simm.s32 @!p1 $0x1082;
	[sflag:s4] =	ssyncset.s32 $0xFFFFF086  }
0x25: {  	[simem:s6], [sflag:s4] =	dma.local [hbm:s3], $0xF7A  }
0x26: {  	[smem:$0x3F9F] =	sst s1;
	(tag) =	ssettag s2;
	_ =	strace s9  }
0x27: {  	s1 =	sld [smem:$0x3FAF]  }
0x28: {  	s2 =	sld [smem:$0x3FB0]  }
0x29: {  	s4 =	sld [smem:$0x3FB2]  }
0x2a: {  	p0 =	seq.s32 s5, $0x0;
	s5 =	sld [smem:$0x3FB3]  }
0x2b: {  	s6 =	sld [smem:$0x3FB4]  }
0x2c: {  	s7 =	sld [smem:$0x3FB5]  }
0x2d: {  	s3 =	simm.s32 $0x108;
	s8 =	sld [smem:$0x3FB6]  }
0x2e: {  	s3 =	simm.s32 @!p0 $0x1082;
	s9 =	sld [smem:$0x3FB7]  }
0x2f: {  	lr =	sadd.s32 s0, s3;
	s0 =	sld [smem:$0x3FAE]  }
0x30: {  	s3 =	sld [smem:$0x3FB1]  }
0x31: {  	[smem:$0x3FBA] =	sst s10  }
0x32: {  	s10 =	sld [smem:$0x3FB8];
	_ =	sdelay $0x3  }
0x33: {  	p0 =	seq.s32 s10, $0x1;
	s10 =	sld [smem:$0x3FBA];
	_ =	sdelay $0x3  }
0x34: {  	[smem:$0x3FBA] =	sst s10  }
0x35: {  	s10 =	sld [smem:$0x3FB9];
	_ =	sdelay $0x3  }
0x36: {  	p1 =	seq.s32 s10, $0x1;
	s10 =	sld [smem:$0x3FBA];
	_ =	sdelay $0x3  }
0x37: {  	[smem:$0x3FBA] =	sst s10  }
0x38: {  	s10 =	sld [smem:$0x3FBB]  }
0x39: {  	_ = 	snop;
	(pc) =	sbr.ind lr, $3  }
0x3a: {  	_ = 	snop  }
0x3b: {  	_ = 	snop  }
0x3c: {  	p2 =	seq.s32 s10, $0x1;
	s10 =	sld [smem:$0x3FBA]  }
0x3d: {  	_ =	shalt  }
0x3e: {  	_ =	shalt  }
0x3f: {  	_ =	shalt  }
0x40: {  	_ =	shalt  }
0x41: {  	_ =	shalt  }
0x42: {  	_ =	shalt  }
0x43: {  	_ =	shalt  }
0x44: {  	_ =	shalt  }
0x45: {  	_ =	shalt  }
0x46: {  	_ =	shalt  }
0x47: {  	_ =	shalt  }
0x48: {  	_ =	shalt  }
0x49: {  	_ =	shalt  }
0x4a: {  	_ =	shalt  }
0x4b: {  	_ =	shalt  }
0x4c: {  	_ =	shalt  }
0x4d: {  	_ =	shalt  }
0x4e: {  	_ =	shalt  }
0x4f: {  	_ =	shalt  }
0x50: {  	_ =	shalt  }
0x51: {  	_ =	shalt  }
0x52: {  	_ =	shalt  }
0x53: {  	_ =	shalt  }
0x54: {  	_ =	shalt  }
0x55: {  	_ =	shalt  }
0x56: {  	_ =	shalt  }
0x57: {  	_ =	shalt  }
0x58: {  	_ =	shalt  }
0x59: {  	_ =	shalt  }
0x5a: {  	_ =	shalt  }
0x5b: {  	_ =	shalt  }
0x5c: {  	_ =	shalt  }
0x5d: {  	_ =	shalt  }
0x5e: {  	_ =	shalt  }
0x5f: {  	_ =	shalt  }
0x60: {  	_ =	shalt  }
0x61: {  	_ =	shalt  }
0x62: {  	_ =	shalt  }
0x63: {  	_ =	shalt  }
0x64: {  	_ =	shalt  }
0x65: {  	_ =	shalt  }
0x66: {  	_ =	shalt  }
0x67: {  	_ =	shalt  }
0x68: {  	_ =	shalt  }
0x69: {  	_ =	shalt  }
0x6a: {  	_ =	shalt  }
0x6b: {  	_ =	shalt  }
0x6c: {  	_ =	shalt  }
0x6d: {  	_ =	shalt  }
0x6e: {  	_ =	shalt  }
0x6f: {  	_ =	shalt  }
0x70: {  	_ =	shalt  }
0x71: {  	_ =	shalt  }
0x72: {  	_ =	shalt  }
0x73: {  	_ =	shalt  }
0x74: {  	_ =	shalt  }
0x75: {  	_ =	shalt  }
0x76: {  	_ =	shalt  }
0x77: {  	_ =	shalt  }
0x78: {  	_ =	shalt  }
0x79: {  	_ =	shalt  }
0x7a: {  	_ =	shalt  }
0x7b: {  	_ =	shalt  }
0x7c: {  	_ =	shalt  }
0x7d: {  	_ =	shalt  }
0x7e: {  	_ =	shalt  }
0x7f: {  	_ =	shalt  }
0x80: {  	_ =	shalt  }
0x81: {  	_ =	shalt  }
0x82: {  	_ =	shalt  }
0x83: {  	_ =	shalt  }
0x84: {  	_ =	shalt  }
0x85: {  	_ =	shalt  }
0x86: {  	_ =	shalt  }
0x87: {  	_ =	shalt  }
.Lfunc_end0:
.L_simem_size_0:
called_computation.2_lowered:
.L_overlay_start_0:
0x88: {  	s2 =	sld [smem:$0x3FD9]  }
0x89: {  	s3 =	sld [smem:$0x3FFE];
	_ =	sdelay $0x1  }
0x8a: {  	s1 =	srdreg.scid  }
0x8b: {  	s0 =	sand.u32 $0x1, s1  }
0x8c: {  	s16 =	sshll.u32 s0, $0xA;
	s2 =	sadd.s32 s3, s2  }
0x8d: {  	s2 =	sadd.s32 s2, s16  }
0x8e: {  	[smem:$0x3FC6] =	sst s2  }
0x8f: {  	_ = 	snop  }
0x90: {  	(tm) =	ssettm $0x1  }
0x91: {  	s17 =	sld [smem:$0x3FFB];
	_ =	sdelay $0x3  }
0x92: {  	_ =	strace s17  }
0x93: {  	s2 =	sld [smem:$0x3FFC];
	_ =	sdelay $0x3  }
0x94: {  	_ =	strace s2  }
0x95: {  	s2 =	sld [smem:$0x3FFD];
	_ =	sdelay $0x3  }
0x96: {  	_ =	strace s2  }
0x97: {  	_ =	strace $0x8FFFFFFF  }
0x98: {  	s18 =	sld [smem:$0x3FDB];
	_ =	sdelay $0x1  }
0x99: {  	s19 =	simm.s32 $_scs_section_size  }
0x9a: {  	s4 =	simm.s32 $_size__tile_overlayer_lowered;
	s5 =	simm.s32 $_tile_overlayer_lowered  }
0x9b: {  	s22 =	simm.s32 $0x1BFF;
	s21 =	sshll.u32 s5, $0x1;
	s2 =	sadd.s32 s19, s18  }
0x9c: {  	s6 =	simm.s32 $0x0;
	s20 =	sshll.u32 s4, $0x1;
	s4 =	sadd.s32 s21, s2  }
0x9d: {  	[timem:s6], [sflag:s22] =	dma.local [hbm:s4], s20  }
0x9e: {  	_ =	swait.ge [sflag:s22], s20  }
0x9f: {  	s3 =	ssub.s32 $0x0, s20;
	[sflag:s22] =	ssyncset.done $0x0  }
0xa0: {  	[sflag:s22] =	ssyncadd.s32 s3;
	_ =	sdelay $0x1  }
0xa1: {  	s23 =	simm.s32 $0x1B8B  }
0xa2: {  	_ =	swait.ge [sflag:s23], $0x1  }
0xa3: {  	[sflag:s23] =	ssyncset.done $0x0  }
0xa4: {  	s25 =	simm.s32 $0x1B8E;
	s24 =	sld [smem:$0x3FFE];
	[sflag:s23] =	ssyncadd.s32 $0xFFFFFFFF  }
0xa5: {  	s26 =	simm.s32 $execute0_lowered;
	[smem:$0x3FD2] =	sst s25  }
0xa6: {  	s4 =	sshll.u32 s26, $0x1;
	_ =	strace $0x8000004C;
	[dreg:$0x1] =	wrdreg $0xFFFFFFFF  }
0xa7: {  	s28 =	simm.s32 $_size_execute0_lowered;
	s2 =	sadd.s32 s2, s4;
	[dreg:$0x0] =	wrdreg $0x0  }
0xa8: {  	s4 =	sshll.u32 s28, $0x1;
	[dreg:$0x2] =	wrdreg s2  }
0xa9: {  	[dreg:$0x3] =	wrdreg s4  }
0xaa: {  	[dreg:$0x4] =	wrdreg $0xC0  }
0xab: {  	_ =	task [dreg:s6], $0x5FFFF  }
0xac: {  	[dreg:$0x1] =	wrdreg $0xFFFFFFFF  }
0xad: {  	[dreg:$0x0] =	wrdreg $0x60  }
0xae: {  	[dreg:$0x2] =	wrdreg s24  }
0xaf: {  	[dreg:$0x3] =	wrdreg $0x9  }
0xb0: {  	_ =	task.clear_ibuf [dreg:s6], $0x4FFFF;
	_ =	strace $0x9000004C  }
0xb1: {  	s29 =	simm.s32 $0x9;
	_ =	strace $0x8000004E  }
0xb2: {  	_ =	swait.ge [sflag:s29], $0x1  }
0xb3: {  	[sflag:s29] =	ssyncadd.s32 $0xFFFFFFFF  }
0xb4: {  	_ =	strace $0x9000004E  }
0xb5: {  	_ =	sfence  }
0xb6: {  	s30 =	sld [smem:$0x0];
	_ =	sdelay $0x2  }
0xb7: {  	s31 =	sshll.u32 s1, $0xD;
	s1 =	sshrl.u32 s1, $0x2  }
0xb8: {  	s3 =	sand.u32 $0x4000, s31;
	s1 =	sadd.s32 s1, s30  }
0xb9: {  	s0 =	sor.u32 s3, s0;
	s1 =	sshll.u32 s1, $0x11  }
0xba: {  	s0 =	sor.u32 s1, s0  }
0xbb: {  	s0 =	sadd.s32 $0x8F2B, s0  }
0xbc: {  	[sflag:s0] =	ssyncadd.remote.s32 $0x1  }
0xbd: {  	_ =	sfence.sel $0xFFFF  }
0xbe: {  	[dreg:$0x0] =	wrdreg $0xFFFFFFFF;
	(pc) =	sbr.abs _section_cstart, $3  }
0xbf: {  	[dreg:$0x1] =	wrdreg $0xFFFFFFFF  }
0xc0: {  	_ =	task.clear_ibuf [dreg:s6], $0x2FFFF;
	_ =	strace $0x9FFFFFFF  }
0xc1: {  	(tm) =	ssettm $0x7FFFFFFF  }
tec
execute0_lowered:
.L_overlay_start_1:
0x0: {  	(tag) =	ssettag $0x1  }
0x1: {  	s4 =	rddreg [dreg:$0x0]  }
0x2: {  	s0 =	rddreg [dreg:$0x1]  }
0x3: {  	s3 =	srdreg.scid;
	s1 =	stileid.u32;
	s2 =	simm.s32 $0x0  }
0x4: {  	s10 =	simm.s32 $0x80;
	s11 =	simm.s32 $0x400;
	s12 =	simm.s32 $0x6000  }
0x5: {  	s13 =	simm.s32 $0x0;
	s5 =	sand.u32 $0x1, s3;
	s29 =	sshll.u32 s1, $0x1  }
0x6: {  	[smem:$0x7FF] =	sst s2;
	s8 =	sshll.u32 s1, $0x8;
	s6 =	sor.u32 s5, s29  }
0x7: {  	_ =	strace $0x8000004D;
	s8 =	sand.u32 $0xC00, s8;
	s5 =	ssub.s32 $0x2, s5  }
0x8: {  	s3 =	sshll.u32 s6, $0xD;
	s6 =	sshll.u32 s6, $0x4;
	s8 =	sadd.s32 s8, s4  }
0x9: {  	s30 =	sshrl.u32 s5, $0x1;
	s7 =	sadd.s32 s3, s4;
	s3 =	sadd.s32 $0x600, s4  }
0xa: {  	s6 =	sand.u32 $0x70, s6;
	s9 =	ssub.s32 s5, s30;
	s4 =	sadd.s32 $0x500000, s7  }
0xb: {  	v1 =	vlaneseq.u32;
	s31 =	sadd.s32 s6, s8;
	s6 =	smax.u32 s9, $0x1;
	s7 =	simm.s32 $0x6400  }
0xc: {  	v0 =	vimm.f32 $0.0e+00;
	v2 =	vimm.f32 $1.000000000e+00;
	v1 =	vmul.u32 $0x400, v1;
	s8 =	simm.s32 $0x1;
	s9 =	simm.s32 $0x2000;
	s5 =	sadd.s32 $0x800, s31  }
.LBB2_1:
0xd: {  	[tilespmem:s7], [sflag:$0x1] =	stream.linear.gather [hbm4b:s3+s2], $0x80, $0x38;
	[tilespmem:$0x6480] =	vst v63  }
0xe: {  	_ =	swait.ge [sflag:s8], $0x80  }
0xf: {  	[sflag:s8] =	ssyncset.done $0x0  }
0x10: {  	[sflag:s8] =	ssyncadd.s32 $0xFFFFFF80  }
0x11: {  	s14 =	simm.s32 $0x40;
	s15 =	simm.s32 $0x0;
	v3 =	vld [tilespmem:$0x6400]  }
.LBB2_2:
0x12: {  	p0 =	seq.s32 s14, $0xFFC0;
	[tilespmem:s15+$0x2000] =	vst v0;
	s15 =	smov.u32 s14;
	s14 =	sadd.s32 $0x40, s14  }
.Ltmp0:
0x13: {  	(pc) =	sbr.rel @!p0 .LBB2_2-.Ltmp0, $2  }
0x14: {  	_ =	sdelay $0x2  }
0x15: {  	s15 =	sshra.s32 s15, $0x2  }
0x16: {  	[tilespmem:s15+$0x2000] =	vst v0;
	v3 =	vbroadcast v3, $0x0;
	s14 =	simm.s32 $0x0;
	s15 =	simm.s32 $0x0  }
.LBB2_4:
0x17: {  	s16 =	sshll.u32 s15, $0xA  }
0x18: {  	s16 =	sadd.s32 s16, s4  }
0x19: {  	[tilespmem:s14], [sflag:$0x1] =	stream.linear.gather [hbm4b:s16+s14], $0x2000, $0x38;
	[tilespmem:$0x6480] =	vst v63  }
0x1a: {  	_ =	swait.ge [sflag:s8], $0x2000  }
0x1b: {  	[sflag:s8] =	ssyncset.done $0x0  }
0x1c: {  	s17 =	simm.s32 $0x0;
	s16 =	simm.s32 $0x40;
	[sflag:s8] =	ssyncadd.s32 $0xFFFFE000  }
.LBB2_5:
0x1d: {  	p0 =	sne.s32 s16, $0x7FC0;
	v4 =	vld [tilespmem:s17+$0x0];
	_ =	sdelay $0x4  }
0x1e: {  	v5 =	vshra.s32 v4, $0xA  }
0x1f: {  	v4 =	vand.u32 $0x3FF, v4;
	vm0 =	veq.s32 v5, v3  }
0x20: {  	v4 =	vor.u32 v1, v4  }
.Ltmp1:
0x21: {  	(pc) =	sbr.rel @p0 .LBB2_5-.Ltmp1, $2  }
0x22: {  	_ =	sdelay $0x2  }
0x23: {  	s17 =	sshra.s32 s16, $0x2;
	s16 =	sadd.s32 $0x40, s16;
	[tilespmem:v4+s9+$0x0] =	vst.idx.add.f32.msk vm0, v2  }
0x24: {  	v4 =	vld [tilespmem:s17+$0x0];
	_ =	sdelay $0x4  }
0x25: {  	v5 =	vshra.s32 v4, $0xA  }
0x26: {  	s15 =	sadd.s32 $0x1, s15;
	v4 =	vand.u32 $0x3FF, v4;
	vm0 =	veq.s32 v5, v3  }
0x27: {  	p0 =	sne.s32 s15, $0x8;
	v4 =	vor.u32 v1, v4  }
.Ltmp2:
0x28: {  	_ = 	snop;
	(pc) =	sbr.rel @p0 .LBB2_4-.Ltmp2, $2  }
0x29: {  	_ =	sdelay $0x2  }
0x2a: {  	[tilespmem:v4+s9+$0x0] =	vst.idx.add.f32.msk vm0, v2  }
0x2b: {  	s14 =	simm.s32 $0x2000  }
0x2c: {  	s15 =	simm.s32 $0x0;
	v3 =	vld [tilespmem:s14+$0x0]  }
0x2d: {  	s31 =	sand.u32 $0x3F0, s15  }
0x2e: {  	v4 =	vld [tilespmem:s31+$0x2400];
	_ =	sdelay $0x1  }
0x2f: {  	v5 =	vld [tilespmem:s31+$0x2800]  }
0x30: {  	v3 =	vadd.f32 $0.0e+00, v3  }
0x31: {  	v6 =	vld [tilespmem:s31+$0x2C00]  }
0x32: {  	v3 =	vadd.f32 v4, v3  }
0x33: {  	v4 =	vld [tilespmem:s31+$0x3000]  }
0x34: {  	v3 =	vadd.f32 v5, v3  }
0x35: {  	v5 =	vld [tilespmem:s31+$0x3400]  }
0x36: {  	v3 =	vadd.f32 v6, v3  }
0x37: {  	v60 =	vld [tilespmem:s31+$0x3800]  }
0x38: {  	v3 =	vadd.f32 v4, v3  }
0x39: {  	v4 =	vld [tilespmem:s31+$0x3C00]  }
0x3a: {  	v3 =	vadd.f32 v5, v3  }
0x3b: {  	v5 =	vld [tilespmem:s31+$0x4000]  }
0x3c: {  	v3 =	vadd.f32 v60, v3  }
0x3d: {  	v61 =	vld [tilespmem:s31+$0x4400]  }
0x3e: {  	v3 =	vadd.f32 v4, v3  }
0x3f: {  	v4 =	vld [tilespmem:s31+$0x4800]  }
0x40: {  	v3 =	vadd.f32 v5, v3  }
0x41: {  	v5 =	vld [tilespmem:s31+$0x4C00]  }
0x42: {  	v3 =	vadd.f32 v61, v3  }
0x43: {  	v62 =	vld [tilespmem:s31+$0x5000]  }
0x44: {  	v3 =	vadd.f32 v4, v3  }
0x45: {  	v4 =	vld [tilespmem:s31+$0x5400]  }
0x46: {  	v3 =	vadd.f32 v5, v3  }
0x47: {  	v5 =	vld [tilespmem:s31+$0x5800]  }
0x48: {  	v3 =	vadd.f32 v62, v3  }
0x49: {  	v63 =	vld [tilespmem:s31+$0x5C00]  }
0x4a: {  	v3 =	vadd.f32 v4, v3;
	_ =	sdelay $0x1  }
0x4b: {  	v3 =	vadd.f32 v5, v3;
	_ =	sdelay $0x1  }
0x4c: {  	v3 =	vadd.f32 v63, v3  }
0x4d: {  	s14 =	simm.s32 $0x6000  }
0x4e: {  	s15 =	simm.s32 $0x2010;
	[tilespmem:s14+$0x0] =	vst v3  }
0x4f: {  	s16 =	simm.s32 $0x10;
	s17 =	simm.s32 $0x20;
	v3 =	vld [tilespmem:s15+$0x0]  }
.LBB2_8:
0x50: {  	p0 =	sne.s32 s17, $0x3F0;
	s18 =	sand.u32 $0x3F0, s16;
	s16 =	smov.u32 s17  }
0x51: {  	v4 =	vld [tilespmem:s18+$0x2400];
	_ =	sdelay $0x1  }
0x52: {  	v5 =	vld [tilespmem:s18+$0x2800]  }
0x53: {  	v3 =	vadd.f32 $0.0e+00, v3  }
0x54: {  	v6 =	vld [tilespmem:s18+$0x2C00]  }
0x55: {  	v3 =	vadd.f32 v4, v3  }
0x56: {  	v4 =	vld [tilespmem:s18+$0x3000]  }
0x57: {  	v3 =	vadd.f32 v5, v3  }
0x58: {  	v5 =	vld [tilespmem:s18+$0x3400]  }
0x59: {  	v3 =	vadd.f32 v6, v3  }
0x5a: {  	v6 =	vld [tilespmem:s18+$0x3800]  }
0x5b: {  	v3 =	vadd.f32 v4, v3  }
0x5c: {  	v4 =	vld [tilespmem:s18+$0x3C00]  }
0x5d: {  	v3 =	vadd.f32 v5, v3  }
0x5e: {  	v5 =	vld [tilespmem:s18+$0x4000]  }
0x5f: {  	v3 =	vadd.f32 v6, v3  }
0x60: {  	v6 =	vld [tilespmem:s18+$0x4400]  }
0x61: {  	v3 =	vadd.f32 v4, v3  }
0x62: {  	v4 =	vld [tilespmem:s18+$0x4800]  }
0x63: {  	v3 =	vadd.f32 v5, v3  }
0x64: {  	v5 =	vld [tilespmem:s18+$0x4C00]  }
0x65: {  	v3 =	vadd.f32 v6, v3  }
0x66: {  	v6 =	vld [tilespmem:s18+$0x5000]  }
0x67: {  	v3 =	vadd.f32 v4, v3  }
0x68: {  	v4 =	vld [tilespmem:s18+$0x5400]  }
0x69: {  	v3 =	vadd.f32 v5, v3  }
0x6a: {  	v5 =	vld [tilespmem:s18+$0x5800]  }
0x6b: {  	v3 =	vadd.f32 v6, v3  }
0x6c: {  	v6 =	vld [tilespmem:s18+$0x5C00]  }
0x6d: {  	v3 =	vadd.f32 v4, v3;
	_ =	sdelay $0x1  }
0x6e: {  	v3 =	vadd.f32 v5, v3  }
.Ltmp3:
0x6f: {  	(pc) =	sbr.rel @p0 .LBB2_8-.Ltmp3, $4  }
0x70: {  	v3 =	vadd.f32 v6, v3  }
0x71: {  	s14 =	sadd.s32 $0x10, s14  }
0x72: {  	s15 =	sadd.s32 $0x10, s15;
	[tilespmem:s14+$0x0] =	vst v3  }
0x73: {  	s17 =	sadd.s32 $0x10, s17;
	v3 =	vld [tilespmem:s15+$0x0]  }
0x74: {  	s15 =	sand.u32 $0x3F0, s16  }
0x75: {  	v4 =	vld [tilespmem:s15+$0x2400];
	_ =	sdelay $0x1  }
0x76: {  	v5 =	vld [tilespmem:s15+$0x2800]  }
0x77: {  	v3 =	vadd.f32 $0.0e+00, v3  }
0x78: {  	v6 =	vld [tilespmem:s15+$0x2C00]  }
0x79: {  	v3 =	vadd.f32 v4, v3  }
0x7a: {  	v52 =	vld [tilespmem:s15+$0x3000]  }
0x7b: {  	v3 =	vadd.f32 v5, v3  }
0x7c: {  	v53 =	vld [tilespmem:s15+$0x3400]  }
0x7d: {  	v3 =	vadd.f32 v6, v3  }
0x7e: {  	v54 =	vld [tilespmem:s15+$0x3800]  }
0x7f: {  	v3 =	vadd.f32 v52, v3  }
0x80: {  	v55 =	vld [tilespmem:s15+$0x3C00]  }
0x81: {  	v3 =	vadd.f32 v53, v3  }
0x82: {  	v56 =	vld [tilespmem:s15+$0x4000]  }
0x83: {  	v3 =	vadd.f32 v54, v3  }
0x84: {  	v57 =	vld [tilespmem:s15+$0x4400]  }
0x85: {  	v3 =	vadd.f32 v55, v3  }
0x86: {  	v58 =	vld [tilespmem:s15+$0x4800]  }
0x87: {  	v3 =	vadd.f32 v56, v3  }
0x88: {  	v59 =	vld [tilespmem:s15+$0x4C00]  }
0x89: {  	v3 =	vadd.f32 v57, v3  }
0x8a: {  	v60 =	vld [tilespmem:s15+$0x5000]  }
0x8b: {  	v3 =	vadd.f32 v58, v3  }
0x8c: {  	v61 =	vld [tilespmem:s15+$0x5400]  }
0x8d: {  	v3 =	vadd.f32 v59, v3  }
0x8e: {  	v62 =	vld [tilespmem:s15+$0x5800]  }
0x8f: {  	v3 =	vadd.f32 v60, v3  }
0x90: {  	v63 =	vld [tilespmem:s15+$0x5C00]  }
0x91: {  	v3 =	vadd.f32 v61, v3;
	_ =	sdelay $0x1  }
0x92: {  	v3 =	vadd.f32 v62, v3;
	_ =	sdelay $0x1  }
0x93: {  	s13 =	sadd.s32 $0x1, s13;
	v3 =	vadd.f32 v63, v3  }
0x94: {  	s14 =	sadd.s32 $0x10, s14;
	p0 =	sne.s32 s13, s6  }
.Ltmp4:
0x95: {  	[tilespmem:s14+$0x0] =	vst v3;
	(pc) =	sbr.rel @p0 .LBB2_1-.Ltmp4, $4  }
0x96: {  	[hbm4b:s5+s10] =	stream.strided.scatter [tilespmem:s12], [sflag:$0x1], $0x400, s11, s10, $0x38;
	[tilespmem:$0x6480] =	vst v63  }
0x97: {  	_ =	swait.ge [sflag:s8], $0x400  }
0x98: {  	[sflag:s8] =	ssyncset.done $0x0  }
0x99: {  	[sflag:s8] =	ssyncadd.s32 $0xFFFFFC00  }
0x9a: {  	_ =	sfence.sel $0x180000  }
0x9b: {  	[bflag:$0x0] =	sbarrier.arrive $0xFFFF  }
0x9c: {  	p0 =	sne.s32 s1, $0x0;
	_ =	strace $0x9000004D  }
0x9d: {  	s0 =	sadd.s32 @!p0 $0x100000, s0;
	[bflag:$0x2] =	sbarrier.arrive $0xFFFF  }
0x9e: {  	[sflag:s0] =	ssyncadd.tile.s32 @!p0 $0x1;
	_ =	shalt  }
.Lfunc_end2:
_tile_overlayer_lowered:
.L_overlay_start_2:
0x9f: {  	(tag) =	ssettag $0x2  }
0xa0: {  	s0 =	rddreg [dreg:$0x0];
	s2 =	stileid.u32  }
0xa1: {  	s1 =	rddreg [dreg:$0x1];
	p0 =	sne.s32 s2, $0x0  }
0xa2: {  	s3 =	rddreg [dreg:$0x2];
	[bflag:$0x3] =	sbarrier.arrive $0xFFFF;
	s2 =	simm.s32 @!p0 $0x1C01  }
0xa3: {  	[timem:s3], [sflag:s2] =	dma.local @!p0 [hbm:s0], s1  }
0xa4: {  	s0 =	simm.s32 @!p0 $0x1  }
0xa5: {  	_ =	swait.ge @!p0 [sflag:s0], s1  }
0xa6: {  	s1 =	ssub.s32 @!p0 $0x0, s1;
	[sflag:s0] =	ssyncset.done @!p0 $0x0  }
0xa7: {  	[sflag:s0] =	ssyncadd.s32 @!p0 s1  }
0xa8: {  	[bflag:$0x3] =	sbarrier.arrive $0xFFFF  }
0xa9: {  	_ =	shalt  }

// kernel: branch_0_fun.15.cloned.1.call-start
scs
__scs_entry_jumppad:
0x0: {  	(pc) =	sbr.rel $0x88, $3  }
0x1: {  	(tag) =	ssettag $0x0;
	lr =	simm.s32 $0x1  }
0x2: {  	[smem:$0x3F9F] =	sst lr;
	_ =	strace $0xD0000000  }
0x3: {  	_ = 	snop  }
0x4: {  	_ = 	snop  }
0x5: {  	_ = 	snop  }
0x6: {  	_ = 	snop  }
0x7: {  	_ = 	snop  }
__scs_overlays_trampoline_lowered:
0x8: {  	[smem:$0x3FAE] =	sst s0  }
0x9: {  	[smem:$0x3FAF] =	sst s1  }
0xa: {  	[smem:$0x3FB0] =	sst s2  }
0xb: {  	[smem:$0x3FB1] =	sst s3  }
0xc: {  	[smem:$0x3FB2] =	sst s4  }
0xd: {  	[smem:$0x3FB3] =	sst s5  }
0xe: {  	[smem:$0x3FB4] =	sst s6  }
0xf: {  	[smem:$0x3FB5] =	sst s7  }
0x10: {  	[smem:$0x3FB6] =	sst s8  }
0x11: {  	[smem:$0x3FB7] =	sst s9;
	s0 =	simm.s32 @!p0 $0x0  }
0x12: {  	s1 =	sld [smem:$0x3F9D];
	s0 =	simm.s32 @p0 $0x1  }
0x13: {  	[smem:$0x3FB8] =	sst s0;
	s0 =	simm.s32 @!p1 $0x0  }
0x14: {  	s2 =	sld [smem:$0x3F9C];
	s0 =	simm.s32 @p1 $0x1  }
0x15: {  	[smem:$0x3FB9] =	sst s0;
	s0 =	simm.s32 @!p2 $0x0  }
0x16: {  	s3 =	sld [smem:$0x3FDB];
	s0 =	simm.s32 @p2 $0x1  }
0x17: {  	s4 =	simm.s32 $0x1BF5;
	[smem:$0x3FBB] =	sst s0  }
0x18: {  	s0 =	sld [smem:$0x3F9E];
	_ =	swait.ge [sflag:s4], $0x0  }
0x19: {  	s7 =	sld [smem:$0x3F9F]  }
0x1a: {  	s8 =	sadd.s32 $0xFFFFE003, lr  }
0x1b: {  	s9 =	sadd.s32 $0xFFFFFEF7, lr;
	s5 =	simm.s32 $0xFFFFFFFF;
	p2 =	slt.u32 s8, $0xFFFFF086  }
0x1c: {  	p1 =	slt.u32 s9, $0xF7A;
	s5 =	simm.s32 @!p2 $0x0  }
0x1d: {  	s5 =	simm.s32 @p1 $0x1;
	p0 =	seq.s32 s7, s2  }
0x1e: {  	s7 =	smul.u32 @!p0 $0xF7A, s2;
	p2 =	seq.s32 @!p0 s5, $0x0  }
0x1f: {  	s9 =	smul.u32 $0xF7A, s1;
	s8 =	simm.s32 @!p0 $0x1BF5;
	p2 =	por !p2, p0  }
0x20: {  	[sflag:s8] =	ssyncset.s32 @!p0 $0xFFFFF086;
	s6 =	sadd.s32 @!p0 s3, s7;
	s7 =	simm.s32 @!p0 $0x108  }
0x21: {  	s3 =	sadd.s32 s3, s9;
	s6 =	sadd.s32 @!p0 $0x88, s6;
	s7 =	simm.s32 @p2 $0x1082  }
0x22: {  	[simem:s7], [sflag:s8] =	dma.local @!p0 [hbm:s6], $0xF7A  }
0x23: {  	s9 =	sor.u32 $0xD0000000, s2;
	s6 =	simm.s32 $0x108;
	_ =	swait.ge @!p0 [sflag:s8], $0x0  }
0x24: {  	s3 =	sadd.s32 $0x88, s3;
	s6 =	simm.s32 @!p1 $0x1082;
	[sflag:s4] =	ssyncset.s32 $0xFFFFF086  }
0x25: {  	[simem:s6], [sflag:s4] =	dma.local [hbm:s3], $0xF7A  }
0x26: {  	[smem:$0x3F9F] =	sst s1;
	(tag) =	ssettag s2;
	_ =	strace s9  }
0x27: {  	s1 =	sld [smem:$0x3FAF]  }
0x28: {  	s2 =	sld [smem:$0x3FB0]  }
0x29: {  	s4 =	sld [smem:$0x3FB2]  }
0x2a: {  	p0 =	seq.s32 s5, $0x0;
	s5 =	sld [smem:$0x3FB3]  }
0x2b: {  	s6 =	sld [smem:$0x3FB4]  }
0x2c: {  	s7 =	sld [smem:$0x3FB5]  }
0x2d: {  	s3 =	simm.s32 $0x108;
	s8 =	sld [smem:$0x3FB6]  }
0x2e: {  	s3 =	simm.s32 @!p0 $0x1082;
	s9 =	sld [smem:$0x3FB7]  }
0x2f: {  	lr =	sadd.s32 s0, s3;
	s0 =	sld [smem:$0x3FAE]  }
0x30: {  	s3 =	sld [smem:$0x3FB1]  }
0x31: {  	[smem:$0x3FBA] =	sst s10  }
0x32: {  	s10 =	sld [smem:$0x3FB8];
	_ =	sdelay $0x3  }
0x33: {  	p0 =	seq.s32 s10, $0x1;
	s10 =	sld [smem:$0x3FBA];
	_ =	sdelay $0x3  }
0x34: {  	[smem:$0x3FBA] =	sst s10  }
0x35: {  	s10 =	sld [smem:$0x3FB9];
	_ =	sdelay $0x3  }
0x36: {  	p1 =	seq.s32 s10, $0x1;
	s10 =	sld [smem:$0x3FBA];
	_ =	sdelay $0x3  }
0x37: {  	[smem:$0x3FBA] =	sst s10  }
0x38: {  	s10 =	sld [smem:$0x3FBB]  }
0x39: {  	_ = 	snop;
	(pc) =	sbr.ind lr, $3  }
0x3a: {  	_ = 	snop  }
0x3b: {  	_ = 	snop  }
0x3c: {  	p2 =	seq.s32 s10, $0x1;
	s10 =	sld [smem:$0x3FBA]  }
0x3d: {  	_ =	shalt  }
0x3e: {  	_ =	shalt  }
0x3f: {  	_ =	shalt  }
0x40: {  	_ =	shalt  }
0x41: {  	_ =	shalt  }
0x42: {  	_ =	shalt  }
0x43: {  	_ =	shalt  }
0x44: {  	_ =	shalt  }
0x45: {  	_ =	shalt  }
0x46: {  	_ =	shalt  }
0x47: {  	_ =	shalt  }
0x48: {  	_ =	shalt  }
0x49: {  	_ =	shalt  }
0x4a: {  	_ =	shalt  }
0x4b: {  	_ =	shalt  }
0x4c: {  	_ =	shalt  }
0x4d: {  	_ =	shalt  }
0x4e: {  	_ =	shalt  }
0x4f: {  	_ =	shalt  }
0x50: {  	_ =	shalt  }
0x51: {  	_ =	shalt  }
0x52: {  	_ =	shalt  }
0x53: {  	_ =	shalt  }
0x54: {  	_ =	shalt  }
0x55: {  	_ =	shalt  }
0x56: {  	_ =	shalt  }
0x57: {  	_ =	shalt  }
0x58: {  	_ =	shalt  }
0x59: {  	_ =	shalt  }
0x5a: {  	_ =	shalt  }
0x5b: {  	_ =	shalt  }
0x5c: {  	_ =	shalt  }
0x5d: {  	_ =	shalt  }
0x5e: {  	_ =	shalt  }
0x5f: {  	_ =	shalt  }
0x60: {  	_ =	shalt  }
0x61: {  	_ =	shalt  }
0x62: {  	_ =	shalt  }
0x63: {  	_ =	shalt  }
0x64: {  	_ =	shalt  }
0x65: {  	_ =	shalt  }
0x66: {  	_ =	shalt  }
0x67: {  	_ =	shalt  }
0x68: {  	_ =	shalt  }
0x69: {  	_ =	shalt  }
0x6a: {  	_ =	shalt  }
0x6b: {  	_ =	shalt  }
0x6c: {  	_ =	shalt  }
0x6d: {  	_ =	shalt  }
0x6e: {  	_ =	shalt  }
0x6f: {  	_ =	shalt  }
0x70: {  	_ =	shalt  }
0x71: {  	_ =	shalt  }
0x72: {  	_ =	shalt  }
0x73: {  	_ =	shalt  }
0x74: {  	_ =	shalt  }
0x75: {  	_ =	shalt  }
0x76: {  	_ =	shalt  }
0x77: {  	_ =	shalt  }
0x78: {  	_ =	shalt  }
0x79: {  	_ =	shalt  }
0x7a: {  	_ =	shalt  }
0x7b: {  	_ =	shalt  }
0x7c: {  	_ =	shalt  }
0x7d: {  	_ =	shalt  }
0x7e: {  	_ =	shalt  }
0x7f: {  	_ =	shalt  }
0x80: {  	_ =	shalt  }
0x81: {  	_ =	shalt  }
0x82: {  	_ =	shalt  }
0x83: {  	_ =	shalt  }
0x84: {  	_ =	shalt  }
0x85: {  	_ =	shalt  }
0x86: {  	_ =	shalt  }
0x87: {  	_ =	shalt  }
.Lfunc_end0:
.L_simem_size_0:
called_computation.3_lowered:
.L_overlay_start_0:
0x88: {  	s2 =	sld [smem:$0x3FD9]  }
0x89: {  	s3 =	sld [smem:$0x3FFE];
	_ =	sdelay $0x1  }
0x8a: {  	s1 =	srdreg.scid  }
0x8b: {  	s0 =	sand.u32 $0x1, s1  }
0x8c: {  	s17 =	sshll.u32 s0, $0xA;
	s2 =	sadd.s32 s3, s2  }
0x8d: {  	s2 =	sadd.s32 s2, s17  }
0x8e: {  	[smem:$0x3FC6] =	sst s2  }
0x8f: {  	_ = 	snop  }
0x90: {  	s2 =	sld [smem:$0x3FD0];
	(tm) =	ssettm $0x1  }
0x91: {  	s18 =	sld [smem:$0x3FFB];
	_ =	sdelay $0x3  }
0x92: {  	_ =	strace s18  }
0x93: {  	s3 =	sld [smem:$0x3FFC];
	_ =	sdelay $0x3  }
0x94: {  	_ =	strace s3  }
0x95: {  	s3 =	sld [smem:$0x3FFD];
	_ =	sdelay $0x3  }
0x96: {  	_ =	strace s3  }
0x97: {  	_ =	strace $0x8FFFFFFF  }
0x98: {  	s19 =	sld [smem:$0x3FDB];
	_ =	sdelay $0x1  }
0x99: {  	s4 =	simm.s32 $_scs_section_size  }
0x9a: {  	s5 =	simm.s32 $_size__tile_overlayer_lowered;
	s6 =	simm.s32 $_tile_overlayer_lowered  }
0x9b: {  	s22 =	simm.s32 $0x1BFF;
	s21 =	sshll.u32 s6, $0x1;
	s3 =	sadd.s32 s4, s19  }
0x9c: {  	s7 =	simm.s32 $0x0;
	s20 =	sshll.u32 s5, $0x1;
	s5 =	sadd.s32 s21, s3  }
0x9d: {  	[timem:s7], [sflag:s22] =	dma.local [hbm:s5], s20  }
0x9e: {  	_ =	swait.ge [sflag:s22], s20  }
0x9f: {  	s4 =	ssub.s32 $0x0, s20;
	[sflag:s22] =	ssyncset.done $0x0  }
0xa0: {  	[sflag:s22] =	ssyncadd.s32 s4;
	_ =	sdelay $0x1  }
0xa1: {  	s23 =	simm.s32 $0x1B8B  }
0xa2: {  	_ =	swait.ge [sflag:s23], $0x1  }
0xa3: {  	[sflag:s23] =	ssyncset.done $0x0  }
0xa4: {  	s25 =	simm.s32 $0x1B8E;
	s24 =	sld [smem:$0x3FFE];
	[sflag:s23] =	ssyncadd.s32 $0xFFFFFFFF  }
0xa5: {  	s26 =	simm.s32 $execute0_lowered;
	[smem:$0x3FD2] =	sst s25  }
0xa6: {  	s5 =	sshll.u32 s26, $0x1;
	_ =	strace $0x8000004F;
	[dreg:$0x1] =	wrdreg $0xFFFFFFFF  }
0xa7: {  	s28 =	simm.s32 $_size_execute0_lowered;
	s3 =	sadd.s32 s3, s5;
	[dreg:$0x0] =	wrdreg $0x0  }
0xa8: {  	s5 =	sshll.u32 s28, $0x1;
	[dreg:$0x2] =	wrdreg s3  }
0xa9: {  	[dreg:$0x3] =	wrdreg s5  }
0xaa: {  	[dreg:$0x4] =	wrdreg $0xC0  }
0xab: {  	_ =	task [dreg:s7], $0x5FFFF  }
0xac: {  	[dreg:$0x1] =	wrdreg $0xFFFFFFFF  }
0xad: {  	[dreg:$0x0] =	wrdreg $0x60  }
0xae: {  	[dreg:$0x2] =	wrdreg s24  }
0xaf: {  	[dreg:$0x3] =	wrdreg s2  }
0xb0: {  	[dreg:$0x4] =	wrdreg $0x9  }
0xb1: {  	_ =	task.clear_ibuf [dreg:s7], $0x5FFFF;
	_ =	strace $0x9000004F  }
0xb2: {  	s29 =	simm.s32 $0x9;
	_ =	strace $0x80000051  }
0xb3: {  	_ =	swait.ge [sflag:s29], $0x1  }
0xb4: {  	[sflag:s29] =	ssyncadd.s32 $0xFFFFFFFF  }
0xb5: {  	_ =	strace $0x90000051  }
0xb6: {  	_ =	sfence  }
0xb7: {  	s30 =	sld [smem:$0x0];
	_ =	sdelay $0x2  }
0xb8: {  	s31 =	sshll.u32 s1, $0xD;
	s1 =	sshrl.u32 s1, $0x2  }
0xb9: {  	s3 =	sand.u32 $0x4000, s31;
	s1 =	sadd.s32 s1, s30  }
0xba: {  	s0 =	sor.u32 s3, s0;
	s1 =	sshll.u32 s1, $0x11  }
0xbb: {  	s0 =	sor.u32 s1, s0  }
0xbc: {  	s0 =	sadd.s32 $0x8F2B, s0  }
0xbd: {  	[sflag:s0] =	ssyncadd.remote.s32 $0x1  }
0xbe: {  	_ =	sfence.sel $0xFFFF  }
0xbf: {  	[dreg:$0x0] =	wrdreg $0xFFFFFFFF;
	(pc) =	sbr.abs _section_cstart, $3  }
0xc0: {  	[dreg:$0x1] =	wrdreg $0xFFFFFFFF  }
0xc1: {  	_ =	task.clear_ibuf [dreg:s7], $0x2FFFF;
	_ =	strace $0x9FFFFFFF  }
0xc2: {  	(tm) =	ssettm $0x7FFFFFFF  }
0xc3: {  	_ =	shalt  }
tec
execute0_lowered:
.L_overlay_start_1:
0x0: {  	(tag) =	ssettag $0x1  }
0x1: {  	s6 =	rddreg [dreg:$0x0]  }
0x2: {  	s2 =	rddreg [dreg:$0x1]  }
0x3: {  	s0 =	rddreg [dreg:$0x2]  }
0x4: {  	s3 =	simm.s32 $0x0;
	s4 =	srdreg.scid;
	s1 =	stileid.u32  }
0x5: {  	s10 =	simm.s32 $0x1;
	s11 =	simm.s32 $0x2000;
	s12 =	simm.s32 $0x4080  }
0x6: {  	s13 =	simm.s32 $0x0;
	s17 =	simm.s32 $0x0;
	[smem:$0x7FF] =	sst s3  }
0x7: {  	s5 =	sand.u32 $0x1, s4;
	s30 =	sshll.u32 s1, $0x1;
	s4 =	sadd.s32 $0x500000, s6  }
0x8: {  	_ =	strace $0x80000050;
	s7 =	sor.u32 s5, s30;
	s9 =	ssub.s32 $0x2, s5  }
0x9: {  	s5 =	sadd.s32 $0x540000, s6;
	s8 =	sshll.u32 s7, $0x4;
	s31 =	sshrl.u32 s9, $0x1  }
0xa: {  	s8 =	sadd.s32 s8, s6;
	s9 =	ssub.s32 s9, s31;
	s6 =	sshll.u32 s7, $0xD  }
0xb: {  	v0 =	vimm.f32 $0.0e+00;
	vm0 =	vcmask $0x704;
	vm1 =	vcmask $0x3F04;
	s7 =	sadd.s32 $0x600, s8;
	s8 =	smax.u32 s9, $0x1;
	s9 =	simm.s32 $0x4000  }
.LBB2_1:
0xc: {  	[tilespmem:s9], [sflag:$0x1] =	stream.linear.gather [hbm4b:s2+s3], $0x80, $0x38;
	[tilespmem:$0x4100] =	vst v63  }
0xd: {  	_ =	swait.ge [sflag:s10], $0x80  }
0xe: {  	[sflag:s10] =	ssyncset.done $0x0  }
0xf: {  	[sflag:s10] =	ssyncadd.s32 $0xFFFFFF80  }
0x10: {  	v2 =	vld.msk [tilespmem:$0x4000 ss:$0x0], $0xffff  }
0x11: {  	v1 =	vimm.f32 $0.0e+00;
	v3 =	vimm.f32 $0.0e+00;
	s14 =	simm.s32 $0x0  }
.LBB2_2:
0x12: {  	s15 =	sshll.u32 s14, $0xA  }
0x13: {  	s15 =	sadd.s32 s6, s15  }
0x14: {  	s16 =	sadd.s32 s4, s15  }
0x15: {  	[tilespmem:s17], [sflag:$0x1] =	stream.linear.gather [hbm4b:s16+s17], $0x2000, $0x38;
	[tilespmem:$0x4100] =	vst v63  }
0x16: {  	_ =	swait.ge [sflag:s10], $0x2000  }
0x17: {  	[sflag:s10] =	ssyncset.done $0x0  }
0x18: {  	s15 =	sadd.s32 s5, s15;
	[sflag:s10] =	ssyncadd.s32 $0xFFFFE000  }
0x19: {  	[tilespmem:s11], [sflag:$0x1] =	stream.linear.gather [hbm4b:s15+s17], $0x2000, $0x38;
	[tilespmem:$0x4100] =	vst v63  }
0x1a: {  	_ =	swait.ge [sflag:s10], $0x2000  }
0x1b: {  	[sflag:s10] =	ssyncset.done $0x0  }
0x1c: {  	s31 =	simm.s32 $0x0;
	[sflag:s10] =	ssyncadd.s32 $0xFFFFE000  }
0x1d: {  	v4 =	vld [tilespmem:s31+$0x0]  }
0x1e: {  	s15 =	simm.s32 $0x40;
	v5 =	vld [tilespmem:s31+$0x2000]  }
.LBB2_3:
0x1f: {  	p0 =	sne.s32 s15, $0x7FC0  }
.Ltmp0:
0x20: {  	_ = 	snop;
	(pc) =	sbr.rel @p0 .LBB2_3-.Ltmp0, $4  }
0x21: {  	_ = 	snop  }
0x22: {  	s16 =	sshra.s32 s15, $0x2;
	s15 =	sadd.s32 $0x40, s15;
	vm2 =	vlt.s32 v4, v2  }
0x23: {  	v4 =	vld [tilespmem:s16+$0x0];
	v6 =	vnsel vm2, $0x0, v5;
	v7 =	vsel vm2, $0x3F800000, v0  }
0x24: {  	v5 =	vld [tilespmem:s16+$0x2000];
	v3 =	vadd.f32 v6, v3;
	v1 =	vadd.f32 v7, v1  }
0x25: {  	s14 =	sadd.s32 $0x1, s14  }
0x26: {  	p0 =	sne.s32 s14, $0x8  }
.Ltmp1:
0x27: {  	_ = 	snop;
	(pc) =	sbr.rel @p0 .LBB2_2-.Ltmp1, $4  }
0x28: {  	_ = 	snop  }
0x29: {  	vm2 =	vlt.s32 v4, v2  }
0x2a: {  	v4 =	vnsel vm2, $0x0, v5;
	v5 =	vsel vm2, $0x3F800000, v0  }
0x2b: {  	v3 =	vadd.f32 v4, v3;
	v1 =	vadd.f32 v5, v1  }
0x2c: {  	_ = 	snop  }
0x2d: {  	(xrf2) =	vadd.scan.msk.f32 $0xffff, v3  }
0x2e: {  	(xrf2) =	vadd.scan.msk.f32 $0xffff, v1;
	_ =	sdelay $0x8  }
0x2f: {  	v1, _, _ =	vpop (xrf2)  }
0x30: {  	v2, _, _ =	vpop (xrf2)  }
0x31: {  	v2 =	vbroadcast v2, $0xF  }
0x32: {  	v1 =	vbroadcast v1, $0xF  }
0x33: {  	s13 =	sadd.s32 $0x1, s13;
	v2 =	vnsel vm0, $0x0, v2  }
0x34: {  	p0 =	sne.s32 s13, s8;
	v1 =	vsel vm1, v2, v1  }
.Ltmp2:
0x35: {  	[tilespmem:$0x4080] =	vst v1;
	(pc) =	sbr.rel @p0 .LBB2_1-.Ltmp2, $4  }
0x36: {  	[hbm4b:s7+s3] =	stream.linear.scatter [tilespmem:s12], [sflag:$0x1], $0x80, $0x38;
	[tilespmem:$0x4100] =	vst v63  }
0x37: {  	_ =	swait.ge [sflag:s10], $0x80  }
0x38: {  	[sflag:s10] =	ssyncset.done $0x0  }
0x39: {  	[sflag:s10] =	ssyncadd.s32 $0xFFFFFF80  }
0x3a: {  	_ =	sfence.sel $0x180000  }
0x3b: {  	[bflag:$0x0] =	sbarrier.arrive $0xFFFF  }
0x3c: {  	p0 =	sne.s32 s1, $0x0;
	_ =	strace $0x90000050  }
0x3d: {  	s0 =	sadd.s32 @!p0 $0x100000, s0;
	[bflag:$0x2] =	sbarrier.arrive $0xFFFF  }
0x3e: {  	[sflag:s0] =	ssyncadd.tile.s32 @!p0 $0x1;
	_ =	shalt  }
.Lfunc_end2:
_tile_overlayer_lowered:
.L_overlay_start_2:
0x3f: {  	(tag) =	ssettag $0x2  }
0x40: {  	s0 =	rddreg [dreg:$0x0];
	s2 =	stileid.u32  }
0x41: {  	s1 =	rddreg [dreg:$0x1];
	p0 =	sne.s32 s2, $0x0  }
0x42: {  	s3 =	rddreg [dreg:$0x2];
	[bflag:$0x3] =	sbarrier.arrive $0xFFFF;
	s2 =	simm.s32 @!p0 $0x1C01  }
0x43: {  	[timem:s3], [sflag:s2] =	dma.local @!p0 [hbm:s0], s1  }
0x44: {  	s0 =	simm.s32 @!p0 $0x1  }
0x45: {  	_ =	swait.ge @!p0 [sflag:s0], s1  }
0x46: {  	s1 =	ssub.s32 @!p0 $0x0, s1;
	[sflag:s0] =	ssyncset.done @!p0 $0x0  }
0x47: {  	[sflag:s0] =	ssyncadd.s32 @!p0 s1  }
0x48: {  	[bflag:$0x3] =	sbarrier.arrive $0xFFFF  }
0x49: {  	_ =	shalt  }

// kernel: branch_0_fun.6.cloned.1.call-start
scs
__scs_entry_jumppad:
0x0: {  	(pc) =	sbr.rel $0x88, $3  }
0x1: {  	(tag) =	ssettag $0x0;
	lr =	simm.s32 $0x1  }
0x2: {  	[smem:$0x3F9F] =	sst lr;
	_ =	strace $0xD0000000  }
0x3: {  	_ = 	snop  }
0x4: {  	_ = 	snop  }
0x5: {  	_ = 	snop  }
0x6: {  	_ = 	snop  }
0x7: {  	_ = 	snop  }
__scs_overlays_trampoline_lowered:
0x8: {  	[smem:$0x3FAE] =	sst s0  }
0x9: {  	[smem:$0x3FAF] =	sst s1  }
0xa: {  	[smem:$0x3FB0] =	sst s2  }
0xb: {  	[smem:$0x3FB1] =	sst s3  }
0xc: {  	[smem:$0x3FB2] =	sst s4  }
0xd: {  	[smem:$0x3FB3] =	sst s5  }
0xe: {  	[smem:$0x3FB4] =	sst s6  }
0xf: {  	[smem:$0x3FB5] =	sst s7  }
0x10: {  	[smem:$0x3FB6] =	sst s8  }
0x11: {  	[smem:$0x3FB7] =	sst s9;
	s0 =	simm.s32 @!p0 $0x0  }
0x12: {  	s1 =	sld [smem:$0x3F9D];
	s0 =	simm.s32 @p0 $0x1  }
0x13: {  	[smem:$0x3FB8] =	sst s0;
	s0 =	simm.s32 @!p1 $0x0  }
0x14: {  	s2 =	sld [smem:$0x3F9C];
	s0 =	simm.s32 @p1 $0x1  }
0x15: {  	[smem:$0x3FB9] =	sst s0;
	s0 =	simm.s32 @!p2 $0x0  }
0x16: {  	s3 =	sld [smem:$0x3FDB];
	s0 =	simm.s32 @p2 $0x1  }
0x17: {  	s4 =	simm.s32 $0x1BF5;
	[smem:$0x3FBB] =	sst s0  }
0x18: {  	s0 =	sld [smem:$0x3F9E];
	_ =	swait.ge [sflag:s4], $0x0  }
0x19: {  	s7 =	sld [smem:$0x3F9F]  }
0x1a: {  	s8 =	sadd.s32 $0xFFFFE003, lr  }
0x1b: {  	s9 =	sadd.s32 $0xFFFFFEF7, lr;
	s5 =	simm.s32 $0xFFFFFFFF;
	p2 =	slt.u32 s8, $0xFFFFF086  }
0x1c: {  	p1 =	slt.u32 s9, $0xF7A;
	s5 =	simm.s32 @!p2 $0x0  }
0x1d: {  	s5 =	simm.s32 @p1 $0x1;
	p0 =	seq.s32 s7, s2  }
0x1e: {  	s7 =	smul.u32 @!p0 $0xF7A, s2;
	p2 =	seq.s32 @!p0 s5, $0x0  }
0x1f: {  	s9 =	smul.u32 $0xF7A, s1;
	s8 =	simm.s32 @!p0 $0x1BF5;
	p2 =	por !p2, p0  }
0x20: {  	[sflag:s8] =	ssyncset.s32 @!p0 $0xFFFFF086;
	s6 =	sadd.s32 @!p0 s3, s7;
	s7 =	simm.s32 @!p0 $0x108  }
0x21: {  	s3 =	sadd.s32 s3, s9;
	s6 =	sadd.s32 @!p0 $0x88, s6;
	s7 =	simm.s32 @p2 $0x1082  }
0x22: {  	[simem:s7], [sflag:s8] =	dma.local @!p0 [hbm:s6], $0xF7A  }
0x23: {  	s9 =	sor.u32 $0xD0000000, s2;
	s6 =	simm.s32 $0x108;
	_ =	swait.ge @!p0 [sflag:s8], $0x0  }
0x24: {  	s3 =	sadd.s32 $0x88, s3;
	s6 =	simm.s32 @!p1 $0x1082;
	[sflag:s4] =	ssyncset.s32 $0xFFFFF086  }
0x25: {  	[simem:s6], [sflag:s4] =	dma.local [hbm:s3], $0xF7A  }
0x26: {  	[smem:$0x3F9F] =	sst s1;
	(tag) =	ssettag s2;
	_ =	strace s9  }
0x27: {  	s1 =	sld [smem:$0x3FAF]  }
0x28: {  	s2 =	sld [smem:$0x3FB0]  }
0x29: {  	s4 =	sld [smem:$0x3FB2]  }
0x2a: {  	p0 =	seq.s32 s5, $0x0;
	s5 =	sld [smem:$0x3FB3]  }
0x2b: {  	s6 =	sld [smem:$0x3FB4]  }
0x2c: {  	s7 =	sld [smem:$0x3FB5]  }
0x2d: {  	s3 =	simm.s32 $0x108;
	s8 =	sld [smem:$0x3FB6]  }
0x2e: {  	s3 =	simm.s32 @!p0 $0x1082;
	s9 =	sld [smem:$0x3FB7]  }
0x2f: {  	lr =	sadd.s32 s0, s3;
	s0 =	sld [smem:$0x3FAE]  }
0x30: {  	s3 =	sld [smem:$0x3FB1]  }
0x31: {  	[smem:$0x3FBA] =	sst s10  }
0x32: {  	s10 =	sld [smem:$0x3FB8];
	_ =	sdelay $0x3  }
0x33: {  	p0 =	seq.s32 s10, $0x1;
	s10 =	sld [smem:$0x3FBA];
	_ =	sdelay $0x3  }
0x34: {  	[smem:$0x3FBA] =	sst s10  }
0x35: {  	s10 =	sld [smem:$0x3FB9];
	_ =	sdelay $0x3  }
0x36: {  	p1 =	seq.s32 s10, $0x1;
	s10 =	sld [smem:$0x3FBA];
	_ =	sdelay $0x3  }
0x37: {  	[smem:$0x3FBA] =	sst s10  }
0x38: {  	s10 =	sld [smem:$0x3FBB]  }
0x39: {  	_ = 	snop;
	(pc) =	sbr.ind lr, $3  }
0x3a: {  	_ = 	snop  }
0x3b: {  	_ = 	snop  }
0x3c: {  	p2 =	seq.s32 s10, $0x1;
	s10 =	sld [smem:$0x3FBA]  }
0x3d: {  	_ =	shalt  }
0x3e: {  	_ =	shalt  }
0x3f: {  	_ =	shalt  }
0x40: {  	_ =	shalt  }
0x41: {  	_ =	shalt  }
0x42: {  	_ =	shalt  }
0x43: {  	_ =	shalt  }
0x44: {  	_ =	shalt  }
0x45: {  	_ =	shalt  }
0x46: {  	_ =	shalt  }
0x47: {  	_ =	shalt  }
0x48: {  	_ =	shalt  }
0x49: {  	_ =	shalt  }
0x4a: {  	_ =	shalt  }
0x4b: {  	_ =	shalt  }
0x4c: {  	_ =	shalt  }
0x4d: {  	_ =	shalt  }
0x4e: {  	_ =	shalt  }
0x4f: {  	_ =	shalt  }
0x50: {  	_ =	shalt  }
0x51: {  	_ =	shalt  }
0x52: {  	_ =	shalt  }
0x53: {  	_ =	shalt  }
0x54: {  	_ =	shalt  }
0x55: {  	_ =	shalt  }
0x56: {  	_ =	shalt  }
0x57: {  	_ =	shalt  }
0x58: {  	_ =	shalt  }
0x59: {  	_ =	shalt  }
0x5a: {  	_ =	shalt  }
0x5b: {  	_ =	shalt  }
0x5c: {  	_ =	shalt  }
0x5d: {  	_ =	shalt  }
0x5e: {  	_ =	shalt  }
0x5f: {  	_ =	shalt  }
0x60: {  	_ =	shalt  }
0x61: {  	_ =	shalt  }
0x62: {  	_ =	shalt  }
0x63: {  	_ =	shalt  }
0x64: {  	_ =	shalt  }
0x65: {  	_ =	shalt  }
0x66: {  	_ =	shalt  }
0x67: {  	_ =	shalt  }
0x68: {  	_ =	shalt  }
0x69: {  	_ =	shalt  }
0x6a: {  	_ =	shalt  }
0x6b: {  	_ =	shalt  }
0x6c: {  	_ =	shalt  }
0x6d: {  	_ =	shalt  }
0x6e: {  	_ =	shalt  }
0x6f: {  	_ =	shalt  }
0x70: {  	_ =	shalt  }
0x71: {  	_ =	shalt  }
0x72: {  	_ =	shalt  }
0x73: {  	_ =	shalt  }
0x74: {  	_ =	shalt  }
0x75: {  	_ =	shalt  }
0x76: {  	_ =	shalt  }
0x77: {  	_ =	shalt  }
0x78: {  	_ =	shalt  }
0x79: {  	_ =	shalt  }
0x7a: {  	_ =	shalt  }
0x7b: {  	_ =	shalt  }
0x7c: {  	_ =	shalt  }
0x7d: {  	_ =	shalt  }
0x7e: {  	_ =	shalt  }
0x7f: {  	_ =	shalt  }
0x80: {  	_ =	shalt  }
0x81: {  	_ =	shalt  }
0x82: {  	_ =	shalt  }
0x83: {  	_ =	shalt  }
0x84: {  	_ =	shalt  }
0x85: {  	_ =	shalt  }
0x86: {  	_ =	shalt  }
0x87: {  	_ =	shalt  }
.Lfunc_end0:
.L_simem_size_0:
called_computation_lowered:
.L_overlay_start_0:
0x88: {  	s2 =	sld [smem:$0x3FD9]  }
0x89: {  	s3 =	sld [smem:$0x3FFE];
	_ =	sdelay $0x1  }
0x8a: {  	s1 =	srdreg.scid  }
0x8b: {  	s0 =	sand.u32 $0x1, s1  }
0x8c: {  	s17 =	sshll.u32 s0, $0xA;
	s2 =	sadd.s32 s3, s2  }
0x8d: {  	s2 =	sadd.s32 s2, s17  }
0x8e: {  	[smem:$0x3FC6] =	sst s2  }
0x8f: {  	_ = 	snop  }
0x90: {  	s2 =	sld [smem:$0x3FD0];
	(tm) =	ssettm $0x1  }
0x91: {  	s18 =	sld [smem:$0x3FFB];
	_ =	sdelay $0x3  }
0x92: {  	_ =	strace s18  }
0x93: {  	s3 =	sld [smem:$0x3FFC];
	_ =	sdelay $0x3  }
0x94: {  	_ =	strace s3  }
0x95: {  	s3 =	sld [smem:$0x3FFD];
	_ =	sdelay $0x3  }
0x96: {  	_ =	strace s3  }
0x97: {  	_ =	strace $0x8FFFFFFF  }
0x98: {  	s19 =	sld [smem:$0x3FDB];
	_ =	sdelay $0x1  }
0x99: {  	s4 =	simm.s32 $_scs_section_size  }
0x9a: {  	s5 =	simm.s32 $_size__tile_overlayer_lowered;
	s6 =	simm.s32 $_tile_overlayer_lowered  }
0x9b: {  	s22 =	simm.s32 $0x1BFF;
	s21 =	sshll.u32 s6, $0x1;
	s3 =	sadd.s32 s4, s19  }
0x9c: {  	s7 =	simm.s32 $0x0;
	s20 =	sshll.u32 s5, $0x1;
	s5 =	sadd.s32 s21, s3  }
0x9d: {  	[timem:s7], [sflag:s22] =	dma.local [hbm:s5], s20  }
0x9e: {  	_ =	swait.ge [sflag:s22], s20  }
0x9f: {  	s4 =	ssub.s32 $0x0, s20;
	[sflag:s22] =	ssyncset.done $0x0  }
0xa0: {  	[sflag:s22] =	ssyncadd.s32 s4;
	_ =	sdelay $0x1  }
0xa1: {  	s23 =	simm.s32 $0x1B8B  }
0xa2: {  	_ =	swait.ge [sflag:s23], $0x1  }
0xa3: {  	[sflag:s23] =	ssyncset.done $0x0  }
0xa4: {  	s25 =	simm.s32 $0x1B8E;
	s24 =	sld [smem:$0x3FFE];
	[sflag:s23] =	ssyncadd.s32 $0xFFFFFFFF  }
0xa5: {  	s26 =	simm.s32 $execute0_lowered;
	[smem:$0x3FD2] =	sst s25  }
0xa6: {  	s5 =	sshll.u32 s26, $0x1;
	_ =	strace $0x80000046;
	[dreg:$0x1] =	wrdreg $0xFFFFFFFF  }
0xa7: {  	s28 =	simm.s32 $_size_execute0_lowered;
	s3 =	sadd.s32 s3, s5;
	[dreg:$0x0] =	wrdreg $0x0  }
0xa8: {  	s5 =	sshll.u32 s28, $0x1;
	[dreg:$0x2] =	wrdreg s3  }
0xa9: {  	[dreg:$0x3] =	wrdreg s5  }
0xaa: {  	[dreg:$0x4] =	wrdreg $0xC0  }
0xab: {  	_ =	task [dreg:s7], $0x5FFFF  }
0xac: {  	[dreg:$0x1] =	wrdreg $0xFFFFFFFF  }
0xad: {  	[dreg:$0x0] =	wrdreg $0x60  }
0xae: {  	[dreg:$0x2] =	wrdreg s24  }
0xaf: {  	[dreg:$0x3] =	wrdreg s2  }
0xb0: {  	[dreg:$0x4] =	wrdreg $0x9  }
0xb1: {  	_ =	task.clear_ibuf [dreg:s7], $0x5FFFF;
	_ =	strace $0x90000046  }
0xb2: {  	s29 =	simm.s32 $0x9;
	_ =	strace $0x80000048  }
0xb3: {  	_ =	swait.ge [sflag:s29], $0x1  }
0xb4: {  	[sflag:s29] =	ssyncadd.s32 $0xFFFFFFFF  }
0xb5: {  	_ =	strace $0x90000048  }
0xb6: {  	_ =	sfence  }
0xb7: {  	s30 =	sld [smem:$0x0];
	_ =	sdelay $0x2  }
0xb8: {  	s31 =	sshll.u32 s1, $0xD;
	s1 =	sshrl.u32 s1, $0x2  }
0xb9: {  	s3 =	sand.u32 $0x4000, s31;
	s1 =	sadd.s32 s1, s30  }
0xba: {  	s0 =	sor.u32 s3, s0;
	s1 =	sshll.u32 s1, $0x11  }
0xbb: {  	s0 =	sor.u32 s1, s0  }
0xbc: {  	s0 =	sadd.s32 $0x8F2B, s0  }
0xbd: {  	[sflag:s0] =	ssyncadd.remote.s32 $0x1  }
0xbe: {  	_ =	sfence.sel $0xFFFF  }
0xbf: {  	[dreg:$0x0] =	wrdreg $0xFFFFFFFF;
	(pc) =	sbr.abs _section_cstart, $3  }
0xc0: {  	[dreg:$0x1] =	wrdreg $0xFFFFFFFF  }
0xc1: {  	_ =	task.clear_ibuf [dreg:s7], $0x2FFFF;
	_ =	strace $0x9FFFFFFF  }
0xc2: {  	(tm) =	ssettm $0x7FFFFFFF  }
0xc3: {  	_ =	shalt  }
tec
execute0_lowered:
.L_overlay_start_1:
0x0: {  	(tag) =	ssettag $0x1  }
0x1: {  	s4 =	rddreg [dreg:$0x0];
	s1 =	srdreg.scid  }
0x2: {  	s0 =	stileid.u32;
	s2 =	rddreg [dreg:$0x1];
	s3 =	simm.s32 $0x0  }
0x3: {  	s10 =	simm.s32 $0x80;
	s11 =	simm.s32 $0x400;
	s12 =	simm.s32 $0x6000  }
0x4: {  	s13 =	simm.s32 $0x0;
	s5 =	sand.u32 $0x1, s1;
	s1 =	rddreg [dreg:$0x2]  }
0x5: {  	s6 =	sshll.u32 s0, $0x1;
	[smem:$0x7FF] =	sst s3;
	s8 =	sshll.u32 s0, $0x8  }
0x6: {  	s6 =	sor.u32 s5, s6;
	_ =	strace $0x80000047;
	s8 =	sand.u32 $0xC00, s8  }
0x7: {  	s5 =	ssub.s32 $0x2, s5;
	s7 =	sshll.u32 s6, $0xD;
	s6 =	sshll.u32 s6, $0x4  }
0x8: {  	s8 =	sadd.s32 s8, s4;
	s30 =	sshrl.u32 s5, $0x1;
	s7 =	sadd.s32 s7, s4  }
0x9: {  	s6 =	sand.u32 $0x70, s6;
	s9 =	ssub.s32 s5, s30;
	s4 =	sadd.s32 $0x500000, s7  }
0xa: {  	v1 =	vlaneseq.u32;
	s31 =	sadd.s32 s6, s8;
	s6 =	smax.u32 s9, $0x1;
	s7 =	simm.s32 $0x6400  }
0xb: {  	v0 =	vimm.f32 $0.0e+00;
	v2 =	vimm.f32 $1.000000000e+00;
	v1 =	vmul.u32 $0x400, v1;
	s8 =	simm.s32 $0x1;
	s9 =	simm.s32 $0x2000;
	s5 =	sadd.s32 $0x600, s31  }
.LBB2_1:
0xc: {  	[tilespmem:s7], [sflag:$0x1] =	stream.linear.gather [hbm4b:s2+s3], $0x80, $0x38;
	[tilespmem:$0x6480] =	vst v63  }
0xd: {  	_ =	swait.ge [sflag:s8], $0x80  }
0xe: {  	[sflag:s8] =	ssyncset.done $0x0  }
0xf: {  	s14 =	simm.s32 $0x40;
	s15 =	simm.s32 $0x0;
	[sflag:s8] =	ssyncadd.s32 $0xFFFFFF80  }
.LBB2_2:
0x10: {  	p0 =	sne.s32 s14, $0xFFC0;
	[tilespmem:s15+$0x2000] =	vst v0;
	s15 =	smov.u32 s14;
	s14 =	sadd.s32 $0x40, s14  }
.Ltmp0:
0x11: {  	(pc) =	sbr.rel @p0 .LBB2_2-.Ltmp0, $2  }
0x12: {  	_ =	sdelay $0x2  }
0x13: {  	s15 =	sshra.s32 s15, $0x2  }
0x14: {  	[tilespmem:s15+$0x2000] =	vst v0;
	s14 =	simm.s32 $0x0;
	s15 =	simm.s32 $0x0  }
.LBB2_4:
0x15: {  	s16 =	sshll.u32 s15, $0xA  }
0x16: {  	s16 =	sadd.s32 s16, s4  }
0x17: {  	[tilespmem:s14], [sflag:$0x1] =	stream.linear.gather [hbm4b:s16+s14], $0x2000, $0x38;
	[tilespmem:$0x6480] =	vst v63  }
0x18: {  	_ =	swait.ge [sflag:s8], $0x2000  }
0x19: {  	[sflag:s8] =	ssyncset.done $0x0  }
0x1a: {  	s17 =	simm.s32 $0x0;
	s16 =	simm.s32 $0x40;
	[sflag:s8] =	ssyncadd.s32 $0xFFFFE000  }
.LBB2_5:
0x1b: {  	p0 =	sne.s32 s16, $0x7FC0;
	v3 =	vld [tilespmem:s17+$0x0];
	_ =	sdelay $0x4  }
0x1c: {  	v3 =	vshrl.u32 v3, $0x14  }
0x1d: {  	v3 =	vand.u32 $0x3FF, v3  }
0x1e: {  	v3 =	vor.u32 v1, v3  }
.Ltmp1:
0x1f: {  	(pc) =	sbr.rel @p0 .LBB2_5-.Ltmp1, $2  }
0x20: {  	_ =	sdelay $0x2  }
0x21: {  	s17 =	sshra.s32 s16, $0x2;
	s16 =	sadd.s32 $0x40, s16;
	[tilespmem:v3+s9+$0x0] =	vst.idx.add.f32.msk $0xffff, v2  }
0x22: {  	v3 =	vld [tilespmem:s17+$0x0];
	_ =	sdelay $0x4  }
0x23: {  	v3 =	vshrl.u32 v3, $0x14  }
0x24: {  	s15 =	sadd.s32 $0x1, s15;
	v3 =	vand.u32 $0x3FF, v3  }
0x25: {  	p0 =	sne.s32 s15, $0x8;
	v3 =	vor.u32 v1, v3  }
.Ltmp2:
0x26: {  	_ = 	snop;
	(pc) =	sbr.rel @p0 .LBB2_4-.Ltmp2, $2  }
0x27: {  	_ =	sdelay $0x2  }
0x28: {  	[tilespmem:v3+s9+$0x0] =	vst.idx.add.f32.msk $0xffff, v2  }
0x29: {  	s14 =	simm.s32 $0x2000  }
0x2a: {  	s15 =	simm.s32 $0x0;
	v3 =	vld [tilespmem:s14+$0x0]  }
0x2b: {  	s31 =	sand.u32 $0x3F0, s15  }
0x2c: {  	v4 =	vld [tilespmem:s31+$0x2400];
	_ =	sdelay $0x1  }
0x2d: {  	v5 =	vld [tilespmem:s31+$0x2800]  }
0x2e: {  	v3 =	vadd.f32 $0.0e+00, v3  }
0x2f: {  	v6 =	vld [tilespmem:s31+$0x2C00]  }
0x30: {  	v3 =	vadd.f32 v4, v3  }
0x31: {  	v4 =	vld [tilespmem:s31+$0x3000]  }
0x32: {  	v3 =	vadd.f32 v5, v3  }
0x33: {  	v5 =	vld [tilespmem:s31+$0x3400]  }
0x34: {  	v3 =	vadd.f32 v6, v3  }
0x35: {  	v60 =	vld [tilespmem:s31+$0x3800]  }
0x36: {  	v3 =	vadd.f32 v4, v3  }
0x37: {  	v4 =	vld [tilespmem:s31+$0x3C00]  }
0x38: {  	v3 =	vadd.f32 v5, v3  }
0x39: {  	v5 =	vld [tilespmem:s31+$0x4000]  }
0x3a: {  	v3 =	vadd.f32 v60, v3  }
0x3b: {  	v61 =	vld [tilespmem:s31+$0x4400]  }
0x3c: {  	v3 =	vadd.f32 v4, v3  }
0x3d: {  	v4 =	vld [tilespmem:s31+$0x4800]  }
0x3e: {  	v3 =	vadd.f32 v5, v3  }
0x3f: {  	v5 =	vld [tilespmem:s31+$0x4C00]  }
0x40: {  	v3 =	vadd.f32 v61, v3  }
0x41: {  	v62 =	vld [tilespmem:s31+$0x5000]  }
0x42: {  	v3 =	vadd.f32 v4, v3  }
0x43: {  	v4 =	vld [tilespmem:s31+$0x5400]  }
0x44: {  	v3 =	vadd.f32 v5, v3  }
0x45: {  	v5 =	vld [tilespmem:s31+$0x5800]  }
0x46: {  	v3 =	vadd.f32 v62, v3  }
0x47: {  	v63 =	vld [tilespmem:s31+$0x5C00]  }
0x48: {  	v3 =	vadd.f32 v4, v3;
	_ =	sdelay $0x1  }
0x49: {  	v3 =	vadd.f32 v5, v3;
	_ =	sdelay $0x1  }
0x4a: {  	v3 =	vadd.f32 v63, v3  }
0x4b: {  	s14 =	simm.s32 $0x6000  }
0x4c: {  	s15 =	simm.s32 $0x2010;
	[tilespmem:s14+$0x0] =	vst v3  }
0x4d: {  	s16 =	simm.s32 $0x10;
	s17 =	simm.s32 $0x20;
	v3 =	vld [tilespmem:s15+$0x0]  }
.LBB2_8:
0x4e: {  	p0 =	sne.s32 s17, $0x3F0;
	s18 =	sand.u32 $0x3F0, s16;
	s16 =	smov.u32 s17  }
0x4f: {  	v4 =	vld [tilespmem:s18+$0x2400];
	_ =	sdelay $0x1  }
0x50: {  	v5 =	vld [tilespmem:s18+$0x2800]  }
0x51: {  	v3 =	vadd.f32 $0.0e+00, v3  }
0x52: {  	v6 =	vld [tilespmem:s18+$0x2C00]  }
0x53: {  	v3 =	vadd.f32 v4, v3  }
0x54: {  	v4 =	vld [tilespmem:s18+$0x3000]  }
0x55: {  	v3 =	vadd.f32 v5, v3  }
0x56: {  	v5 =	vld [tilespmem:s18+$0x3400]  }
0x57: {  	v3 =	vadd.f32 v6, v3  }
0x58: {  	v6 =	vld [tilespmem:s18+$0x3800]  }
0x59: {  	v3 =	vadd.f32 v4, v3  }
0x5a: {  	v4 =	vld [tilespmem:s18+$0x3C00]  }
0x5b: {  	v3 =	vadd.f32 v5, v3  }
0x5c: {  	v5 =	vld [tilespmem:s18+$0x4000]  }
0x5d: {  	v3 =	vadd.f32 v6, v3  }
0x5e: {  	v6 =	vld [tilespmem:s18+$0x4400]  }
0x5f: {  	v3 =	vadd.f32 v4, v3  }
0x60: {  	v4 =	vld [tilespmem:s18+$0x4800]  }
0x61: {  	v3 =	vadd.f32 v5, v3  }
0x62: {  	v5 =	vld [tilespmem:s18+$0x4C00]  }
0x63: {  	v3 =	vadd.f32 v6, v3  }
0x64: {  	v6 =	vld [tilespmem:s18+$0x5000]  }
0x65: {  	v3 =	vadd.f32 v4, v3  }
0x66: {  	v4 =	vld [tilespmem:s18+$0x5400]  }
0x67: {  	v3 =	vadd.f32 v5, v3  }
0x68: {  	v5 =	vld [tilespmem:s18+$0x5800]  }
0x69: {  	v3 =	vadd.f32 v6, v3  }
0x6a: {  	v6 =	vld [tilespmem:s18+$0x5C00]  }
0x6b: {  	v3 =	vadd.f32 v4, v3;
	_ =	sdelay $0x1  }
0x6c: {  	v3 =	vadd.f32 v5, v3  }
.Ltmp3:
0x6d: {  	(pc) =	sbr.rel @p0 .LBB2_8-.Ltmp3, $4  }
0x6e: {  	v3 =	vadd.f32 v6, v3  }
0x6f: {  	s14 =	sadd.s32 $0x10, s14  }
0x70: {  	s15 =	sadd.s32 $0x10, s15;
	[tilespmem:s14+$0x0] =	vst v3  }
0x71: {  	s17 =	sadd.s32 $0x10, s17;
	v3 =	vld [tilespmem:s15+$0x0]  }
0x72: {  	s15 =	sand.u32 $0x3F0, s16  }
0x73: {  	v4 =	vld [tilespmem:s15+$0x2400];
	_ =	sdelay $0x1  }
0x74: {  	v5 =	vld [tilespmem:s15+$0x2800]  }
0x75: {  	v3 =	vadd.f32 $0.0e+00, v3  }
0x76: {  	v6 =	vld [tilespmem:s15+$0x2C00]  }
0x77: {  	v3 =	vadd.f32 v4, v3  }
0x78: {  	v52 =	vld [tilespmem:s15+$0x3000]  }
0x79: {  	v3 =	vadd.f32 v5, v3  }
0x7a: {  	v53 =	vld [tilespmem:s15+$0x3400]  }
0x7b: {  	v3 =	vadd.f32 v6, v3  }
0x7c: {  	v54 =	vld [tilespmem:s15+$0x3800]  }
0x7d: {  	v3 =	vadd.f32 v52, v3  }
0x7e: {  	v55 =	vld [tilespmem:s15+$0x3C00]  }
0x7f: {  	v3 =	vadd.f32 v53, v3  }
0x80: {  	v56 =	vld [tilespmem:s15+$0x4000]  }
0x81: {  	v3 =	vadd.f32 v54, v3  }
0x82: {  	v57 =	vld [tilespmem:s15+$0x4400]  }
0x83: {  	v3 =	vadd.f32 v55, v3  }
0x84: {  	v58 =	vld [tilespmem:s15+$0x4800]  }
0x85: {  	v3 =	vadd.f32 v56, v3  }
0x86: {  	v59 =	vld [tilespmem:s15+$0x4C00]  }
0x87: {  	v3 =	vadd.f32 v57, v3  }
0x88: {  	v60 =	vld [tilespmem:s15+$0x5000]  }
0x89: {  	v3 =	vadd.f32 v58, v3  }
0x8a: {  	v61 =	vld [tilespmem:s15+$0x5400]  }
0x8b: {  	v3 =	vadd.f32 v59, v3  }
0x8c: {  	v62 =	vld [tilespmem:s15+$0x5800]  }
0x8d: {  	v3 =	vadd.f32 v60, v3  }
0x8e: {  	v63 =	vld [tilespmem:s15+$0x5C00]  }
0x8f: {  	v3 =	vadd.f32 v61, v3;
	_ =	sdelay $0x1  }
0x90: {  	v3 =	vadd.f32 v62, v3;
	_ =	sdelay $0x1  }
0x91: {  	s13 =	sadd.s32 $0x1, s13;
	v3 =	vadd.f32 v63, v3  }
0x92: {  	s14 =	sadd.s32 $0x10, s14;
	p0 =	sne.s32 s13, s6  }
.Ltmp4:
0x93: {  	[tilespmem:s14+$0x0] =	vst v3;
	(pc) =	sbr.rel @p0 .LBB2_1-.Ltmp4, $4  }
0x94: {  	[hbm4b:s5+s10] =	stream.strided.scatter [tilespmem:s12], [sflag:$0x1], $0x400, s11, s10, $0x38;
	[tilespmem:$0x6480] =	vst v63  }
0x95: {  	_ =	swait.ge [sflag:s8], $0x400  }
0x96: {  	[sflag:s8] =	ssyncset.done $0x0  }
0x97: {  	[sflag:s8] =	ssyncadd.s32 $0xFFFFFC00  }
0x98: {  	_ =	sfence.sel $0x180000  }
0x99: {  	[bflag:$0x0] =	sbarrier.arrive $0xFFFF  }
0x9a: {  	p0 =	sne.s32 s0, $0x0;
	_ =	strace $0x90000047  }
0x9b: {  	s0 =	sadd.s32 @!p0 $0x100000, s1;
	[bflag:$0x2] =	sbarrier.arrive $0xFFFF  }
0x9c: {  	[sflag:s0] =	ssyncadd.tile.s32 @!p0 $0x1;
	_ =	shalt  }
.Lfunc_end2:
_tile_overlayer_lowered:
.L_overlay_start_2:
0x9d: {  	(tag) =	ssettag $0x2  }
0x9e: {  	s0 =	rddreg [dreg:$0x0];
	s2 =	stileid.u32  }
0x9f: {  	s1 =	rddreg [dreg:$0x1];
	p0 =	sne.s32 s2, $0x0  }
0xa0: {  	s3 =	rddreg [dreg:$0x2];
	[bflag:$0x3] =	sbarrier.arrive $0xFFFF;
	s2 =	simm.s32 @!p0 $0x1C01  }
0xa1: {  	[timem:s3], [sflag:s2] =	dma.local @!p0 [hbm:s0], s1  }
0xa2: {  	s0 =	simm.s32 @!p0 $0x1  }
0xa3: {  	_ =	swait.ge @!p0 [sflag:s0], s1  }
0xa4: {  	s1 =	ssub.s32 @!p0 $0x0, s1;
	[sflag:s0] =	ssyncset.done @!p0 $0x0  }
0xa5: {  	[sflag:s0] =	ssyncadd.s32 @!p0 s1  }
0xa6: {  	[bflag:$0x3] =	sbarrier.arrive $0xFFFF  }
0xa7: {  	_ =	shalt  }

// kernel: branch_0_fun.9.cloned.1.call-start
scs
__scs_entry_jumppad:
0x0: {  	(pc) =	sbr.rel $0x88, $3  }
0x1: {  	(tag) =	ssettag $0x0;
	lr =	simm.s32 $0x1  }
0x2: {  	[smem:$0x3F9F] =	sst lr;
	_ =	strace $0xD0000000  }
0x3: {  	_ = 	snop  }
0x4: {  	_ = 	snop  }
0x5: {  	_ = 	snop  }
0x6: {  	_ = 	snop  }
0x7: {  	_ = 	snop  }
__scs_overlays_trampoline_lowered:
0x8: {  	[smem:$0x3FAE] =	sst s0  }
0x9: {  	[smem:$0x3FAF] =	sst s1  }
0xa: {  	[smem:$0x3FB0] =	sst s2  }
0xb: {  	[smem:$0x3FB1] =	sst s3  }
0xc: {  	[smem:$0x3FB2] =	sst s4  }
0xd: {  	[smem:$0x3FB3] =	sst s5  }
0xe: {  	[smem:$0x3FB4] =	sst s6  }
0xf: {  	[smem:$0x3FB5] =	sst s7  }
0x10: {  	[smem:$0x3FB6] =	sst s8  }
0x11: {  	[smem:$0x3FB7] =	sst s9;
	s0 =	simm.s32 @!p0 $0x0  }
0x12: {  	s1 =	sld [smem:$0x3F9D];
	s0 =	simm.s32 @p0 $0x1  }
0x13: {  	[smem:$0x3FB8] =	sst s0;
	s0 =	simm.s32 @!p1 $0x0  }
0x14: {  	s2 =	sld [smem:$0x3F9C];
	s0 =	simm.s32 @p1 $0x1  }
0x15: {  	[smem:$0x3FB9] =	sst s0;
	s0 =	simm.s32 @!p2 $0x0  }
0x16: {  	s3 =	sld [smem:$0x3FDB];
	s0 =	simm.s32 @p2 $0x1  }
0x17: {  	s4 =	simm.s32 $0x1BF5;
	[smem:$0x3FBB] =	sst s0  }
0x18: {  	s0 =	sld [smem:$0x3F9E];
	_ =	swait.ge [sflag:s4], $0x0  }
0x19: {  	s7 =	sld [smem:$0x3F9F]  }
0x1a: {  	s8 =	sadd.s32 $0xFFFFE003, lr  }
0x1b: {  	s9 =	sadd.s32 $0xFFFFFEF7, lr;
	s5 =	simm.s32 $0xFFFFFFFF;
	p2 =	slt.u32 s8, $0xFFFFF086  }
0x1c: {  	p1 =	slt.u32 s9, $0xF7A;
	s5 =	simm.s32 @!p2 $0x0  }
0x1d: {  	s5 =	simm.s32 @p1 $0x1;
	p0 =	seq.s32 s7, s2  }
0x1e: {  	s7 =	smul.u32 @!p0 $0xF7A, s2;
	p2 =	seq.s32 @!p0 s5, $0x0  }
0x1f: {  	s9 =	smul.u32 $0xF7A, s1;
	s8 =	simm.s32 @!p0 $0x1BF5;
	p2 =	por !p2, p0  }
0x20: {  	[sflag:s8] =	ssyncset.s32 @!p0 $0xFFFFF086;
	s6 =	sadd.s32 @!p0 s3, s7;
	s7 =	simm.s32 @!p0 $0x108  }
0x21: {  	s3 =	sadd.s32 s3, s9;
	s6 =	sadd.s32 @!p0 $0x88, s6;
	s7 =	simm.s32 @p2 $0x1082  }
0x22: {  	[simem:s7], [sflag:s8] =	dma.local @!p0 [hbm:s6], $0xF7A  }
0x23: {  	s9 =	sor.u32 $0xD0000000, s2;
	s6 =	simm.s32 $0x108;
	_ =	swait.ge @!p0 [sflag:s8], $0x0  }
0x24: {  	s3 =	sadd.s32 $0x88, s3;
	s6 =	simm.s32 @!p1 $0x1082;
	[sflag:s4] =	ssyncset.s32 $0xFFFFF086  }
0x25: {  	[simem:s6], [sflag:s4] =	dma.local [hbm:s3], $0xF7A  }
0x26: {  	[smem:$0x3F9F] =	sst s1;
	(tag) =	ssettag s2;
	_ =	strace s9  }
0x27: {  	s1 =	sld [smem:$0x3FAF]  }
0x28: {  	s2 =	sld [smem:$0x3FB0]  }
0x29: {  	s4 =	sld [smem:$0x3FB2]  }
0x2a: {  	p0 =	seq.s32 s5, $0x0;
	s5 =	sld [smem:$0x3FB3]  }
0x2b: {  	s6 =	sld [smem:$0x3FB4]  }
0x2c: {  	s7 =	sld [smem:$0x3FB5]  }
0x2d: {  	s3 =	simm.s32 $0x108;
	s8 =	sld [smem:$0x3FB6]  }
0x2e: {  	s3 =	simm.s32 @!p0 $0x1082;
	s9 =	sld [smem:$0x3FB7]  }
0x2f: {  	lr =	sadd.s32 s0, s3;
	s0 =	sld [smem:$0x3FAE]  }
0x30: {  	s3 =	sld [smem:$0x3FB1]  }
0x31: {  	[smem:$0x3FBA] =	sst s10  }
0x32: {  	s10 =	sld [smem:$0x3FB8];
	_ =	sdelay $0x3  }
0x33: {  	p0 =	seq.s32 s10, $0x1;
	s10 =	sld [smem:$0x3FBA];
	_ =	sdelay $0x3  }
0x34: {  	[smem:$0x3FBA] =	sst s10  }
0x35: {  	s10 =	sld [smem:$0x3FB9];
	_ =	sdelay $0x3  }
0x36: {  	p1 =	seq.s32 s10, $0x1;
	s10 =	sld [smem:$0x3FBA];
	_ =	sdelay $0x3  }
0x37: {  	[smem:$0x3FBA] =	sst s10  }
0x38: {  	s10 =	sld [smem:$0x3FBB]  }
0x39: {  	_ = 	snop;
	(pc) =	sbr.ind lr, $3  }
0x3a: {  	_ = 	snop  }
0x3b: {  	_ = 	snop  }
0x3c: {  	p2 =	seq.s32 s10, $0x1;
	s10 =	sld [smem:$0x3FBA]  }
0x3d: {  	_ =	shalt  }
0x3e: {  	_ =	shalt  }
0x3f: {  	_ =	shalt  }
0x40: {  	_ =	shalt  }
0x41: {  	_ =	shalt  }
0x42: {  	_ =	shalt  }
0x43: {  	_ =	shalt  }
0x44: {  	_ =	shalt  }
0x45: {  	_ =	shalt  }
0x46: {  	_ =	shalt  }
0x47: {  	_ =	shalt  }
0x48: {  	_ =	shalt  }
0x49: {  	_ =	shalt  }
0x4a: {  	_ =	shalt  }
0x4b: {  	_ =	shalt  }
0x4c: {  	_ =	shalt  }
0x4d: {  	_ =	shalt  }
0x4e: {  	_ =	shalt  }
0x4f: {  	_ =	shalt  }
0x50: {  	_ =	shalt  }
0x51: {  	_ =	shalt  }
0x52: {  	_ =	shalt  }
0x53: {  	_ =	shalt  }
0x54: {  	_ =	shalt  }
0x55: {  	_ =	shalt  }
0x56: {  	_ =	shalt  }
0x57: {  	_ =	shalt  }
0x58: {  	_ =	shalt  }
0x59: {  	_ =	shalt  }
0x5a: {  	_ =	shalt  }
0x5b: {  	_ =	shalt  }
0x5c: {  	_ =	shalt  }
0x5d: {  	_ =	shalt  }
0x5e: {  	_ =	shalt  }
0x5f: {  	_ =	shalt  }
0x60: {  	_ =	shalt  }
0x61: {  	_ =	shalt  }
0x62: {  	_ =	shalt  }
0x63: {  	_ =	shalt  }
0x64: {  	_ =	shalt  }
0x65: {  	_ =	shalt  }
0x66: {  	_ =	shalt  }
0x67: {  	_ =	shalt  }
0x68: {  	_ =	shalt  }
0x69: {  	_ =	shalt  }
0x6a: {  	_ =	shalt  }
0x6b: {  	_ =	shalt  }
0x6c: {  	_ =	shalt  }
0x6d: {  	_ =	shalt  }
0x6e: {  	_ =	shalt  }
0x6f: {  	_ =	shalt  }
0x70: {  	_ =	shalt  }
0x71: {  	_ =	shalt  }
0x72: {  	_ =	shalt  }
0x73: {  	_ =	shalt  }
0x74: {  	_ =	shalt  }
0x75: {  	_ =	shalt  }
0x76: {  	_ =	shalt  }
0x77: {  	_ =	shalt  }
0x78: {  	_ =	shalt  }
0x79: {  	_ =	shalt  }
0x7a: {  	_ =	shalt  }
0x7b: {  	_ =	shalt  }
0x7c: {  	_ =	shalt  }
0x7d: {  	_ =	shalt  }
0x7e: {  	_ =	shalt  }
0x7f: {  	_ =	shalt  }
0x80: {  	_ =	shalt  }
0x81: {  	_ =	shalt  }
0x82: {  	_ =	shalt  }
0x83: {  	_ =	shalt  }
0x84: {  	_ =	shalt  }
0x85: {  	_ =	shalt  }
0x86: {  	_ =	shalt  }
0x87: {  	_ =	shalt  }
.Lfunc_end0:
.L_simem_size_0:
called_computation.1_lowered:
.L_overlay_start_0:
0x88: {  	s2 =	sld [smem:$0x3FD9]  }
0x89: {  	s3 =	sld [smem:$0x3FFE];
	_ =	sdelay $0x1  }
0x8a: {  	s1 =	srdreg.scid  }
0x8b: {  	s0 =	sand.u32 $0x1, s1  }
0x8c: {  	s16 =	sshll.u32 s0, $0xA;
	s2 =	sadd.s32 s3, s2  }
0x8d: {  	s2 =	sadd.s32 s2, s16  }
0x8e: {  	[smem:$0x3FC6] =	sst s2  }
0x8f: {  	_ = 	snop  }
0x90: {  	(tm) =	ssettm $0x1  }
0x91: {  	s17 =	sld [smem:$0x3FFB];
	_ =	sdelay $0x3  }
0x92: {  	_ =	strace s17  }
0x93: {  	s2 =	sld [smem:$0x3FFC];
	_ =	sdelay $0x3  }
0x94: {  	_ =	strace s2  }
0x95: {  	s2 =	sld [smem:$0x3FFD];
	_ =	sdelay $0x3  }
0x96: {  	_ =	strace s2  }
0x97: {  	_ =	strace $0x8FFFFFFF  }
0x98: {  	s18 =	sld [smem:$0x3FDB];
	_ =	sdelay $0x1  }
0x99: {  	s19 =	simm.s32 $_scs_section_size  }
0x9a: {  	s4 =	simm.s32 $_size__tile_overlayer_lowered;
	s5 =	simm.s32 $_tile_overlayer_lowered  }
0x9b: {  	s22 =	simm.s32 $0x1BFF;
	s21 =	sshll.u32 s5, $0x1;
	s2 =	sadd.s32 s19, s18  }
0x9c: {  	s6 =	simm.s32 $0x0;
	s20 =	sshll.u32 s4, $0x1;
	s4 =	sadd.s32 s21, s2  }
0x9d: {  	[timem:s6], [sflag:s22] =	dma.local [hbm:s4], s20  }
0x9e: {  	_ =	swait.ge [sflag:s22], s20  }
0x9f: {  	s3 =	ssub.s32 $0x0, s20;
	[sflag:s22] =	ssyncset.done $0x0  }
0xa0: {  	[sflag:s22] =	ssyncadd.s32 s3;
	_ =	sdelay $0x1  }
0xa1: {  	s23 =	simm.s32 $0x1B8B  }
0xa2: {  	_ =	swait.ge [sflag:s23], $0x1  }
0xa3: {  	[sflag:s23] =	ssyncset.done $0x0  }
0xa4: {  	s25 =	simm.s32 $0x1B8E;
	s24 =	sld [smem:$0x3FFE];
	[sflag:s23] =	ssyncadd.s32 $0xFFFFFFFF  }
0xa5: {  	s26 =	simm.s32 $execute0_lowered;
	[smem:$0x3FD2] =	sst s25  }
0xa6: {  	s4 =	sshll.u32 s26, $0x1;
	_ =	strace $0x80000049;
	[dreg:$0x1] =	wrdreg $0xFFFFFFFF  }
0xa7: {  	s28 =	simm.s32 $_size_execute0_lowered;
	s2 =	sadd.s32 s2, s4;
	[dreg:$0x0] =	wrdreg $0x0  }
0xa8: {  	s4 =	sshll.u32 s28, $0x1;
	[dreg:$0x2] =	wrdreg s2  }
0xa9: {  	[dreg:$0x3] =	wrdreg s4  }
0xaa: {  	[dreg:$0x4] =	wrdreg $0xC0  }
0xab: {  	_ =	task [dreg:s6], $0x5FFFF  }
0xac: {  	[dreg:$0x1] =	wrdreg $0xFFFFFFFF  }
0xad: {  	[dreg:$0x0] =	wrdreg $0x60  }
0xae: {  	[dreg:$0x2] =	wrdreg s24  }
0xaf: {  	[dreg:$0x3] =	wrdreg $0x9  }
0xb0: {  	_ =	task.clear_ibuf [dreg:s6], $0x4FFFF;
	_ =	strace $0x90000049  }
0xb1: {  	s29 =	simm.s32 $0x9;
	_ =	strace $0x8000004B  }
0xb2: {  	_ =	swait.ge [sflag:s29], $0x1  }
0xb3: {  	[sflag:s29] =	ssyncadd.s32 $0xFFFFFFFF  }
0xb4: {  	_ =	strace $0x9000004B  }
0xb5: {  	_ =	sfence  }
0xb6: {  	s30 =	sld [smem:$0x0];
	_ =	sdelay $0x2  }
0xb7: {  	s31 =	sshll.u32 s1, $0xD;
	s1 =	sshrl.u32 s1, $0x2  }
0xb8: {  	s3 =	sand.u32 $0x4000, s31;
	s1 =	sadd.s32 s1, s30  }
0xb9: {  	s0 =	sor.u32 s3, s0;
	s1 =	sshll.u32 s1, $0x11  }
0xba: {  	s0 =	sor.u32 s1, s0  }
0xbb: {  	s0 =	sadd.s32 $0x8F2B, s0  }
0xbc: {  	[sflag:s0] =	ssyncadd.remote.s32 $0x1  }
0xbd: {  	_ =	sfence.sel $0xFFFF  }
0xbe: {  	[dreg:$0x0] =	wrdreg $0xFFFFFFFF;
	(pc) =	sbr.abs _section_cstart, $3  }
0xbf: {  	[dreg:$0x1] =	wrdreg $0xFFFFFFFF  }
0xc0: {  	_ =	task.clear_ibuf [dreg:s6], $0x2FFFF;
	_ =	strace $0x9FFFFFFF  }
0xc1: {  	(tm) =	ssettm $0x7FFFFFFF  }
tec
execute0_lowered:
.L_overlay_start_1:
0x0: {  	(tag) =	ssettag $0x1  }
0x1: {  	s4 =	rddreg [dreg:$0x0]  }
0x2: {  	s0 =	rddreg [dreg:$0x1]  }
0x3: {  	s3 =	srdreg.scid;
	s1 =	stileid.u32;
	s2 =	simm.s32 $0x0  }
0x4: {  	s10 =	simm.s32 $0x80;
	s11 =	simm.s32 $0x400;
	s12 =	simm.s32 $0x6000  }
0x5: {  	s13 =	simm.s32 $0x0;
	s5 =	sand.u32 $0x1, s3;
	s29 =	sshll.u32 s1, $0x1  }
0x6: {  	[smem:$0x7FF] =	sst s2;
	s8 =	sshll.u32 s1, $0x8;
	s6 =	sor.u32 s5, s29  }
0x7: {  	_ =	strace $0x8000004A;
	s8 =	sand.u32 $0xC00, s8;
	s5 =	ssub.s32 $0x2, s5  }
0x8: {  	s3 =	sshll.u32 s6, $0xD;
	s6 =	sshll.u32 s6, $0x4;
	s8 =	sadd.s32 s8, s4  }
0x9: {  	s30 =	sshrl.u32 s5, $0x1;
	s7 =	sadd.s32 s3, s4;
	s3 =	sadd.s32 $0x800, s4  }
0xa: {  	s6 =	sand.u32 $0x70, s6;
	s9 =	ssub.s32 s5, s30;
	s4 =	sadd.s32 $0x500000, s7  }
0xb: {  	v1 =	vlaneseq.u32;
	s31 =	sadd.s32 s6, s8;
	s6 =	smax.u32 s9, $0x1;
	s7 =	simm.s32 $0x6400  }
0xc: {  	v0 =	vimm.f32 $0.0e+00;
	v2 =	vimm.f32 $1.000000000e+00;
	v1 =	vmul.u32 $0x400, v1;
	s8 =	simm.s32 $0x1;
	s9 =	simm.s32 $0x2000;
	s5 =	sadd.s32 $0xA00, s31  }
.LBB2_1:
0xd: {  	[tilespmem:s7], [sflag:$0x1] =	stream.linear.gather [hbm4b:s3+s2], $0x80, $0x38;
	[tilespmem:$0x6480] =	vst v63  }
0xe: {  	_ =	swait.ge [sflag:s8], $0x80  }
0xf: {  	[sflag:s8] =	ssyncset.done $0x0  }
0x10: {  	[sflag:s8] =	ssyncadd.s32 $0xFFFFFF80  }
0x11: {  	s14 =	simm.s32 $0x40;
	s15 =	simm.s32 $0x0;
	v3 =	vld [tilespmem:$0x6400]  }
.LBB2_2:
0x12: {  	p0 =	seq.s32 s14, $0xFFC0;
	[tilespmem:s15+$0x2000] =	vst v0;
	s15 =	smov.u32 s14;
	s14 =	sadd.s32 $0x40, s14  }
.Ltmp0:
0x13: {  	(pc) =	sbr.rel @!p0 .LBB2_2-.Ltmp0, $2  }
0x14: {  	_ =	sdelay $0x2  }
0x15: {  	s15 =	sshra.s32 s15, $0x2  }
0x16: {  	[tilespmem:s15+$0x2000] =	vst v0;
	v3 =	vbroadcast v3, $0x0;
	s14 =	simm.s32 $0x0;
	s15 =	simm.s32 $0x0  }
.LBB2_4:
0x17: {  	s16 =	sshll.u32 s15, $0xA  }
0x18: {  	s16 =	sadd.s32 s16, s4  }
0x19: {  	[tilespmem:s14], [sflag:$0x1] =	stream.linear.gather [hbm4b:s16+s14], $0x2000, $0x38;
	[tilespmem:$0x6480] =	vst v63  }
0x1a: {  	_ =	swait.ge [sflag:s8], $0x2000  }
0x1b: {  	[sflag:s8] =	ssyncset.done $0x0  }
0x1c: {  	s17 =	simm.s32 $0x0;
	s16 =	simm.s32 $0x40;
	[sflag:s8] =	ssyncadd.s32 $0xFFFFE000  }
.LBB2_5:
0x1d: {  	p0 =	sne.s32 s16, $0x7FC0;
	v4 =	vld [tilespmem:s17+$0x0];
	_ =	sdelay $0x4  }
0x1e: {  	v5 =	vshrl.u32 v4, $0xA;
	v4 =	vshra.s32 v4, $0x14  }
0x1f: {  	vm0 =	veq.s32 v4, v3;
	v4 =	vand.u32 $0x3FF, v5  }
0x20: {  	v4 =	vor.u32 v1, v4  }
.Ltmp1:
0x21: {  	(pc) =	sbr.rel @p0 .LBB2_5-.Ltmp1, $2  }
0x22: {  	_ =	sdelay $0x2  }
0x23: {  	s17 =	sshra.s32 s16, $0x2;
	s16 =	sadd.s32 $0x40, s16;
	[tilespmem:v4+s9+$0x0] =	vst.idx.add.f32.msk vm0, v2  }
0x24: {  	v4 =	vld [tilespmem:s17+$0x0];
	_ =	sdelay $0x4  }
0x25: {  	v5 =	vshrl.u32 v4, $0xA;
	v4 =	vshra.s32 v4, $0x14  }
0x26: {  	s15 =	sadd.s32 $0x1, s15;
	vm0 =	veq.s32 v4, v3;
	v4 =	vand.u32 $0x3FF, v5  }
0x27: {  	p0 =	sne.s32 s15, $0x8;
	v4 =	vor.u32 v1, v4  }
.Ltmp2:
0x28: {  	_ = 	snop;
	(pc) =	sbr.rel @p0 .LBB2_4-.Ltmp2, $2  }
0x29: {  	_ =	sdelay $0x2  }
0x2a: {  	[tilespmem:v4+s9+$0x0] =	vst.idx.add.f32.msk vm0, v2  }
0x2b: {  	s14 =	simm.s32 $0x2000  }
0x2c: {  	s15 =	simm.s32 $0x0;
	v3 =	vld [tilespmem:s14+$0x0]  }
0x2d: {  	s31 =	sand.u32 $0x3F0, s15  }
0x2e: {  	v4 =	vld [tilespmem:s31+$0x2400];
	_ =	sdelay $0x1  }
0x2f: {  	v5 =	vld [tilespmem:s31+$0x2800]  }
0x30: {  	v3 =	vadd.f32 $0.0e+00, v3  }
0x31: {  	v6 =	vld [tilespmem:s31+$0x2C00]  }
0x32: {  	v3 =	vadd.f32 v4, v3  }
0x33: {  	v4 =	vld [tilespmem:s31+$0x3000]  }
0x34: {  	v3 =	vadd.f32 v5, v3  }
0x35: {  	v5 =	vld [tilespmem:s31+$0x3400]  }
0x36: {  	v3 =	vadd.f32 v6, v3  }
0x37: {  	v60 =	vld [tilespmem:s31+$0x3800]  }
0x38: {  	v3 =	vadd.f32 v4, v3  }
0x39: {  	v4 =	vld [tilespmem:s31+$0x3C00]  }
0x3a: {  	v3 =	vadd.f32 v5, v3  }
0x3b: {  	v5 =	vld [tilespmem:s31+$0x4000]  }
0x3c: {  	v3 =	vadd.f32 v60, v3  }
0x3d: {  	v61 =	vld [tilespmem:s31+$0x4400]  }
0x3e: {  	v3 =	vadd.f32 v4, v3  }
0x3f: {  	v4 =	vld [tilespmem:s31+$0x4800]  }
0x40: {  	v3 =	vadd.f32 v5, v3  }
0x41: {  	v5 =	vld [tilespmem:s31+$0x4C00]  }
0x42: {  	v3 =	vadd.f32 v61, v3  }
0x43: {  	v62 =	vld [tilespmem:s31+$0x5000]  }
0x44: {  	v3 =	vadd.f32 v4, v3  }
0x45: {  	v4 =	vld [tilespmem:s31+$0x5400]  }
0x46: {  	v3 =	vadd.f32 v5, v3  }
0x47: {  	v5 =	vld [tilespmem:s31+$0x5800]  }
0x48: {  	v3 =	vadd.f32 v62, v3  }
0x49: {  	v63 =	vld [tilespmem:s31+$0x5C00]  }
0x4a: {  	v3 =	vadd.f32 v4, v3;
	_ =	sdelay $0x1  }
0x4b: {  	v3 =	vadd.f32 v5, v3;
	_ =	sdelay $0x1  }
0x4c: {  	v3 =	vadd.f32 v63, v3  }
0x4d: {  	s14 =	simm.s32 $0x6000  }
0x4e: {  	s15 =	simm.s32 $0x2010;
	[tilespmem:s14+$0x0] =	vst v3  }
0x4f: {  	s16 =	simm.s32 $0x10;
	s17 =	simm.s32 $0x20;
	v3 =	vld [tilespmem:s15+$0x0]  }
.LBB2_8:
0x50: {  	p0 =	sne.s32 s17, $0x3F0;
	s18 =	sand.u32 $0x3F0, s16;
	s16 =	smov.u32 s17  }
0x51: {  	v4 =	vld [tilespmem:s18+$0x2400];
	_ =	sdelay $0x1  }
0x52: {  	v5 =	vld [tilespmem:s18+$0x2800]  }
0x53: {  	v3 =	vadd.f32 $0.0e+00, v3  }
0x54: {  	v6 =	vld [tilespmem:s18+$0x2C00]  }
0x55: {  	v3 =	vadd.f32 v4, v3  }
0x56: {  	v4 =	vld [tilespmem:s18+$0x3000]  }
0x57: {  	v3 =	vadd.f32 v5, v3  }
0x58: {  	v5 =	vld [tilespmem:s18+$0x3400]  }
0x59: {  	v3 =	vadd.f32 v6, v3  }
0x5a: {  	v6 =	vld [tilespmem:s18+$0x3800]  }
0x5b: {  	v3 =	vadd.f32 v4, v3  }
0x5c: {  	v4 =	vld [tilespmem:s18+$0x3C00]  }
0x5d: {  	v3 =	vadd.f32 v5, v3  }
0x5e: {  	v5 =	vld [tilespmem:s18+$0x4000]  }
0x5f: {  	v3 =	vadd.f32 v6, v3  }
0x60: {  	v6 =	vld [tilespmem:s18+$0x4400]  }
0x61: {  	v3 =	vadd.f32 v4, v3  }
0x62: {  	v4 =	vld [tilespmem:s18+$0x4800]  }
0x63: {  	v3 =	vadd.f32 v5, v3  }
0x64: {  	v5 =	vld [tilespmem:s18+$0x4C00]  }
0x65: {  	v3 =	vadd.f32 v6, v3  }
0x66: {  	v6 =	vld [tilespmem:s18+$0x5000]  }
0x67: {  	v3 =	vadd.f32 v4, v3  }
0x68: {  	v4 =	vld [tilespmem:s18+$0x5400]  }
0x69: {  	v3 =	vadd.f32 v5, v3  }
0x6a: {  	v5 =	vld [tilespmem:s18+$0x5800]  }
0x6b: {  	v3 =	vadd.f32 v6, v3  }
0x6c: {  	v6 =	vld [tilespmem:s18+$0x5C00]  }
0x6d: {  	v3 =	vadd.f32 v4, v3;
	_ =	sdelay $0x1  }
0x6e: {  	v3 =	vadd.f32 v5, v3  }
.Ltmp3:
0x6f: {  	(pc) =	sbr.rel @p0 .LBB2_8-.Ltmp3, $4  }
0x70: {  	v3 =	vadd.f32 v6, v3  }
0x71: {  	s14 =	sadd.s32 $0x10, s14  }
0x72: {  	s15 =	sadd.s32 $0x10, s15;
	[tilespmem:s14+$0x0] =	vst v3  }
0x73: {  	s17 =	sadd.s32 $0x10, s17;
	v3 =	vld [tilespmem:s15+$0x0]  }
0x74: {  	s15 =	sand.u32 $0x3F0, s16  }
0x75: {  	v4 =	vld [tilespmem:s15+$0x2400];
	_ =	sdelay $0x1  }
0x76: {  	v5 =	vld [tilespmem:s15+$0x2800]  }
0x77: {  	v3 =	vadd.f32 $0.0e+00, v3  }
0x78: {  	v6 =	vld [tilespmem:s15+$0x2C00]  }
0x79: {  	v3 =	vadd.f32 v4, v3  }
0x7a: {  	v52 =	vld [tilespmem:s15+$0x3000]  }
0x7b: {  	v3 =	vadd.f32 v5, v3  }
0x7c: {  	v53 =	vld [tilespmem:s15+$0x3400]  }
0x7d: {  	v3 =	vadd.f32 v6, v3  }
0x7e: {  	v54 =	vld [tilespmem:s15+$0x3800]  }
0x7f: {  	v3 =	vadd.f32 v52, v3  }
0x80: {  	v55 =	vld [tilespmem:s15+$0x3C00]  }
0x81: {  	v3 =	vadd.f32 v53, v3  }
0x82: {  	v56 =	vld [tilespmem:s15+$0x4000]  }
0x83: {  	v3 =	vadd.f32 v54, v3  }
0x84: {  	v57 =	vld [tilespmem:s15+$0x4400]  }
0x85: {  	v3 =	vadd.f32 v55, v3  }
0x86: {  	v58 =	vld [tilespmem:s15+$0x4800]  }
0x87: {  	v3 =	vadd.f32 v56, v3  }
0x88: {  	v59 =	vld [tilespmem:s15+$0x4C00]  }
0x89: {  	v3 =	vadd.f32 v57, v3  }
0x8a: {  	v60 =	vld [tilespmem:s15+$0x5000]  }
0x8b: {  	v3 =	vadd.f32 v58, v3  }
0x8c: {  	v61 =	vld [tilespmem:s15+$0x5400]  }
0x8d: {  	v3 =	vadd.f32 v59, v3  }
0x8e: {  	v62 =	vld [tilespmem:s15+$0x5800]  }
0x8f: {  	v3 =	vadd.f32 v60, v3  }
0x90: {  	v63 =	vld [tilespmem:s15+$0x5C00]  }
0x91: {  	v3 =	vadd.f32 v61, v3;
	_ =	sdelay $0x1  }
0x92: {  	v3 =	vadd.f32 v62, v3;
	_ =	sdelay $0x1  }
0x93: {  	s13 =	sadd.s32 $0x1, s13;
	v3 =	vadd.f32 v63, v3  }
0x94: {  	s14 =	sadd.s32 $0x10, s14;
	p0 =	sne.s32 s13, s6  }
.Ltmp4:
0x95: {  	[tilespmem:s14+$0x0] =	vst v3;
	(pc) =	sbr.rel @p0 .LBB2_1-.Ltmp4, $4  }
0x96: {  	[hbm4b:s5+s10] =	stream.strided.scatter [tilespmem:s12], [sflag:$0x1], $0x400, s11, s10, $0x38;
	[tilespmem:$0x6480] =	vst v63  }
0x97: {  	_ =	swait.ge [sflag:s8], $0x400  }
0x98: {  	[sflag:s8] =	ssyncset.done $0x0  }
0x99: {  	[sflag:s8] =	ssyncadd.s32 $0xFFFFFC00  }
0x9a: {  	_ =	sfence.sel $0x180000  }
0x9b: {  	[bflag:$0x0] =	sbarrier.arrive $0xFFFF  }
0x9c: {  	p0 =	sne.s32 s1, $0x0;
	_ =	strace $0x9000004A  }
0x9d: {  	s0 =	sadd.s32 @!p0 $0x100000, s0;
	[bflag:$0x2] =	sbarrier.arrive $0xFFFF  }
0x9e: {  	[sflag:s0] =	ssyncadd.tile.s32 @!p0 $0x1;
	_ =	shalt  }
.Lfunc_end2:
_tile_overlayer_lowered:
.L_overlay_start_2:
0x9f: {  	(tag) =	ssettag $0x2  }
0xa0: {  	s0 =	rddreg [dreg:$0x0];
	s2 =	stileid.u32  }
0xa1: {  	s1 =	rddreg [dreg:$0x1];
	p0 =	sne.s32 s2, $0x0  }
0xa2: {  	s3 =	rddreg [dreg:$0x2];
	[bflag:$0x3] =	sbarrier.arrive $0xFFFF;
	s2 =	simm.s32 @!p0 $0x1C01  }
0xa3: {  	[timem:s3], [sflag:s2] =	dma.local @!p0 [hbm:s0], s1  }
0xa4: {  	s0 =	simm.s32 @!p0 $0x1  }
0xa5: {  	_ =	swait.ge @!p0 [sflag:s0], s1  }
0xa6: {  	s1 =	ssub.s32 @!p0 $0x0, s1;
	[sflag:s0] =	ssyncset.done @!p0 $0x0  }
0xa7: {  	[sflag:s0] =	ssyncadd.s32 @!p0 s1  }
0xa8: {  	[bflag:$0x3] =	sbarrier.arrive $0xFFFF  }
0xa9: {  	_ =	shalt  }

// kernel: kernel.4.cloned.1.call-start
scs
__scs_entry_jumppad:
0x0: {  	(pc) =	sbr.rel $0x88, $3  }
0x1: {  	(tag) =	ssettag $0x0;
	lr =	simm.s32 $0x1  }
0x2: {  	[smem:$0x3F9F] =	sst lr;
	_ =	strace $0xD0000000  }
0x3: {  	_ = 	snop  }
0x4: {  	_ = 	snop  }
0x5: {  	_ = 	snop  }
0x6: {  	_ = 	snop  }
0x7: {  	_ = 	snop  }
__scs_overlays_trampoline_lowered:
0x8: {  	[smem:$0x3FAE] =	sst s0  }
0x9: {  	[smem:$0x3FAF] =	sst s1  }
0xa: {  	[smem:$0x3FB0] =	sst s2  }
0xb: {  	[smem:$0x3FB1] =	sst s3  }
0xc: {  	[smem:$0x3FB2] =	sst s4  }
0xd: {  	[smem:$0x3FB3] =	sst s5  }
0xe: {  	[smem:$0x3FB4] =	sst s6  }
0xf: {  	[smem:$0x3FB5] =	sst s7  }
0x10: {  	[smem:$0x3FB6] =	sst s8  }
0x11: {  	[smem:$0x3FB7] =	sst s9;
	s0 =	simm.s32 @!p0 $0x0  }
0x12: {  	s1 =	sld [smem:$0x3F9D];
	s0 =	simm.s32 @p0 $0x1  }
0x13: {  	[smem:$0x3FB8] =	sst s0;
	s0 =	simm.s32 @!p1 $0x0  }
0x14: {  	s2 =	sld [smem:$0x3F9C];
	s0 =	simm.s32 @p1 $0x1  }
0x15: {  	[smem:$0x3FB9] =	sst s0;
	s0 =	simm.s32 @!p2 $0x0  }
0x16: {  	s3 =	sld [smem:$0x3FDB];
	s0 =	simm.s32 @p2 $0x1  }
0x17: {  	s4 =	simm.s32 $0x1BF5;
	[smem:$0x3FBB] =	sst s0  }
0x18: {  	s0 =	sld [smem:$0x3F9E];
	_ =	swait.ge [sflag:s4], $0x0  }
0x19: {  	s7 =	sld [smem:$0x3F9F]  }
0x1a: {  	s8 =	sadd.s32 $0xFFFFE003, lr  }
0x1b: {  	s9 =	sadd.s32 $0xFFFFFEF7, lr;
	s5 =	simm.s32 $0xFFFFFFFF;
	p2 =	slt.u32 s8, $0xFFFFF086  }
0x1c: {  	p1 =	slt.u32 s9, $0xF7A;
	s5 =	simm.s32 @!p2 $0x0  }
0x1d: {  	s5 =	simm.s32 @p1 $0x1;
	p0 =	seq.s32 s7, s2  }
0x1e: {  	s7 =	smul.u32 @!p0 $0xF7A, s2;
	p2 =	seq.s32 @!p0 s5, $0x0  }
0x1f: {  	s9 =	smul.u32 $0xF7A, s1;
	s8 =	simm.s32 @!p0 $0x1BF5;
	p2 =	por !p2, p0  }
0x20: {  	[sflag:s8] =	ssyncset.s32 @!p0 $0xFFFFF086;
	s6 =	sadd.s32 @!p0 s3, s7;
	s7 =	simm.s32 @!p0 $0x108  }
0x21: {  	s3 =	sadd.s32 s3, s9;
	s6 =	sadd.s32 @!p0 $0x88, s6;
	s7 =	simm.s32 @p2 $0x1082  }
0x22: {  	[simem:s7], [sflag:s8] =	dma.local @!p0 [hbm:s6], $0xF7A  }
0x23: {  	s9 =	sor.u32 $0xD0000000, s2;
	s6 =	simm.s32 $0x108;
	_ =	swait.ge @!p0 [sflag:s8], $0x0  }
0x24: {  	s3 =	sadd.s32 $0x88, s3;
	s6 =	simm.s32 @!p1 $0x1082;
	[sflag:s4] =	ssyncset.s32 $0xFFFFF086  }
0x25: {  	[simem:s6], [sflag:s4] =	dma.local [hbm:s3], $0xF7A  }
0x26: {  	[smem:$0x3F9F] =	sst s1;
	(tag) =	ssettag s2;
	_ =	strace s9  }
0x27: {  	s1 =	sld [smem:$0x3FAF]  }
0x28: {  	s2 =	sld [smem:$0x3FB0]  }
0x29: {  	s4 =	sld [smem:$0x3FB2]  }
0x2a: {  	p0 =	seq.s32 s5, $0x0;
	s5 =	sld [smem:$0x3FB3]  }
0x2b: {  	s6 =	sld [smem:$0x3FB4]  }
0x2c: {  	s7 =	sld [smem:$0x3FB5]  }
0x2d: {  	s3 =	simm.s32 $0x108;
	s8 =	sld [smem:$0x3FB6]  }
0x2e: {  	s3 =	simm.s32 @!p0 $0x1082;
	s9 =	sld [smem:$0x3FB7]  }
0x2f: {  	lr =	sadd.s32 s0, s3;
	s0 =	sld [smem:$0x3FAE]  }
0x30: {  	s3 =	sld [smem:$0x3FB1]  }
0x31: {  	[smem:$0x3FBA] =	sst s10  }
0x32: {  	s10 =	sld [smem:$0x3FB8];
	_ =	sdelay $0x3  }
0x33: {  	p0 =	seq.s32 s10, $0x1;
	s10 =	sld [smem:$0x3FBA];
	_ =	sdelay $0x3  }
0x34: {  	[smem:$0x3FBA] =	sst s10  }
0x35: {  	s10 =	sld [smem:$0x3FB9];
	_ =	sdelay $0x3  }
0x36: {  	p1 =	seq.s32 s10, $0x1;
	s10 =	sld [smem:$0x3FBA];
	_ =	sdelay $0x3  }
0x37: {  	[smem:$0x3FBA] =	sst s10  }
0x38: {  	s10 =	sld [smem:$0x3FBB]  }
0x39: {  	_ = 	snop;
	(pc) =	sbr.ind lr, $3  }
0x3a: {  	_ = 	snop  }
0x3b: {  	_ = 	snop  }
0x3c: {  	p2 =	seq.s32 s10, $0x1;
	s10 =	sld [smem:$0x3FBA]  }
0x3d: {  	_ =	shalt  }
0x3e: {  	_ =	shalt  }
0x3f: {  	_ =	shalt  }
0x40: {  	_ =	shalt  }
0x41: {  	_ =	shalt  }
0x42: {  	_ =	shalt  }
0x43: {  	_ =	shalt  }
0x44: {  	_ =	shalt  }
0x45: {  	_ =	shalt  }
0x46: {  	_ =	shalt  }
0x47: {  	_ =	shalt  }
0x48: {  	_ =	shalt  }
0x49: {  	_ =	shalt  }
0x4a: {  	_ =	shalt  }
0x4b: {  	_ =	shalt  }
0x4c: {  	_ =	shalt  }
0x4d: {  	_ =	shalt  }
0x4e: {  	_ =	shalt  }
0x4f: {  	_ =	shalt  }
0x50: {  	_ =	shalt  }
0x51: {  	_ =	shalt  }
0x52: {  	_ =	shalt  }
0x53: {  	_ =	shalt  }
0x54: {  	_ =	shalt  }
0x55: {  	_ =	shalt  }
0x56: {  	_ =	shalt  }
0x57: {  	_ =	shalt  }
0x58: {  	_ =	shalt  }
0x59: {  	_ =	shalt  }
0x5a: {  	_ =	shalt  }
0x5b: {  	_ =	shalt  }
0x5c: {  	_ =	shalt  }
0x5d: {  	_ =	shalt  }
0x5e: {  	_ =	shalt  }
0x5f: {  	_ =	shalt  }
0x60: {  	_ =	shalt  }
0x61: {  	_ =	shalt  }
0x62: {  	_ =	shalt  }
0x63: {  	_ =	shalt  }
0x64: {  	_ =	shalt  }
0x65: {  	_ =	shalt  }
0x66: {  	_ =	shalt  }
0x67: {  	_ =	shalt  }
0x68: {  	_ =	shalt  }
0x69: {  	_ =	shalt  }
0x6a: {  	_ =	shalt  }
0x6b: {  	_ =	shalt  }
0x6c: {  	_ =	shalt  }
0x6d: {  	_ =	shalt  }
0x6e: {  	_ =	shalt  }
0x6f: {  	_ =	shalt  }
0x70: {  	_ =	shalt  }
0x71: {  	_ =	shalt  }
0x72: {  	_ =	shalt  }
0x73: {  	_ =	shalt  }
0x74: {  	_ =	shalt  }
0x75: {  	_ =	shalt  }
0x76: {  	_ =	shalt  }
0x77: {  	_ =	shalt  }
0x78: {  	_ =	shalt  }
0x79: {  	_ =	shalt  }
0x7a: {  	_ =	shalt  }
0x7b: {  	_ =	shalt  }
0x7c: {  	_ =	shalt  }
0x7d: {  	_ =	shalt  }
0x7e: {  	_ =	shalt  }
0x7f: {  	_ =	shalt  }
0x80: {  	_ =	shalt  }
0x81: {  	_ =	shalt  }
0x82: {  	_ =	shalt  }
0x83: {  	_ =	shalt  }
0x84: {  	_ =	shalt  }
0x85: {  	_ =	shalt  }
0x86: {  	_ =	shalt  }
0x87: {  	_ =	shalt  }
.Lfunc_end0:
.L_simem_size_0:
called_computation.4_lowered:
.L_overlay_start_0:
0x88: {  	s2 =	sld [smem:$0x3FD9]  }
0x89: {  	s3 =	sld [smem:$0x3FFE];
	_ =	sdelay $0x1  }
0x8a: {  	s1 =	srdreg.scid  }
0x8b: {  	s0 =	sand.u32 $0x1, s1  }
0x8c: {  	s16 =	sshll.u32 s0, $0xA;
	s2 =	sadd.s32 s3, s2  }
0x8d: {  	s2 =	sadd.s32 s2, s16  }
0x8e: {  	[smem:$0x3FC6] =	sst s2  }
0x8f: {  	_ = 	snop  }
0x90: {  	(tm) =	ssettm $0x1  }
0x91: {  	s17 =	sld [smem:$0x3FFB];
	_ =	sdelay $0x3  }
0x92: {  	_ =	strace s17  }
0x93: {  	s2 =	sld [smem:$0x3FFC];
	_ =	sdelay $0x3  }
0x94: {  	_ =	strace s2  }
0x95: {  	s2 =	sld [smem:$0x3FFD];
	_ =	sdelay $0x3  }
0x96: {  	_ =	strace s2  }
0x97: {  	_ =	strace $0x8FFFFFFF  }
0x98: {  	s18 =	sld [smem:$0x3FDB];
	_ =	sdelay $0x1  }
0x99: {  	s19 =	simm.s32 $_scs_section_size  }
0x9a: {  	s4 =	simm.s32 $_size__tile_overlayer_lowered;
	s5 =	simm.s32 $_tile_overlayer_lowered  }
0x9b: {  	s22 =	simm.s32 $0x1BFF;
	s21 =	sshll.u32 s5, $0x1;
	s2 =	sadd.s32 s19, s18  }
0x9c: {  	s6 =	simm.s32 $0x0;
	s20 =	sshll.u32 s4, $0x1;
	s4 =	sadd.s32 s21, s2  }
0x9d: {  	[timem:s6], [sflag:s22] =	dma.local [hbm:s4], s20  }
0x9e: {  	_ =	swait.ge [sflag:s22], s20  }
0x9f: {  	s3 =	ssub.s32 $0x0, s20;
	[sflag:s22] =	ssyncset.done $0x0  }
0xa0: {  	[sflag:s22] =	ssyncadd.s32 s3;
	_ =	sdelay $0x1  }
0xa1: {  	s23 =	simm.s32 $0x1B8B  }
0xa2: {  	_ =	swait.ge [sflag:s23], $0x1  }
0xa3: {  	[sflag:s23] =	ssyncset.done $0x0  }
0xa4: {  	s25 =	simm.s32 $0x1B8E;
	s24 =	sld [smem:$0x3FFE];
	[sflag:s23] =	ssyncadd.s32 $0xFFFFFFFF  }
0xa5: {  	s26 =	simm.s32 $execute0_lowered;
	[smem:$0x3FD2] =	sst s25  }
0xa6: {  	s4 =	sshll.u32 s26, $0x1;
	_ =	strace $0x80000052;
	[dreg:$0x1] =	wrdreg $0xFFFFFFFF  }
0xa7: {  	s28 =	simm.s32 $_size_execute0_lowered;
	s2 =	sadd.s32 s2, s4;
	[dreg:$0x0] =	wrdreg $0x0  }
0xa8: {  	s4 =	sshll.u32 s28, $0x1;
	[dreg:$0x2] =	wrdreg s2  }
0xa9: {  	[dreg:$0x3] =	wrdreg s4  }
0xaa: {  	[dreg:$0x4] =	wrdreg $0xC0  }
0xab: {  	_ =	task [dreg:s6], $0x5FFFF  }
0xac: {  	[dreg:$0x1] =	wrdreg $0xFFFFFFFF  }
0xad: {  	[dreg:$0x0] =	wrdreg $0x60  }
0xae: {  	[dreg:$0x2] =	wrdreg s24  }
0xaf: {  	[dreg:$0x3] =	wrdreg $0x9  }
0xb0: {  	_ =	task.clear_ibuf [dreg:s6], $0x4FFFF;
	_ =	strace $0x90000052  }
0xb1: {  	s29 =	simm.s32 $0x9;
	_ =	strace $0x80000054  }
0xb2: {  	_ =	swait.ge [sflag:s29], $0x1  }
0xb3: {  	[sflag:s29] =	ssyncadd.s32 $0xFFFFFFFF  }
0xb4: {  	_ =	strace $0x90000054  }
0xb5: {  	_ =	sfence  }
0xb6: {  	s30 =	sld [smem:$0x0];
	_ =	sdelay $0x2  }
0xb7: {  	s31 =	sshll.u32 s1, $0xD;
	s1 =	sshrl.u32 s1, $0x2  }
0xb8: {  	s3 =	sand.u32 $0x4000, s31;
	s1 =	sadd.s32 s1, s30  }
0xb9: {  	s0 =	sor.u32 s3, s0;
	s1 =	sshll.u32 s1, $0x11  }
0xba: {  	s0 =	sor.u32 s1, s0  }
0xbb: {  	s0 =	sadd.s32 $0x8F2B, s0  }
0xbc: {  	[sflag:s0] =	ssyncadd.remote.s32 $0x1  }
0xbd: {  	_ =	sfence.sel $0xFFFF  }
0xbe: {  	[dreg:$0x0] =	wrdreg $0xFFFFFFFF;
	(pc) =	sbr.abs _section_cstart, $3  }
0xbf: {  	[dreg:$0x1] =	wrdreg $0xFFFFFFFF  }
0xc0: {  	_ =	task.clear_ibuf [dreg:s6], $0x2FFFF;
	_ =	strace $0x9FFFFFFF  }
0xc1: {  	(tm) =	ssettm $0x7FFFFFFF  }
tec
execute0_lowered:
.L_overlay_start_1:
0x0: {  	(tag) =	ssettag $0x1  }
0x1: {  	s11 =	rddreg [dreg:$0x0]  }
0x2: {  	s0 =	rddreg [dreg:$0x1]  }
0x3: {  	s2 =	simm.s32 $0x0;
	s3 =	srdreg.scid;
	s1 =	stileid.u32  }
0x4: {  	s16 =	simm.s32 $0xC000;
	s17 =	simm.s32 $0x2;
	s18 =	simm.s32 $0x10000  }
0x5: {  	s19 =	simm.s32 $0x3;
	s20 =	simm.s32 $0x0;
	[smem:$0x7FF] =	sst s2  }
0x6: {  	s3 =	sand.u32 $0x1, s3;
	s4 =	sshll.u32 s1, $0x1;
	s10 =	sadd.s32 $0x500000, s11  }
0x7: {  	s13 =	sadd.s32 $0x540000, s11;
	s5 =	ssub.s32 $0x2, s3;
	s9 =	sor.u32 s3, s4  }
0x8: {  	_ =	strace $0x80000053;
	s31 =	sshrl.u32 s5, $0x1;
	s12 =	sshll.u32 s9, $0xD  }
0x9: {  	s15 =	sshll.u32 s9, $0x4;
	s14 =	ssub.s32 s5, s31;
	s3 =	sadd.s32 s10, s12  }
0xa: {  	s4 =	sadd.s32 s13, s12;
	s6 =	sor.u32 $0x800, s12;
	s8 =	sor.u32 $0x1000, s12  }
0xb: {  	s12 =	sor.u32 $0x1800, s12;
	s11 =	sadd.s32 s11, s15;
	s15 =	simm.s32 $0x4000  }
0xc: {  	s5 =	sadd.s32 s10, s6;
	s6 =	sadd.s32 s13, s6;
	s7 =	sadd.s32 s10, s8  }
0xd: {  	s8 =	sadd.s32 s13, s8;
	s9 =	sadd.s32 s10, s12;
	s10 =	sadd.s32 s13, s12  }
0xe: {  	v0 =	vimm.f32 $0.0e+00;
	vm0 =	vcmask $0x704;
	vm1 =	vcmask $0x3F04;
	s12 =	smax.u32 s14, $0x1;
	s13 =	simm.s32 $0x8000;
	s14 =	simm.s32 $0x1  }
.LBB2_1:
0xf: {  	[tilespmem:s2], [sflag:$0x1] =	stream.linear.gather [hbm4b:s3+s2], $0x4000, $0x38;
	[tilespmem:$0x10080] =	vst v63  }
0x10: {  	_ = 	snop  }
0x11: {  	[tilespmem:s13], [sflag:$0x1] =	stream.linear.gather [hbm4b:s4+s2], $0x4000, $0x38;
	[tilespmem:$0x10080] =	vst v63  }
0x12: {  	_ =	swait.ge [sflag:s14], $0x4000  }
0x13: {  	[sflag:s14] =	ssyncset.done $0x0  }
0x14: {  	[sflag:s14] =	ssyncadd.s32 $0xFFFFC000  }
0x15: {  	_ =	swait.ge [sflag:s14], $0x4000  }
0x16: {  	[sflag:s14] =	ssyncset.done $0x0  }
0x17: {  	[sflag:s14] =	ssyncadd.s32 $0xFFFFC000  }
0x18: {  	[tilespmem:s15], [sflag:$0x2] =	stream.linear.gather [hbm4b:s5+s2], $0x4000, $0x38;
	[tilespmem:$0x10080] =	vst v63  }
0x19: {  	s23 =	simm.s32 $0x0  }
0x1a: {  	[tilespmem:s16], [sflag:$0x2] =	stream.linear.gather [hbm4b:s6+s2], $0x4000, $0x38;
	[tilespmem:$0x10080] =	vst v63  }
0x1b: {  	v2 =	vld [tilespmem:s23+$0x0]  }
0x1c: {  	v5 =	vld [tilespmem:s23+$0x8000]  }
0x1d: {  	v8 =	vld [tilespmem:s23+$0x10]  }
0x1e: {  	v4 =	vld [tilespmem:s23+$0x8010]  }
0x1f: {  	v1 =	vld [tilespmem:s23+$0x20]  }
0x20: {  	v3 =	vld [tilespmem:s23+$0x8020];
	vm2 =	vlt.s32 v2, $0x3F333333  }
0x21: {  	v2 =	vld [tilespmem:s23+$0x30];
	v6 =	vsel vm2, $0x3F800000, v0;
	v5 =	vnsel vm2, $0x0, v5  }
0x22: {  	s21 =	simm.s32 $0x40;
	s22 =	simm.s32 $0x200;
	vm2 =	vlt.s32 v8, $0x3F333333;
	v6 =	vadd.f32 v6, v0;
	v7 =	vadd.f32 v5, v0;
	v5 =	vld [tilespmem:s23+$0x8030]  }
.LBB2_2:
0x23: {  	p0 =	sne.s32 s22, $0xFF00;
	v8 =	vld [tilespmem:s21+$0x0];
	v9 =	vsel vm2, $0x3F800000, v0;
	v4 =	vnsel vm2, $0x0, v4  }
0x24: {  	v10 =	vld [tilespmem:s21+$0x8000];
	v6 =	vadd.f32 v9, v6;
	v7 =	vadd.f32 v4, v7;
	vm2 =	vlt.s32 v1, $0x3F333333  }
0x25: {  	v9 =	vld [tilespmem:s21+$0x10];
	v1 =	vsel vm2, $0x3F800000, v0;
	v3 =	vnsel vm2, $0x0, v3  }
.Ltmp0:
0x26: {  	v4 =	vld [tilespmem:s21+$0x8010];
	v6 =	vadd.f32 v1, v6;
	v7 =	vadd.f32 v3, v7;
	vm2 =	vlt.s32 v2, $0x3F333333;
	(pc) =	sbr.rel @p0 .LBB2_2-.Ltmp0, $4  }
0x27: {  	v1 =	vld [tilespmem:s21+$0x20];
	v2 =	vsel vm2, $0x3F800000, v0;
	v5 =	vnsel vm2, $0x0, v5  }
0x28: {  	vm2 =	vlt.s32 v8, $0x3F333333;
	v3 =	vld [tilespmem:s21+$0x8020];
	v6 =	vadd.f32 v2, v6;
	v5 =	vadd.f32 v5, v7  }
0x29: {  	v7 =	vsel vm2, $0x3F800000, v0;
	v8 =	vnsel vm2, $0x0, v10;
	v2 =	vld [tilespmem:s21+$0x30]  }
0x2a: {  	v6 =	vadd.f32 v7, v6;
	v7 =	vadd.f32 v8, v5;
	vm2 =	vlt.s32 v9, $0x3F333333;
	v5 =	vld [tilespmem:s21+$0x8030];
	s21 =	sshra.s32 s22, $0x2;
	s22 =	sadd.s32 $0x100, s22  }
0x2b: {  	v8 =	vld [tilespmem:s21+$0x0]  }
0x2c: {  	v9 =	vld [tilespmem:s21+$0x8000]  }
0x2d: {  	v10 =	vld [tilespmem:s21+$0x10]  }
0x2e: {  	v11 =	vld [tilespmem:s21+$0x8010]  }
0x2f: {  	v12 =	vld [tilespmem:s21+$0x20]  }
0x30: {  	v13 =	vld [tilespmem:s21+$0x8020]  }
0x31: {  	v14 =	vld [tilespmem:s21+$0x30]  }
0x32: {  	v15 =	vld [tilespmem:s21+$0x8030];
	_ =	swait.ge [sflag:s17], $0x4000  }
0x33: {  	v4 =	vnsel vm2, $0x0, v4;
	v16 =	vsel vm2, $0x3F800000, v0;
	[sflag:s17] =	ssyncset.done $0x0  }
0x34: {  	v6 =	vadd.f32 v16, v6;
	v4 =	vadd.f32 v4, v7;
	vm2 =	vlt.s32 v1, $0x3F333333;
	[sflag:s17] =	ssyncadd.s32 $0xFFFFC000  }
0x35: {  	v1 =	vnsel vm2, $0x0, v3;
	v3 =	vsel vm2, $0x3F800000, v0;
	_ =	swait.ge [sflag:s17], $0x4000  }
0x36: {  	v3 =	vadd.f32 v3, v6;
	v1 =	vadd.f32 v1, v4;
	vm2 =	vlt.s32 v2, $0x3F333333;
	[sflag:s17] =	ssyncset.done $0x0  }
0x37: {  	s31 =	simm.s32 $0x0;
	v2 =	vnsel vm2, $0x0, v5;
	v4 =	vsel vm2, $0x3F800000, v0;
	[sflag:s17] =	ssyncadd.s32 $0xFFFFC000  }
0x38: {  	v3 =	vadd.f32 v4, v3;
	v1 =	vadd.f32 v2, v1;
	vm2 =	vlt.s32 v8, $0x3F333333;
	[tilespmem:s31], [sflag:$0x1] =	stream.linear.gather [hbm4b:s7+s31], $0x4000, $0x38;
	[tilespmem:$0x10080] =	vst v63  }
0x39: {  	s23 =	simm.s32 $0x0;
	v2 =	vnsel vm2, $0x0, v9;
	v4 =	vsel vm2, $0x3F800000, v0  }
0x3a: {  	vm2 =	vlt.s32 v10, $0x3F333333;
	v3 =	vadd.f32 v4, v3;
	v1 =	vadd.f32 v2, v1;
	[tilespmem:s13], [sflag:$0x1] =	stream.linear.gather [hbm4b:s8+s31], $0x4000, $0x38;
	[tilespmem:$0x10080] =	vst v63  }
0x3b: {  	v2 =	vsel vm2, $0x3F800000, v0;
	v4 =	vnsel vm2, $0x0, v11;
	v5 =	vld [tilespmem:s23+$0x4000]  }
0x3c: {  	vm2 =	vlt.s32 v12, $0x3F333333;
	v2 =	vadd.f32 v2, v3;
	v1 =	vadd.f32 v4, v1;
	v3 =	vld [tilespmem:s23+$0xC000]  }
0x3d: {  	v6 =	vnsel vm2, $0x0, v13;
	v4 =	vsel vm2, $0x3F800000, v0;
	v8 =	vld [tilespmem:s23+$0x4010]  }
0x3e: {  	vm2 =	vlt.s32 v14, $0x3F333333;
	v4 =	vadd.f32 v4, v2;
	v6 =	vadd.f32 v6, v1;
	v2 =	vld [tilespmem:s23+$0xC010]  }
0x3f: {  	v7 =	vsel vm2, $0x3F800000, v0;
	v62 =	vnsel vm2, $0x0, v15;
	v1 =	vld [tilespmem:s23+$0x4020]  }
0x40: {  	v7 =	vadd.f32 v7, v4;
	v9 =	vadd.f32 v62, v6;
	v4 =	vld [tilespmem:s23+$0xC020];
	vm2 =	vlt.s32 v5, $0x3F333333  }
0x41: {  	v5 =	vsel vm2, $0x3F800000, v0;
	v63 =	vnsel vm2, $0x0, v3;
	v3 =	vld [tilespmem:s23+$0x4030]  }
0x42: {  	s21 =	simm.s32 $0x40;
	s22 =	simm.s32 $0x200;
	vm2 =	vlt.s32 v8, $0x3F333333;
	v6 =	vadd.f32 v5, v7;
	v7 =	vadd.f32 v63, v9;
	v5 =	vld [tilespmem:s23+$0xC030]  }
.LBB2_4:
0x43: {  	p0 =	sne.s32 s22, $0xFF00;
	v8 =	vld [tilespmem:s21+$0x4000];
	v9 =	vsel vm2, $0x3F800000, v0;
	v2 =	vnsel vm2, $0x0, v2  }
0x44: {  	v10 =	vld [tilespmem:s21+$0xC000];
	v6 =	vadd.f32 v9, v6;
	v7 =	vadd.f32 v2, v7;
	vm2 =	vlt.s32 v1, $0x3F333333  }
0x45: {  	v9 =	vld [tilespmem:s21+$0x4010];
	v1 =	vsel vm2, $0x3F800000, v0;
	v4 =	vnsel vm2, $0x0, v4  }
.Ltmp1:
0x46: {  	v2 =	vld [tilespmem:s21+$0xC010];
	v6 =	vadd.f32 v1, v6;
	v7 =	vadd.f32 v4, v7;
	vm2 =	vlt.s32 v3, $0x3F333333;
	(pc) =	sbr.rel @p0 .LBB2_4-.Ltmp1, $4  }
0x47: {  	v1 =	vld [tilespmem:s21+$0x4020];
	v3 =	vsel vm2, $0x3F800000, v0;
	v5 =	vnsel vm2, $0x0, v5  }
0x48: {  	vm2 =	vlt.s32 v8, $0x3F333333;
	v4 =	vld [tilespmem:s21+$0xC020];
	v6 =	vadd.f32 v3, v6;
	v5 =	vadd.f32 v5, v7  }
0x49: {  	v7 =	vsel vm2, $0x3F800000, v0;
	v8 =	vnsel vm2, $0x0, v10;
	v3 =	vld [tilespmem:s21+$0x4030]  }
0x4a: {  	v6 =	vadd.f32 v7, v6;
	v7 =	vadd.f32 v8, v5;
	vm2 =	vlt.s32 v9, $0x3F333333;
	v5 =	vld [tilespmem:s21+$0xC030];
	s21 =	sshra.s32 s22, $0x2;
	s22 =	sadd.s32 $0x100, s22  }
0x4b: {  	v8 =	vld [tilespmem:s21+$0x4000]  }
0x4c: {  	v9 =	vld [tilespmem:s21+$0xC000]  }
0x4d: {  	v10 =	vld [tilespmem:s21+$0x4010]  }
0x4e: {  	v11 =	vld [tilespmem:s21+$0xC010]  }
0x4f: {  	v12 =	vld [tilespmem:s21+$0x4020]  }
0x50: {  	v13 =	vld [tilespmem:s21+$0xC020]  }
0x51: {  	v14 =	vld [tilespmem:s21+$0x4030]  }
0x52: {  	v15 =	vld [tilespmem:s21+$0xC030];
	_ =	swait.ge [sflag:s14], $0x4000  }
0x53: {  	v2 =	vnsel vm2, $0x0, v2;
	v16 =	vsel vm2, $0x3F800000, v0;
	[sflag:s14] =	ssyncset.done $0x0  }
0x54: {  	v6 =	vadd.f32 v16, v6;
	v2 =	vadd.f32 v2, v7;
	vm2 =	vlt.s32 v1, $0x3F333333;
	[sflag:s14] =	ssyncadd.s32 $0xFFFFC000  }
0x55: {  	v1 =	vnsel vm2, $0x0, v4;
	v4 =	vsel vm2, $0x3F800000, v0;
	_ =	swait.ge [sflag:s14], $0x4000  }
0x56: {  	v4 =	vadd.f32 v4, v6;
	v1 =	vadd.f32 v1, v2;
	vm2 =	vlt.s32 v3, $0x3F333333;
	[sflag:s14] =	ssyncset.done $0x0  }
0x57: {  	s31 =	simm.s32 $0x0;
	v2 =	vnsel vm2, $0x0, v5;
	v3 =	vsel vm2, $0x3F800000, v0;
	[sflag:s14] =	ssyncadd.s32 $0xFFFFC000  }
0x58: {  	v3 =	vadd.f32 v3, v4;
	v1 =	vadd.f32 v2, v1;
	vm2 =	vlt.s32 v8, $0x3F333333;
	[tilespmem:s15], [sflag:$0x2] =	stream.linear.gather [hbm4b:s9+s31], $0x4000, $0x38;
	[tilespmem:$0x10080] =	vst v63  }
0x59: {  	s23 =	simm.s32 $0x0;
	v2 =	vnsel vm2, $0x0, v9;
	v4 =	vsel vm2, $0x3F800000, v0  }
0x5a: {  	vm2 =	vlt.s32 v10, $0x3F333333;
	v3 =	vadd.f32 v4, v3;
	v1 =	vadd.f32 v2, v1;
	[tilespmem:s16], [sflag:$0x2] =	stream.linear.gather [hbm4b:s10+s31], $0x4000, $0x38;
	[tilespmem:$0x10080] =	vst v63  }
0x5b: {  	v2 =	vsel vm2, $0x3F800000, v0;
	v4 =	vnsel vm2, $0x0, v11;
	v5 =	vld [tilespmem:s23+$0x0]  }
0x5c: {  	vm2 =	vlt.s32 v12, $0x3F333333;
	v2 =	vadd.f32 v2, v3;
	v1 =	vadd.f32 v4, v1;
	v3 =	vld [tilespmem:s23+$0x8000]  }
0x5d: {  	v6 =	vnsel vm2, $0x0, v13;
	v4 =	vsel vm2, $0x3F800000, v0;
	v8 =	vld [tilespmem:s23+$0x10]  }
0x5e: {  	vm2 =	vlt.s32 v14, $0x3F333333;
	v4 =	vadd.f32 v4, v2;
	v6 =	vadd.f32 v6, v1;
	v2 =	vld [tilespmem:s23+$0x8010]  }
0x5f: {  	v7 =	vsel vm2, $0x3F800000, v0;
	v62 =	vnsel vm2, $0x0, v15;
	v1 =	vld [tilespmem:s23+$0x20]  }
0x60: {  	v7 =	vadd.f32 v7, v4;
	v9 =	vadd.f32 v62, v6;
	v4 =	vld [tilespmem:s23+$0x8020];
	vm2 =	vlt.s32 v5, $0x3F333333  }
0x61: {  	v5 =	vsel vm2, $0x3F800000, v0;
	v63 =	vnsel vm2, $0x0, v3;
	v3 =	vld [tilespmem:s23+$0x30]  }
0x62: {  	s21 =	simm.s32 $0x40;
	s22 =	simm.s32 $0x200;
	vm2 =	vlt.s32 v8, $0x3F333333;
	v6 =	vadd.f32 v5, v7;
	v7 =	vadd.f32 v63, v9;
	v5 =	vld [tilespmem:s23+$0x8030]  }
.LBB2_6:
0x63: {  	p0 =	sne.s32 s22, $0xFF00;
	v8 =	vld [tilespmem:s21+$0x0];
	v9 =	vsel vm2, $0x3F800000, v0;
	v2 =	vnsel vm2, $0x0, v2  }
0x64: {  	v10 =	vld [tilespmem:s21+$0x8000];
	v6 =	vadd.f32 v9, v6;
	v7 =	vadd.f32 v2, v7;
	vm2 =	vlt.s32 v1, $0x3F333333  }
0x65: {  	v9 =	vld [tilespmem:s21+$0x10];
	v1 =	vsel vm2, $0x3F800000, v0;
	v4 =	vnsel vm2, $0x0, v4  }
.Ltmp2:
0x66: {  	v2 =	vld [tilespmem:s21+$0x8010];
	v6 =	vadd.f32 v1, v6;
	v7 =	vadd.f32 v4, v7;
	vm2 =	vlt.s32 v3, $0x3F333333;
	(pc) =	sbr.rel @p0 .LBB2_6-.Ltmp2, $4  }
0x67: {  	v1 =	vld [tilespmem:s21+$0x20];
	v3 =	vsel vm2, $0x3F800000, v0;
	v5 =	vnsel vm2, $0x0, v5  }
0x68: {  	vm2 =	vlt.s32 v8, $0x3F333333;
	v4 =	vld [tilespmem:s21+$0x8020];
	v6 =	vadd.f32 v3, v6;
	v5 =	vadd.f32 v5, v7  }
0x69: {  	v7 =	vsel vm2, $0x3F800000, v0;
	v8 =	vnsel vm2, $0x0, v10;
	v3 =	vld [tilespmem:s21+$0x30]  }
0x6a: {  	v6 =	vadd.f32 v7, v6;
	v7 =	vadd.f32 v8, v5;
	vm2 =	vlt.s32 v9, $0x3F333333;
	v5 =	vld [tilespmem:s21+$0x8030];
	s21 =	sshra.s32 s22, $0x2;
	s22 =	sadd.s32 $0x100, s22  }
0x6b: {  	v8 =	vld [tilespmem:s21+$0x0]  }
0x6c: {  	v9 =	vld [tilespmem:s21+$0x8000]  }
0x6d: {  	v10 =	vld [tilespmem:s21+$0x10]  }
0x6e: {  	v11 =	vld [tilespmem:s21+$0x8010]  }
0x6f: {  	v12 =	vld [tilespmem:s21+$0x20]  }
0x70: {  	v13 =	vld [tilespmem:s21+$0x8020];
	v14 =	vsel vm2, $0x3F800000, v0;
	v2 =	vnsel vm2, $0x0, v2  }
0x71: {  	v15 =	vld [tilespmem:s21+$0x30];
	v6 =	vadd.f32 v14, v6;
	v2 =	vadd.f32 v2, v7;
	vm2 =	vlt.s32 v1, $0x3F333333  }
0x72: {  	v7 =	vld [tilespmem:s21+$0x8030];
	_ =	swait.ge [sflag:s17], $0x4000;
	v1 =	vnsel vm2, $0x0, v4;
	v4 =	vsel vm2, $0x3F800000, v0  }
0x73: {  	[sflag:s17] =	ssyncset.done $0x0;
	v4 =	vadd.f32 v4, v6;
	v1 =	vadd.f32 v1, v2;
	vm2 =	vlt.s32 v3, $0x3F333333  }
0x74: {  	[sflag:s17] =	ssyncadd.s32 $0xFFFFC000;
	v2 =	vnsel vm2, $0x0, v5;
	v3 =	vsel vm2, $0x3F800000, v0  }
0x75: {  	_ =	swait.ge [sflag:s17], $0x4000;
	v3 =	vadd.f32 v3, v4;
	v1 =	vadd.f32 v2, v1;
	vm2 =	vlt.s32 v8, $0x3F333333  }
0x76: {  	[sflag:s17] =	ssyncset.done $0x0;
	v2 =	vnsel vm2, $0x0, v9;
	v4 =	vsel vm2, $0x3F800000, v0  }
0x77: {  	s23 =	simm.s32 $0x0;
	vm2 =	vlt.s32 v10, $0x3F333333;
	[sflag:s17] =	ssyncadd.s32 $0xFFFFC000;
	v3 =	vadd.f32 v4, v3;
	v1 =	vadd.f32 v2, v1  }
0x78: {  	v2 =	vsel vm2, $0x3F800000, v0;
	v4 =	vnsel vm2, $0x0, v11;
	v5 =	vld [tilespmem:s23+$0x4000]  }
0x79: {  	vm2 =	vlt.s32 v12, $0x3F333333;
	v2 =	vadd.f32 v2, v3;
	v1 =	vadd.f32 v4, v1;
	v4 =	vld [tilespmem:s23+$0xC000]  }
0x7a: {  	v8 =	vld [tilespmem:s23+$0x4010];
	v6 =	vnsel vm2, $0x0, v13;
	v3 =	vsel vm2, $0x3F800000, v0  }
0x7b: {  	vm2 =	vlt.s32 v15, $0x3F333333;
	v3 =	vadd.f32 v3, v2;
	v6 =	vadd.f32 v6, v1;
	v1 =	vld [tilespmem:s23+$0xC010]  }
0x7c: {  	v62 =	vsel vm2, $0x3F800000, v0;
	v7 =	vnsel vm2, $0x0, v7;
	v2 =	vld [tilespmem:s23+$0x4020]  }
0x7d: {  	vm2 =	vlt.s32 v5, $0x3F333333;
	v9 =	vadd.f32 v62, v3;
	v6 =	vadd.f32 v7, v6;
	v3 =	vld [tilespmem:s23+$0xC020]  }
0x7e: {  	v5 =	vsel vm2, $0x3F800000, v0;
	v63 =	vnsel vm2, $0x0, v4;
	v4 =	vld [tilespmem:s23+$0x4030]  }
0x7f: {  	s22 =	simm.s32 $0x200;
	s21 =	simm.s32 $0x40;
	vm2 =	vlt.s32 v8, $0x3F333333;
	v7 =	vadd.f32 v5, v9;
	v6 =	vadd.f32 v63, v6;
	v5 =	vld [tilespmem:s23+$0xC030]  }
.LBB2_8:
0x80: {  	p0 =	sne.s32 s22, $0xFF00;
	v8 =	vld [tilespmem:s21+$0x4000];
	v9 =	vsel vm2, $0x3F800000, v0;
	v1 =	vnsel vm2, $0x0, v1  }
0x81: {  	v10 =	vld [tilespmem:s21+$0xC000];
	v7 =	vadd.f32 v9, v7;
	v6 =	vadd.f32 v1, v6;
	vm2 =	vlt.s32 v2, $0x3F333333  }
0x82: {  	v9 =	vld [tilespmem:s21+$0x4010];
	v2 =	vsel vm2, $0x3F800000, v0;
	v3 =	vnsel vm2, $0x0, v3  }
.Ltmp3:
0x83: {  	v1 =	vld [tilespmem:s21+$0xC010];
	v7 =	vadd.f32 v2, v7;
	v6 =	vadd.f32 v3, v6;
	vm2 =	vlt.s32 v4, $0x3F333333;
	(pc) =	sbr.rel @p0 .LBB2_8-.Ltmp3, $4  }
0x84: {  	v2 =	vld [tilespmem:s21+$0x4020];
	v4 =	vsel vm2, $0x3F800000, v0;
	v5 =	vnsel vm2, $0x0, v5  }
0x85: {  	vm2 =	vlt.s32 v8, $0x3F333333;
	v3 =	vld [tilespmem:s21+$0xC020];
	v7 =	vadd.f32 v4, v7;
	v5 =	vadd.f32 v5, v6  }
0x86: {  	v6 =	vsel vm2, $0x3F800000, v0;
	v8 =	vnsel vm2, $0x0, v10;
	v4 =	vld [tilespmem:s21+$0x4030]  }
0x87: {  	v7 =	vadd.f32 v6, v7;
	v6 =	vadd.f32 v8, v5;
	vm2 =	vlt.s32 v9, $0x3F333333;
	v5 =	vld [tilespmem:s21+$0xC030];
	s21 =	sshra.s32 s22, $0x2;
	s22 =	sadd.s32 $0x100, s22  }
0x88: {  	v8 =	vld [tilespmem:s21+$0x4000];
	v9 =	vsel vm2, $0x3F800000, v0  }
0x89: {  	v1 =	vnsel vm2, $0x0, v1;
	v10 =	vld [tilespmem:s21+$0xC000];
	v7 =	vadd.f32 v9, v7;
	vm2 =	vlt.s32 v2, $0x3F333333  }
0x8a: {  	v1 =	vadd.f32 v1, v6;
	v2 =	vld [tilespmem:s21+$0x4010];
	v55 =	vsel vm2, $0x3F800000, v0  }
0x8b: {  	v56 =	vld [tilespmem:s21+$0xC010];
	v3 =	vnsel vm2, $0x0, v3;
	v6 =	vadd.f32 v55, v7;
	vm2 =	vlt.s32 v4, $0x3F333333  }
0x8c: {  	v1 =	vadd.f32 v3, v1;
	v3 =	vld [tilespmem:s21+$0x4020];
	v4 =	vsel vm2, $0x3F800000, v0  }
0x8d: {  	v57 =	vld [tilespmem:s21+$0xC020];
	v5 =	vnsel vm2, $0x0, v5;
	vm2 =	vlt.s32 v8, $0x3F333333;
	v4 =	vadd.f32 v4, v6  }
0x8e: {  	v59 =	vld [tilespmem:s21+$0x4030];
	v1 =	vadd.f32 v5, v1;
	v58 =	vsel vm2, $0x3F800000, v0  }
0x8f: {  	v8 =	vnsel vm2, $0x0, v10;
	vm2 =	vlt.s32 v2, $0x3F333333;
	v4 =	vadd.f32 v58, v4  }
0x90: {  	v2 =	vld [tilespmem:s21+$0xC030];
	v1 =	vadd.f32 v8, v1;
	v60 =	vsel vm2, $0x3F800000, v0  }
0x91: {  	v61 =	vnsel vm2, $0x0, v56;
	vm2 =	vlt.s32 v3, $0x3F333333;
	v4 =	vadd.f32 v60, v4  }
0x92: {  	v1 =	vadd.f32 v61, v1;
	v3 =	vsel vm2, $0x3F800000, v0  }
0x93: {  	v62 =	vnsel vm2, $0x0, v57;
	vm2 =	vlt.s32 v59, $0x3F333333;
	v3 =	vadd.f32 v3, v4  }
0x94: {  	v63 =	vsel vm2, $0x3F800000, v0;
	v1 =	vadd.f32 v62, v1  }
0x95: {  	v2 =	vnsel vm2, $0x0, v2;
	v3 =	vadd.f32 v63, v3  }
0x96: {  	v1 =	vadd.f32 v2, v1  }
0x97: {  	(xrf2) =	vadd.scan.msk.f32 $0xffff, v3  }
0x98: {  	(xrf2) =	vadd.scan.msk.f32 $0xffff, v1;
	_ =	sdelay $0x8  }
0x99: {  	v1, _, _ =	vpop (xrf2)  }
0x9a: {  	v2, _, _ =	vpop (xrf2)  }
0x9b: {  	v2 =	vbroadcast v2, $0xF  }
0x9c: {  	v1 =	vbroadcast v1, $0xF  }
0x9d: {  	s20 =	sadd.s32 $0x1, s20;
	v2 =	vnsel vm0, $0x0, v2  }
0x9e: {  	p0 =	sne.s32 s20, s12;
	v1 =	vsel vm1, v2, v1  }
.Ltmp4:
0x9f: {  	[tilespmem:$0x10000] =	vst v1;
	(pc) =	sbr.rel @p0 .LBB2_1-.Ltmp4, $4  }
0xa0: {  	[hbm4b:s11+s2] =	stream.linear.scatter [tilespmem:s18], [sflag:$0x3], $0x80, $0x38;
	[tilespmem:$0x10080] =	vst v63  }
0xa1: {  	_ =	swait.ge [sflag:s19], $0x80  }
0xa2: {  	[sflag:s19] =	ssyncset.done $0x0  }
0xa3: {  	[sflag:s19] =	ssyncadd.s32 $0xFFFFFF80  }
0xa4: {  	_ =	sfence.sel $0x180000  }
0xa5: {  	[bflag:$0x0] =	sbarrier.arrive $0xFFFF  }
0xa6: {  	p0 =	sne.s32 s1, $0x0;
	_ =	strace $0x90000053  }
0xa7: {  	s0 =	sadd.s32 @!p0 $0x100000, s0;
	[bflag:$0x2] =	sbarrier.arrive $0xFFFF  }
0xa8: {  	[sflag:s0] =	ssyncadd.tile.s32 @!p0 $0x1;
	_ =	shalt  }
.Lfunc_end2:
_tile_overlayer_lowered:
.L_overlay_start_2:
0xa9: {  	(tag) =	ssettag $0x2  }
0xaa: {  	s0 =	rddreg [dreg:$0x0];
	s2 =	stileid.u32  }
0xab: {  	s1 =	rddreg [dreg:$0x1];
	p0 =	sne.s32 s2, $0x0  }
0xac: {  	s3 =	rddreg [dreg:$0x2];
	[bflag:$0x3] =	sbarrier.arrive $0xFFFF;
	s2 =	simm.s32 @!p0 $0x1C03  }
0xad: {  	[timem:s3], [sflag:s2] =	dma.local @!p0 [hbm:s0], s1  }
0xae: {  	s0 =	simm.s32 @!p0 $0x3  }
0xaf: {  	_ =	swait.ge @!p0 [sflag:s0], s1  }
0xb0: {  	s1 =	ssub.s32 @!p0 $0x0, s1;
	[sflag:s0] =	ssyncset.done @!p0 $0x0  }
0xb1: {  	[sflag:s0] =	ssyncadd.s32 @!p0 s1  }
0xb2: {  	[bflag:$0x3] =	sbarrier.arrive $0xFFFF  }
0xb3: {  	_ =	shalt  }

</sc_bundles>
